<compile_context>
chip_gen: v7x
topology: tpu7x:2x2x1
jax: 0.10.2.dev20260603
libtpu: 0.0.44.dev20260713+nightly
codegen_flags: <defaults>
</compile_context>

<pallas_src>
import functools
import math

import jax
import jax.numpy as jnp
from jax import lax
from jax.experimental import pallas as pl
from jax.experimental.pallas import tpu as pltpu
from jax.experimental.pallas import tpu_sc as plsc

D_MODEL = 64
D_PAD = 128
SCALE = math.sqrt(D_MODEL)
LANES = 16
CHUNK = 128


@functools.cache
def _build(n_total: int, vocab: int):
    info = plsc.get_sparse_core_info()
    nw = info.num_cores * info.num_subcores
    assert n_total % (nw * CHUNK) == 0
    b_per_w = n_total // nw
    n_chunks = b_per_w // CHUNK
    assert n_chunks % 4 == 0 and n_chunks >= 8

    mesh = plsc.VectorSubcoreMesh(core_axis_name="c", subcore_axis_name="s")

    @functools.partial(
        pl.kernel,
        out_type=jax.ShapeDtypeStruct((n_total, D_MODEL), jnp.float32),
        mesh=mesh,
        scratch_types=[
            pltpu.VMEM((n_chunks, CHUNK), jnp.int32),
            pltpu.VMEM((CHUNK, D_PAD), jnp.float32),
            pltpu.VMEM((CHUNK, D_PAD), jnp.float32),
            pltpu.VMEM((CHUNK, D_PAD), jnp.float32),
            pltpu.VMEM((CHUNK, D_PAD), jnp.float32),
            pltpu.VMEM((CHUNK, D_MODEL), jnp.float32),
            pltpu.VMEM((CHUNK, D_MODEL), jnp.float32),
            pltpu.SemaphoreType.DMA, pltpu.SemaphoreType.DMA,
            pltpu.SemaphoreType.DMA, pltpu.SemaphoreType.DMA,
            pltpu.SemaphoreType.DMA, pltpu.SemaphoreType.DMA,
        ],
        compiler_params=pltpu.CompilerParams(use_tc_tiling_on_sc=True),
    )
    def emb_kernel(x_hbm, table_hbm, out_hbm, idx_v, g0, g1, g2, g3, s0, s1,
                   sem_g0, sem_g1, sem_g2, sem_g3, sem_s0, sem_s1):
        wid = lax.axis_index("s") * info.num_cores + lax.axis_index("c")
        base = wid * b_per_w
        gbuf = (g0, g1, g2, g3)
        sbuf = (s0, s1)
        gsem = (sem_g0, sem_g1, sem_g2, sem_g3)
        ssem = (sem_s0, sem_s1)

        pltpu.sync_copy(x_hbm.at[wid], idx_v)

        def start_gather(c, b):
            pltpu.async_copy(table_hbm.at[idx_v.at[c]], gbuf[b], gsem[b])

        def start_scatter(c, b):
            pltpu.async_copy(
                sbuf[b], out_hbm.at[pl.ds(base + c * CHUNK, CHUNK)], ssem[b])

        def wait_gather(b):
            pltpu.make_async_copy(table_hbm.at[idx_v.at[0]], gbuf[b],
                                  gsem[b]).wait()

        def wait_scatter(b):
            pltpu.make_async_copy(sbuf[b], out_hbm.at[pl.ds(base, CHUNK)],
                                  ssem[b]).wait()

        for b in range(4):
            start_gather(b, b)

        def quad_body(i, carry):
            cc = i * 4
            for b in range(4):
                c = cc + b
                sb = b % 2
                wait_gather(b)

                @pl.when(c >= 2)
                def _():
                    wait_scatter(sb)

                def scale_body(k, c2):
                    for rr in range(8):
                        r = k * 8 + rr
                        for p in range(D_MODEL // LANES):
                            sl = pl.ds(p * LANES, LANES)
                            sbuf[sb][r, sl] = gbuf[b][r, sl] * SCALE
                    return c2

                lax.fori_loop(0, CHUNK // 8, scale_body, 0)

                @pl.when(c + 4 < n_chunks)
                def _():
                    start_gather(c + 4, b)

                start_scatter(c, sb)
            return carry

        lax.fori_loop(0, n_chunks // 4, quad_body, 0)
        wait_scatter(0)
        wait_scatter(1)

    return emb_kernel


def kernel(x, table):
    b, l = x.shape
    xf = x.reshape(-1).astype(jnp.int32)
    n_total = xf.shape[0]
    info = plsc.get_sparse_core_info()
    nw = info.num_cores * info.num_subcores
    x3 = xf.reshape(nw, n_total // (nw * CHUNK), CHUNK)
    table_p = jnp.pad(table, ((0, 0), (0, D_PAD - D_MODEL)))
    out = _build(n_total, table.shape[0])(x3, table_p)
    return out.reshape(b, l, D_MODEL)

# --- scband reference (transcript-rebuilt; emitter-appended) ---
"""Pipeline reference for scband-embeddings-49907519979826 (READ-ONLY COPY).

The authoritative reference and input builder live on the scoring server;
editing this copy changes nothing except your own understanding.
"""

import jax, jax.numpy as jnp
import numpy as np
import math

VOCAB = 1000000
D_MODEL = 64
B = 4096
L = 200

def setup_inputs(seed: int = 0) -> dict:
    key = jax.random.key(seed)
    k1, k2 = jax.random.split(key)
    x = jax.random.randint(k1, (B, L), 0, VOCAB, dtype=jnp.int64 if jax.config.jax_enable_x64 else jnp.int32)
    # embedding table parameter, initialized like nn.Embedding (N(0,1))
    table = jax.random.normal(k2, (VOCAB, D_MODEL), dtype=jnp.float32)
    return {"x": x, "table": table}

def reference(x, table):
    scale_factor = math.sqrt(D_MODEL)
    # embedding lookup -> gather rows, then scale
    out = jnp.take(table, x, axis=0) * scale_factor
    return out

if __name__ == "__main__":
    import jax
    _d = setup_inputs()
    print(jax.jit(kernel)(*tuple(_d.values())))

</pallas_src>

<mosaic_0001>
#map = affine_map<(d0, d1) -> (0, 0, 0)>
#map1 = affine_map<(d0, d1) -> (0, 0)>
module attributes {stable_mosaic.version = 14 : i64} {
  func.func @emb_kernel(%arg0: i32, %arg1: i32, %arg2: memref<32x200x128xi32, #tpu.memory_space<hbm>>, %arg3: memref<1000000x128xf32, #tpu.memory_space<hbm>>, %arg4: memref<819200x64xf32, #tpu.memory_space<hbm>>, %arg5: memref<200x128xi32, #tpu.memory_space<vmem>>, %arg6: memref<128x128xf32, #tpu.memory_space<vmem>>, %arg7: memref<128x128xf32, #tpu.memory_space<vmem>>, %arg8: memref<128x128xf32, #tpu.memory_space<vmem>>, %arg9: memref<128x128xf32, #tpu.memory_space<vmem>>, %arg10: memref<128x64xf32, #tpu.memory_space<vmem>>, %arg11: memref<128x64xf32, #tpu.memory_space<vmem>>, %arg12: memref<!tpu.dma_semaphore, #tpu.memory_space<semaphore_mem>>, %arg13: memref<!tpu.dma_semaphore, #tpu.memory_space<semaphore_mem>>, %arg14: memref<!tpu.dma_semaphore, #tpu.memory_space<semaphore_mem>>, %arg15: memref<!tpu.dma_semaphore, #tpu.memory_space<semaphore_mem>>, %arg16: memref<!tpu.dma_semaphore, #tpu.memory_space<semaphore_mem>>, %arg17: memref<!tpu.dma_semaphore, #tpu.memory_space<semaphore_mem>>) attributes {dimension_semantics = [#tpu.dimension_semantics<core_parallel>, #tpu.dimension_semantics<subcore_parallel>], iteration_bounds = array<i64: 2, 16>, scalar_prefetch = 0 : i64, scratch_operands = 13 : i64, tpu.core_type = #tpu.core_type<sc_vector_subcore>, window_params = [{transform_indices = #map}, {transform_indices = #map1}, {transform_indices = #map1}]} {
    %mul3A = arith.constant 2 : i32
    %mul3A_0 = arith.muli %arg1, %mul3A : i32
    %add3A = arith.addi %mul3A_0, %arg0 : i32
    %mul3A_1 = arith.constant 25600 : i32
    %mul3A_2 = arith.muli %add3A, %mul3A_1 : i32
    "tpu.region"() ({
      %run_scoped3A = tpu.sem_alloc : memref<!tpu.dma_semaphore, #tpu.memory_space<semaphore_mem>>
      %dma_start3A_42 = arith.constant 0 : i32
      %dma_start3A_43 = arith.constant 0 : i32
      %dma_start3A_44 = tpu.memref_slice %arg2[%add3A, %dma_start3A_42, %dma_start3A_43] : memref<32x200x128xi32, #tpu.memory_space<hbm>> -> memref<1x200x128xi32, #tpu.memory_space<hbm>>
      %dma_start3A_45 = tpu.memref_squeeze %dma_start3A_44 : memref<1x200x128xi32, #tpu.memory_space<hbm>> -> memref<200x128xi32, #tpu.memory_space<hbm>>
      %dma_start3A_46 = arith.constant 0 : i32
      %dma_start3A_47 = arith.constant 0 : i32
      %dma_start3A_48 = tpu.memref_slice %arg2[%add3A, %dma_start3A_46, %dma_start3A_47] : memref<32x200x128xi32, #tpu.memory_space<hbm>> -> memref<1x200x128xi32, #tpu.memory_space<hbm>>
      %dma_start3A_49 = tpu.memref_squeeze %dma_start3A_48 : memref<1x200x128xi32, #tpu.memory_space<hbm>> -> memref<200x128xi32, #tpu.memory_space<hbm>>
      tpu.enqueue_dma source(%dma_start3A_49 : memref<200x128xi32, #tpu.memory_space<hbm>>) target(%arg5 : memref<200x128xi32, #tpu.memory_space<vmem>>) target_semaphore(%run_scoped3A : memref<!tpu.dma_semaphore, #tpu.memory_space<semaphore_mem>>)
      %dma_wait3A_50 = arith.constant 0 : i32
      %dma_wait3A_51 = arith.constant 0 : i32
      %dma_wait3A_52 = tpu.memref_slice %arg2[%add3A, %dma_wait3A_50, %dma_wait3A_51] : memref<32x200x128xi32, #tpu.memory_space<hbm>> -> memref<1x200x128xi32, #tpu.memory_space<hbm>>
      %dma_wait3A_53 = tpu.memref_squeeze %dma_wait3A_52 : memref<1x200x128xi32, #tpu.memory_space<hbm>> -> memref<200x128xi32, #tpu.memory_space<hbm>>
      %dma_wait3A_54 = arith.constant 0 : i32
      %dma_wait3A_55 = arith.constant 0 : i32
      %dma_wait3A_56 = tpu.memref_slice %arg2[%add3A, %dma_wait3A_54, %dma_wait3A_55] : memref<32x200x128xi32, #tpu.memory_space<hbm>> -> memref<1x200x128xi32, #tpu.memory_space<hbm>>
      %dma_wait3A_57 = tpu.memref_squeeze %dma_wait3A_56 : memref<1x200x128xi32, #tpu.memory_space<hbm>> -> memref<200x128xi32, #tpu.memory_space<hbm>>
      tpu.wait_dma2 semaphore(%run_scoped3A : memref<!tpu.dma_semaphore, #tpu.memory_space<semaphore_mem>>) src(%dma_wait3A_57 : memref<200x128xi32, #tpu.memory_space<hbm>>) dst(%arg5 : memref<200x128xi32, #tpu.memory_space<vmem>>)
      tpu.yield
    }) : () -> ()
    %dma_start3A = arith.constant 0 : i32
    %dma_start3A_3 = arith.constant 0 : i32
    %dma_start3A_4 = tpu.memref_slice %arg5[%dma_start3A, %dma_start3A_3] : memref<200x128xi32, #tpu.memory_space<vmem>> -> memref<1x128xi32, #tpu.memory_space<vmem>>
    %dma_start3A_5 = tpu.memref_squeeze %dma_start3A_4 : memref<1x128xi32, #tpu.memory_space<vmem>> -> memref<128xi32, #tpu.memory_space<vmem>>
    %dma_start3A_6 = arith.constant 0 : i32
    %dma_start3A_7 = arith.constant 0 : i32
    %dma_start3A_8 = tpu.memref_slice %arg3[%dma_start3A_6, %dma_start3A_7] : memref<1000000x128xf32, #tpu.memory_space<hbm>> -> memref<1000000x128xf32, #tpu.memory_space<hbm>>
    tpu.enqueue_indirect_dma source(%dma_start3A_8 : memref<1000000x128xf32, #tpu.memory_space<hbm>>) target(%arg6 : memref<128x128xf32, #tpu.memory_space<vmem>>) offsets(%dma_start3A_5 : memref<128xi32, #tpu.memory_space<vmem>>) semaphore(%arg12 : memref<!tpu.dma_semaphore, #tpu.memory_space<semaphore_mem>>)
    %dma_start3A_9 = arith.constant 1 : i32
    %dma_start3A_10 = arith.constant 0 : i32
    %dma_start3A_11 = tpu.memref_slice %arg5[%dma_start3A_9, %dma_start3A_10] : memref<200x128xi32, #tpu.memory_space<vmem>> -> memref<1x128xi32, #tpu.memory_space<vmem>>
    %dma_start3A_12 = tpu.memref_squeeze %dma_start3A_11 : memref<1x128xi32, #tpu.memory_space<vmem>> -> memref<128xi32, #tpu.memory_space<vmem>>
    %dma_start3A_13 = arith.constant 0 : i32
    %dma_start3A_14 = arith.constant 0 : i32
    %dma_start3A_15 = tpu.memref_slice %arg3[%dma_start3A_13, %dma_start3A_14] : memref<1000000x128xf32, #tpu.memory_space<hbm>> -> memref<1000000x128xf32, #tpu.memory_space<hbm>>
    tpu.enqueue_indirect_dma source(%dma_start3A_15 : memref<1000000x128xf32, #tpu.memory_space<hbm>>) target(%arg7 : memref<128x128xf32, #tpu.memory_space<vmem>>) offsets(%dma_start3A_12 : memref<128xi32, #tpu.memory_space<vmem>>) semaphore(%arg13 : memref<!tpu.dma_semaphore, #tpu.memory_space<semaphore_mem>>)
    %dma_start3A_16 = arith.constant 2 : i32
    %dma_start3A_17 = arith.constant 0 : i32
    %dma_start3A_18 = tpu.memref_slice %arg5[%dma_start3A_16, %dma_start3A_17] : memref<200x128xi32, #tpu.memory_space<vmem>> -> memref<1x128xi32, #tpu.memory_space<vmem>>
    %dma_start3A_19 = tpu.memref_squeeze %dma_start3A_18 : memref<1x128xi32, #tpu.memory_space<vmem>> -> memref<128xi32, #tpu.memory_space<vmem>>
    %dma_start3A_20 = arith.constant 0 : i32
    %dma_start3A_21 = arith.constant 0 : i32
    %dma_start3A_22 = tpu.memref_slice %arg3[%dma_start3A_20, %dma_start3A_21] : memref<1000000x128xf32, #tpu.memory_space<hbm>> -> memref<1000000x128xf32, #tpu.memory_space<hbm>>
    tpu.enqueue_indirect_dma source(%dma_start3A_22 : memref<1000000x128xf32, #tpu.memory_space<hbm>>) target(%arg8 : memref<128x128xf32, #tpu.memory_space<vmem>>) offsets(%dma_start3A_19 : memref<128xi32, #tpu.memory_space<vmem>>) semaphore(%arg14 : memref<!tpu.dma_semaphore, #tpu.memory_space<semaphore_mem>>)
    %dma_start3A_23 = arith.constant 3 : i32
    %dma_start3A_24 = arith.constant 0 : i32
    %dma_start3A_25 = tpu.memref_slice %arg5[%dma_start3A_23, %dma_start3A_24] : memref<200x128xi32, #tpu.memory_space<vmem>> -> memref<1x128xi32, #tpu.memory_space<vmem>>
    %dma_start3A_26 = tpu.memref_squeeze %dma_start3A_25 : memref<1x128xi32, #tpu.memory_space<vmem>> -> memref<128xi32, #tpu.memory_space<vmem>>
    %dma_start3A_27 = arith.constant 0 : i32
    %dma_start3A_28 = arith.constant 0 : i32
    %dma_start3A_29 = tpu.memref_slice %arg3[%dma_start3A_27, %dma_start3A_28] : memref<1000000x128xf32, #tpu.memory_space<hbm>> -> memref<1000000x128xf32, #tpu.memory_space<hbm>>
    tpu.enqueue_indirect_dma source(%dma_start3A_29 : memref<1000000x128xf32, #tpu.memory_space<hbm>>) target(%arg9 : memref<128x128xf32, #tpu.memory_space<vmem>>) offsets(%dma_start3A_26 : memref<128xi32, #tpu.memory_space<vmem>>) semaphore(%arg15 : memref<!tpu.dma_semaphore, #tpu.memory_space<semaphore_mem>>)
    %scan3A = arith.constant 0 : i32
    %scan3A_30 = arith.constant 0 : i32
    %scan3A_31 = arith.constant 50 : i32
    %scan3A_32 = arith.addi %scan3A_30, %scan3A_31 : i32
    %scan3A_33 = arith.constant 1 : i32
    scf.for %scan3A_42 = %scan3A_30 to %scan3A_32 step %scan3A_33  : i32 {
      %mul3A_43 = arith.constant 4 : i32
      %mul3A_44 = arith.muli %scan3A_42, %mul3A_43 : i32
      %add3A_45 = arith.constant 0 : i32
      %add3A_46 = arith.addi %mul3A_44, %add3A_45 : i32
      %dma_wait3A_47 = arith.constant 0 : i32
      %dma_wait3A_48 = arith.constant 0 : i32
      %dma_wait3A_49 = tpu.memref_slice %arg5[%dma_wait3A_47, %dma_wait3A_48] : memref<200x128xi32, #tpu.memory_space<vmem>> -> memref<1x128xi32, #tpu.memory_space<vmem>>
      %dma_wait3A_50 = tpu.memref_squeeze %dma_wait3A_49 : memref<1x128xi32, #tpu.memory_space<vmem>> -> memref<128xi32, #tpu.memory_space<vmem>>
      %dma_wait3A_51 = arith.constant 0 : i32
      %dma_wait3A_52 = arith.constant 0 : i32
      %dma_wait3A_53 = tpu.memref_slice %arg3[%dma_wait3A_51, %dma_wait3A_52] : memref<1000000x128xf32, #tpu.memory_space<hbm>> -> memref<1000000x128xf32, #tpu.memory_space<hbm>>
      tpu.wait_indirect_dma semaphore(%arg12 : memref<!tpu.dma_semaphore, #tpu.memory_space<semaphore_mem>>) src(%dma_wait3A_53 : memref<1000000x128xf32, #tpu.memory_space<hbm>>) dst(%arg6 : memref<128x128xf32, #tpu.memory_space<vmem>>)
      %ge3A = arith.constant 2 : i32
      %ge3A_54 = arith.cmpi sge, %add3A_46, %ge3A : i32
      %convert_element_type3A = arith.extui %ge3A_54 : i1 to i32
      %cond3A = arith.constant 0 : i32
      %cond3A_55 = arith.cmpi ne, %convert_element_type3A, %cond3A : i32
      scf.if %cond3A_55 {
        %dma_wait3A_177 = arith.constant 0 : i32
        %dma_wait3A_178 = tpu.memref_slice %arg4[%mul3A_2, %dma_wait3A_177] : memref<819200x64xf32, #tpu.memory_space<hbm>> -> memref<128x64xf32, #tpu.memory_space<hbm>>
        %dma_wait3A_179 = arith.constant 0 : i32
        %dma_wait3A_180 = tpu.memref_slice %arg4[%mul3A_2, %dma_wait3A_179] : memref<819200x64xf32, #tpu.memory_space<hbm>> -> memref<128x64xf32, #tpu.memory_space<hbm>>
        tpu.wait_dma2 semaphore(%arg16 : memref<!tpu.dma_semaphore, #tpu.memory_space<semaphore_mem>>) src(%arg10 : memref<128x64xf32, #tpu.memory_space<vmem>>) dst(%dma_wait3A_180 : memref<128x64xf32, #tpu.memory_space<hbm>>)
      } else {
      }
      %scan3A_56 = arith.constant 0 : i32
      %scan3A_57 = arith.constant 0 : i32
      %scan3A_58 = arith.constant 16 : i32
      %scan3A_59 = arith.addi %scan3A_57, %scan3A_58 : i32
      %scan3A_60 = arith.constant 1 : i32
      scf.for %scan3A_177 = %scan3A_57 to %scan3A_59 step %scan3A_60  : i32 {
        %mul3A_178 = arith.constant 8 : i32
        %mul3A_179 = arith.muli %scan3A_177, %mul3A_178 : i32
        %add3A_180 = arith.constant 0 : i32
        %add3A_181 = arith.addi %mul3A_179, %add3A_180 : i32
        %get3A = arith.index_cast %add3A_181 : i32 to index
        %get3A_182 = arith.constant 0 : index
        %get3A_183 = tpu.vector_load %arg6[%get3A, %get3A_182] {strides = array<i32>} : memref<128x128xf32, #tpu.memory_space<vmem>>, vector<1x16xf32>,
        %get3A_184 = vector.shape_cast %get3A_183 : vector<1x16xf32> to vector<16xf32>
        %mul3A_185 = arith.constant 8.000000e+00 : f32
        %mul3A_186 = vector.broadcast %mul3A_185 : f32 to vector<16xf32>
        %mul3A_187 = arith.mulf %get3A_184, %mul3A_186 : vector<16xf32>
        %swap3A = arith.index_cast %add3A_181 : i32 to index
        %swap3A_188 = arith.constant 0 : index
        %swap3A_189 = tpu.vector_load %arg10[%swap3A, %swap3A_188] {strides = array<i32>} : memref<128x64xf32, #tpu.memory_space<vmem>>, vector<1x16xf32>,
        %swap3A_190 = vector.shape_cast %swap3A_189 : vector<1x16xf32> to vector<16xf32>
        %swap3A_191 = vector.shape_cast %mul3A_187 : vector<16xf32> to vector<1x16xf32>
        tpu.vector_store %arg10[%swap3A, %swap3A_188], %swap3A_191 {strides = array<i32>} : memref<128x64xf32, #tpu.memory_space<vmem>>, vector<1x16xf32>,
        %get3A_192 = arith.index_cast %add3A_181 : i32 to index
        %get3A_193 = arith.constant 16 : index
        %get3A_194 = tpu.vector_load %arg6[%get3A_192, %get3A_193] {strides = array<i32>} : memref<128x128xf32, #tpu.memory_space<vmem>>, vector<1x16xf32>,
        %get3A_195 = vector.shape_cast %get3A_194 : vector<1x16xf32> to vector<16xf32>
        %mul3A_196 = arith.constant 8.000000e+00 : f32
        %mul3A_197 = vector.broadcast %mul3A_196 : f32 to vector<16xf32>
        %mul3A_198 = arith.mulf %get3A_195, %mul3A_197 : vector<16xf32>
        %swap3A_199 = arith.index_cast %add3A_181 : i32 to index
        %swap3A_200 = arith.constant 16 : index
        %swap3A_201 = tpu.vector_load %arg10[%swap3A_199, %swap3A_200] {strides = array<i32>} : memref<128x64xf32, #tpu.memory_space<vmem>>, vector<1x16xf32>,
        %swap3A_202 = vector.shape_cast %swap3A_201 : vector<1x16xf32> to vector<16xf32>
        %swap3A_203 = vector.shape_cast %mul3A_198 : vector<16xf32> to vector<1x16xf32>
        tpu.vector_store %arg10[%swap3A_199, %swap3A_200], %swap3A_203 {strides = array<i32>} : memref<128x64xf32, #tpu.memory_space<vmem>>, vector<1x16xf32>,
        %get3A_204 = arith.index_cast %add3A_181 : i32 to index
        %get3A_205 = arith.constant 32 : index
        %get3A_206 = tpu.vector_load %arg6[%get3A_204, %get3A_205] {strides = array<i32>} : memref<128x128xf32, #tpu.memory_space<vmem>>, vector<1x16xf32>,
        %get3A_207 = vector.shape_cast %get3A_206 : vector<1x16xf32> to vector<16xf32>
        %mul3A_208 = arith.constant 8.000000e+00 : f32
        %mul3A_209 = vector.broadcast %mul3A_208 : f32 to vector<16xf32>
        %mul3A_210 = arith.mulf %get3A_207, %mul3A_209 : vector<16xf32>
        %swap3A_211 = arith.index_cast %add3A_181 : i32 to index
        %swap3A_212 = arith.constant 32 : index
        %swap3A_213 = tpu.vector_load %arg10[%swap3A_211, %swap3A_212] {strides = array<i32>} : memref<128x64xf32, #tpu.memory_space<vmem>>, vector<1x16xf32>,
        %swap3A_214 = vector.shape_cast %swap3A_213 : vector<1x16xf32> to vector<16xf32>
        %swap3A_215 = vector.shape_cast %mul3A_210 : vector<16xf32> to vector<1x16xf32>
        tpu.vector_store %arg10[%swap3A_211, %swap3A_212], %swap3A_215 {strides = array<i32>} : memref<128x64xf32, #tpu.memory_space<vmem>>, vector<1x16xf32>,
        %get3A_216 = arith.index_cast %add3A_181 : i32 to index
        %get3A_217 = arith.constant 48 : index
        %get3A_218 = tpu.vector_load %arg6[%get3A_216, %get3A_217] {strides = array<i32>} : memref<128x128xf32, #tpu.memory_space<vmem>>, vector<1x16xf32>,
        %get3A_219 = vector.shape_cast %get3A_218 : vector<1x16xf32> to vector<16xf32>
        %mul3A_220 = arith.constant 8.000000e+00 : f32
        %mul3A_221 = vector.broadcast %mul3A_220 : f32 to vector<16xf32>
        %mul3A_222 = arith.mulf %get3A_219, %mul3A_221 : vector<16xf32>
        %swap3A_223 = arith.index_cast %add3A_181 : i32 to index
        %swap3A_224 = arith.constant 48 : index
        %swap3A_225 = tpu.vector_load %arg10[%swap3A_223, %swap3A_224] {strides = array<i32>} : memref<128x64xf32, #tpu.memory_space<vmem>>, vector<1x16xf32>,
        %swap3A_226 = vector.shape_cast %swap3A_225 : vector<1x16xf32> to vector<16xf32>
        %swap3A_227 = vector.shape_cast %mul3A_222 : vector<16xf32> to vector<1x16xf32>
        tpu.vector_store %arg10[%swap3A_223, %swap3A_224], %swap3A_227 {strides = array<i32>} : memref<128x64xf32, #tpu.memory_space<vmem>>, vector<1x16xf32>,
        %mul3A_228 = arith.constant 8 : i32
        %mul3A_229 = arith.muli %scan3A_177, %mul3A_228 : i32
        %add3A_230 = arith.constant 1 : i32
        %add3A_231 = arith.addi %mul3A_229, %add3A_230 : i32
        %get3A_232 = arith.index_cast %add3A_231 : i32 to index
        %get3A_233 = arith.constant 0 : index
        %get3A_234 = tpu.vector_load %arg6[%get3A_232, %get3A_233] {strides = array<i32>} : memref<128x128xf32, #tpu.memory_space<vmem>>, vector<1x16xf32>,
        %get3A_235 = vector.shape_cast %get3A_234 : vector<1x16xf32> to vector<16xf32>
        %mul3A_236 = arith.constant 8.000000e+00 : f32
        %mul3A_237 = vector.broadcast %mul3A_236 : f32 to vector<16xf32>
        %mul3A_238 = arith.mulf %get3A_235, %mul3A_237 : vector<16xf32>
        %swap3A_239 = arith.index_cast %add3A_231 : i32 to index
        %swap3A_240 = arith.constant 0 : index
        %swap3A_241 = tpu.vector_load %arg10[%swap3A_239, %swap3A_240] {strides = array<i32>} : memref<128x64xf32, #tpu.memory_space<vmem>>, vector<1x16xf32>,
        %swap3A_242 = vector.shape_cast %swap3A_241 : vector<1x16xf32> to vector<16xf32>
        %swap3A_243 = vector.shape_cast %mul3A_238 : vector<16xf32> to vector<1x16xf32>
        tpu.vector_store %arg10[%swap3A_239, %swap3A_240], %swap3A_243 {strides = array<i32>} : memref<128x64xf32, #tpu.memory_space<vmem>>, vector<1x16xf32>,
        %get3A_244 = arith.index_cast %add3A_231 : i32 to index
        %get3A_245 = arith.constant 16 : index
        %get3A_246 = tpu.vector_load %arg6[%get3A_244, %get3A_245] {strides = array<i32>} : memref<128x128xf32, #tpu.memory_space<vmem>>, vector<1x16xf32>,
        %get3A_247 = vector.shape_cast %get3A_246 : vector<1x16xf32> to vector<16xf32>
        %mul3A_248 = arith.constant 8.000000e+00 : f32
        %mul3A_249 = vector.broadcast %mul3A_248 : f32 to vector<16xf32>
        %mul3A_250 = arith.mulf %get3A_247, %mul3A_249 : vector<16xf32>
        %swap3A_251 = arith.index_cast %add3A_231 : i32 to index
        %swap3A_252 = arith.constant 16 : index
        %swap3A_253 = tpu.vector_load %arg10[%swap3A_251, %swap3A_252] {strides = array<i32>} : memref<128x64xf32, #tpu.memory_space<vmem>>, vector<1x16xf32>,
        %swap3A_254 = vector.shape_cast %swap3A_253 : vector<1x16xf32> to vector<16xf32>
        %swap3A_255 = vector.shape_cast %mul3A_250 : vector<16xf32> to vector<1x16xf32>
        tpu.vector_store %arg10[%swap3A_251, %swap3A_252], %swap3A_255 {strides = array<i32>} : memref<128x64xf32, #tpu.memory_space<vmem>>, vector<1x16xf32>,
        %get3A_256 = arith.index_cast %add3A_231 : i32 to index
        %get3A_257 = arith.constant 32 : index
        %get3A_258 = tpu.vector_load %arg6[%get3A_256, %get3A_257] {strides = array<i32>} : memref<128x128xf32, #tpu.memory_space<vmem>>, vector<1x16xf32>,
        %get3A_259 = vector.shape_cast %get3A_258 : vector<1x16xf32> to vector<16xf32>
        %mul3A_260 = arith.constant 8.000000e+00 : f32
        %mul3A_261 = vector.broadcast %mul3A_260 : f32 to vector<16xf32>
        %mul3A_262 = arith.mulf %get3A_259, %mul3A_261 : vector<16xf32>
        %swap3A_263 = arith.index_cast %add3A_231 : i32 to index
        %swap3A_264 = arith.constant 32 : index
        %swap3A_265 = tpu.vector_load %arg10[%swap3A_263, %swap3A_264] {strides = array<i32>} : memref<128x64xf32, #tpu.memory_space<vmem>>, vector<1x16xf32>,
        %swap3A_266 = vector.shape_cast %swap3A_265 : vector<1x16xf32> to vector<16xf32>
        %swap3A_267 = vector.shape_cast %mul3A_262 : vector<16xf32> to vector<1x16xf32>
        tpu.vector_store %arg10[%swap3A_263, %swap3A_264], %swap3A_267 {strides = array<i32>} : memref<128x64xf32, #tpu.memory_space<vmem>>, vector<1x16xf32>,
        %get3A_268 = arith.index_cast %add3A_231 : i32 to index
        %get3A_269 = arith.constant 48 : index
        %get3A_270 = tpu.vector_load %arg6[%get3A_268, %get3A_269] {strides = array<i32>} : memref<128x128xf32, #tpu.memory_space<vmem>>, vector<1x16xf32>,
        %get3A_271 = vector.shape_cast %get3A_270 : vector<1x16xf32> to vector<16xf32>
        %mul3A_272 = arith.constant 8.000000e+00 : f32
        %mul3A_273 = vector.broadcast %mul3A_272 : f32 to vector<16xf32>
        %mul3A_274 = arith.mulf %get3A_271, %mul3A_273 : vector<16xf32>
        %swap3A_275 = arith.index_cast %add3A_231 : i32 to index
        %swap3A_276 = arith.constant 48 : index
        %swap3A_277 = tpu.vector_load %arg10[%swap3A_275, %swap3A_276] {strides = array<i32>} : memref<128x64xf32, #tpu.memory_space<vmem>>, vector<1x16xf32>,
        %swap3A_278 = vector.shape_cast %swap3A_277 : vector<1x16xf32> to vector<16xf32>
        %swap3A_279 = vector.shape_cast %mul3A_274 : vector<16xf32> to vector<1x16xf32>
        tpu.vector_store %arg10[%swap3A_275, %swap3A_276], %swap3A_279 {strides = array<i32>} : memref<128x64xf32, #tpu.memory_space<vmem>>, vector<1x16xf32>,
        %mul3A_280 = arith.constant 8 : i32
        %mul3A_281 = arith.muli %scan3A_177, %mul3A_280 : i32
        %add3A_282 = arith.constant 2 : i32
        %add3A_283 = arith.addi %mul3A_281, %add3A_282 : i32
        %get3A_284 = arith.index_cast %add3A_283 : i32 to index
        %get3A_285 = arith.constant 0 : index
        %get3A_286 = tpu.vector_load %arg6[%get3A_284, %get3A_285] {strides = array<i32>} : memref<128x128xf32, #tpu.memory_space<vmem>>, vector<1x16xf32>,
        %get3A_287 = vector.shape_cast %get3A_286 : vector<1x16xf32> to vector<16xf32>
        %mul3A_288 = arith.constant 8.000000e+00 : f32
        %mul3A_289 = vector.broadcast %mul3A_288 : f32 to vector<16xf32>
        %mul3A_290 = arith.mulf %get3A_287, %mul3A_289 : vector<16xf32>
        %swap3A_291 = arith.index_cast %add3A_283 : i32 to index
        %swap3A_292 = arith.constant 0 : index
        %swap3A_293 = tpu.vector_load %arg10[%swap3A_291, %swap3A_292] {strides = array<i32>} : memref<128x64xf32, #tpu.memory_space<vmem>>, vector<1x16xf32>,
        %swap3A_294 = vector.shape_cast %swap3A_293 : vector<1x16xf32> to vector<16xf32>
        %swap3A_295 = vector.shape_cast %mul3A_290 : vector<16xf32> to vector<1x16xf32>
        tpu.vector_store %arg10[%swap3A_291, %swap3A_292], %swap3A_295 {strides = array<i32>} : memref<128x64xf32, #tpu.memory_space<vmem>>, vector<1x16xf32>,
        %get3A_296 = arith.index_cast %add3A_283 : i32 to index
        %get3A_297 = arith.constant 16 : index
        %get3A_298 = tpu.vector_load %arg6[%get3A_296, %get3A_297] {strides = array<i32>} : memref<128x128xf32, #tpu.memory_space<vmem>>, vector<1x16xf32>,
        %get3A_299 = vector.shape_cast %get3A_298 : vector<1x16xf32> to vector<16xf32>
        %mul3A_300 = arith.constant 8.000000e+00 : f32
        %mul3A_301 = vector.broadcast %mul3A_300 : f32 to vector<16xf32>
        %mul3A_302 = arith.mulf %get3A_299, %mul3A_301 : vector<16xf32>
        %swap3A_303 = arith.index_cast %add3A_283 : i32 to index
        %swap3A_304 = arith.constant 16 : index
        %swap3A_305 = tpu.vector_load %arg10[%swap3A_303, %swap3A_304] {strides = array<i32>} : memref<128x64xf32, #tpu.memory_space<vmem>>, vector<1x16xf32>,
        %swap3A_306 = vector.shape_cast %swap3A_305 : vector<1x16xf32> to vector<16xf32>
        %swap3A_307 = vector.shape_cast %mul3A_302 : vector<16xf32> to vector<1x16xf32>
        tpu.vector_store %arg10[%swap3A_303, %swap3A_304], %swap3A_307 {strides = array<i32>} : memref<128x64xf32, #tpu.memory_space<vmem>>, vector<1x16xf32>,
        %get3A_308 = arith.index_cast %add3A_283 : i32 to index
        %get3A_309 = arith.constant 32 : index
        %get3A_310 = tpu.vector_load %arg6[%get3A_308, %get3A_309] {strides = array<i32>} : memref<128x128xf32, #tpu.memory_space<vmem>>, vector<1x16xf32>,
        %get3A_311 = vector.shape_cast %get3A_310 : vector<1x16xf32> to vector<16xf32>
        %mul3A_312 = arith.constant 8.000000e+00 : f32
        %mul3A_313 = vector.broadcast %mul3A_312 : f32 to vector<16xf32>
        %mul3A_314 = arith.mulf %get3A_311, %mul3A_313 : vector<16xf32>
        %swap3A_315 = arith.index_cast %add3A_283 : i32 to index
        %swap3A_316 = arith.constant 32 : index
        %swap3A_317 = tpu.vector_load %arg10[%swap3A_315, %swap3A_316] {strides = array<i32>} : memref<128x64xf32, #tpu.memory_space<vmem>>, vector<1x16xf32>,
        %swap3A_318 = vector.shape_cast %swap3A_317 : vector<1x16xf32> to vector<16xf32>
        %swap3A_319 = vector.shape_cast %mul3A_314 : vector<16xf32> to vector<1x16xf32>
        tpu.vector_store %arg10[%swap3A_315, %swap3A_316], %swap3A_319 {strides = array<i32>} : memref<128x64xf32, #tpu.memory_space<vmem>>, vector<1x16xf32>,
        %get3A_320 = arith.index_cast %add3A_283 : i32 to index
        %get3A_321 = arith.constant 48 : index
        %get3A_322 = tpu.vector_load %arg6[%get3A_320, %get3A_321] {strides = array<i32>} : memref<128x128xf32, #tpu.memory_space<vmem>>, vector<1x16xf32>,
        %get3A_323 = vector.shape_cast %get3A_322 : vector<1x16xf32> to vector<16xf32>
        %mul3A_324 = arith.constant 8.000000e+00 : f32
        %mul3A_325 = vector.broadcast %mul3A_324 : f32 to vector<16xf32>
        %mul3A_326 = arith.mulf %get3A_323, %mul3A_325 : vector<16xf32>
        %swap3A_327 = arith.index_cast %add3A_283 : i32 to index
        %swap3A_328 = arith.constant 48 : index
        %swap3A_329 = tpu.vector_load %arg10[%swap3A_327, %swap3A_328] {strides = array<i32>} : memref<128x64xf32, #tpu.memory_space<vmem>>, vector<1x16xf32>,
        %swap3A_330 = vector.shape_cast %swap3A_329 : vector<1x16xf32> to vector<16xf32>
        %swap3A_331 = vector.shape_cast %mul3A_326 : vector<16xf32> to vector<1x16xf32>
        tpu.vector_store %arg10[%swap3A_327, %swap3A_328], %swap3A_331 {strides = array<i32>} : memref<128x64xf32, #tpu.memory_space<vmem>>, vector<1x16xf32>,
        %mul3A_332 = arith.constant 8 : i32
        %mul3A_333 = arith.muli %scan3A_177, %mul3A_332 : i32
        %add3A_334 = arith.constant 3 : i32
        %add3A_335 = arith.addi %mul3A_333, %add3A_334 : i32
        %get3A_336 = arith.index_cast %add3A_335 : i32 to index
        %get3A_337 = arith.constant 0 : index
        %get3A_338 = tpu.vector_load %arg6[%get3A_336, %get3A_337] {strides = array<i32>} : memref<128x128xf32, #tpu.memory_space<vmem>>, vector<1x16xf32>,
        %get3A_339 = vector.shape_cast %get3A_338 : vector<1x16xf32> to vector<16xf32>
        %mul3A_340 = arith.constant 8.000000e+00 : f32
        %mul3A_341 = vector.broadcast %mul3A_340 : f32 to vector<16xf32>
        %mul3A_342 = arith.mulf %get3A_339, %mul3A_341 : vector<16xf32>
        %swap3A_343 = arith.index_cast %add3A_335 : i32 to index
        %swap3A_344 = arith.constant 0 : index
        %swap3A_345 = tpu.vector_load %arg10[%swap3A_343, %swap3A_344] {strides = array<i32>} : memref<128x64xf32, #tpu.memory_space<vmem>>, vector<1x16xf32>,
        %swap3A_346 = vector.shape_cast %swap3A_345 : vector<1x16xf32> to vector<16xf32>
        %swap3A_347 = vector.shape_cast %mul3A_342 : vector<16xf32> to vector<1x16xf32>
        tpu.vector_store %arg10[%swap3A_343, %swap3A_344], %swap3A_347 {strides = array<i32>} : memref<128x64xf32, #tpu.memory_space<vmem>>, vector<1x16xf32>,
        %get3A_348 = arith.index_cast %add3A_335 : i32 to index
        %get3A_349 = arith.constant 16 : index
        %get3A_350 = tpu.vector_load %arg6[%get3A_348, %get3A_349] {strides = array<i32>} : memref<128x128xf32, #tpu.memory_space<vmem>>, vector<1x16xf32>,
        %get3A_351 = vector.shape_cast %get3A_350 : vector<1x16xf32> to vector<16xf32>
        %mul3A_352 = arith.constant 8.000000e+00 : f32
        %mul3A_353 = vector.broadcast %mul3A_352 : f32 to vector<16xf32>
        %mul3A_354 = arith.mulf %get3A_351, %mul3A_353 : vector<16xf32>
        %swap3A_355 = arith.index_cast %add3A_335 : i32 to index
        %swap3A_356 = arith.constant 16 : index
        %swap3A_357 = tpu.vector_load %arg10[%swap3A_355, %swap3A_356] {strides = array<i32>} : memref<128x64xf32, #tpu.memory_space<vmem>>, vector<1x16xf32>,
        %swap3A_358 = vector.shape_cast %swap3A_357 : vector<1x16xf32> to vector<16xf32>
        %swap3A_359 = vector.shape_cast %mul3A_354 : vector<16xf32> to vector<1x16xf32>
        tpu.vector_store %arg10[%swap3A_355, %swap3A_356], %swap3A_359 {strides = array<i32>} : memref<128x64xf32, #tpu.memory_space<vmem>>, vector<1x16xf32>,
        %get3A_360 = arith.index_cast %add3A_335 : i32 to index
        %get3A_361 = arith.constant 32 : index
        %get3A_362 = tpu.vector_load %arg6[%get3A_360, %get3A_361] {strides = array<i32>} : memref<128x128xf32, #tpu.memory_space<vmem>>, vector<1x16xf32>,
        %get3A_363 = vector.shape_cast %get3A_362 : vector<1x16xf32> to vector<16xf32>
        %mul3A_364 = arith.constant 8.000000e+00 : f32
        %mul3A_365 = vector.broadcast %mul3A_364 : f32 to vector<16xf32>
        %mul3A_366 = arith.mulf %get3A_363, %mul3A_365 : vector<16xf32>
        %swap3A_367 = arith.index_cast %add3A_335 : i32 to index
        %swap3A_368 = arith.constant 32 : index
        %swap3A_369 = tpu.vector_load %arg10[%swap3A_367, %swap3A_368] {strides = array<i32>} : memref<128x64xf32, #tpu.memory_space<vmem>>, vector<1x16xf32>,
        %swap3A_370 = vector.shape_cast %swap3A_369 : vector<1x16xf32> to vector<16xf32>
        %swap3A_371 = vector.shape_cast %mul3A_366 : vector<16xf32> to vector<1x16xf32>
        tpu.vector_store %arg10[%swap3A_367, %swap3A_368], %swap3A_371 {strides = array<i32>} : memref<128x64xf32, #tpu.memory_space<vmem>>, vector<1x16xf32>,
        %get3A_372 = arith.index_cast %add3A_335 : i32 to index
        %get3A_373 = arith.constant 48 : index
        %get3A_374 = tpu.vector_load %arg6[%get3A_372, %get3A_373] {strides = array<i32>} : memref<128x128xf32, #tpu.memory_space<vmem>>, vector<1x16xf32>,
        %get3A_375 = vector.shape_cast %get3A_374 : vector<1x16xf32> to vector<16xf32>
        %mul3A_376 = arith.constant 8.000000e+00 : f32
        %mul3A_377 = vector.broadcast %mul3A_376 : f32 to vector<16xf32>
        %mul3A_378 = arith.mulf %get3A_375, %mul3A_377 : vector<16xf32>
        %swap3A_379 = arith.index_cast %add3A_335 : i32 to index
        %swap3A_380 = arith.constant 48 : index
        %swap3A_381 = tpu.vector_load %arg10[%swap3A_379, %swap3A_380] {strides = array<i32>} : memref<128x64xf32, #tpu.memory_space<vmem>>, vector<1x16xf32>,
        %swap3A_382 = vector.shape_cast %swap3A_381 : vector<1x16xf32> to vector<16xf32>
        %swap3A_383 = vector.shape_cast %mul3A_378 : vector<16xf32> to vector<1x16xf32>
        tpu.vector_store %arg10[%swap3A_379, %swap3A_380], %swap3A_383 {strides = array<i32>} : memref<128x64xf32, #tpu.memory_space<vmem>>, vector<1x16xf32>,
        %mul3A_384 = arith.constant 8 : i32
        %mul3A_385 = arith.muli %scan3A_177, %mul3A_384 : i32
        %add3A_386 = arith.constant 4 : i32
        %add3A_387 = arith.addi %mul3A_385, %add3A_386 : i32
        %get3A_388 = arith.index_cast %add3A_387 : i32 to index
        %get3A_389 = arith.constant 0 : index
        %get3A_390 = tpu.vector_load %arg6[%get3A_388, %get3A_389] {strides = array<i32>} : memref<128x128xf32, #tpu.memory_space<vmem>>, vector<1x16xf32>,
        %get3A_391 = vector.shape_cast %get3A_390 : vector<1x16xf32> to vector<16xf32>
        %mul3A_392 = arith.constant 8.000000e+00 : f32
        %mul3A_393 = vector.broadcast %mul3A_392 : f32 to vector<16xf32>
        %mul3A_394 = arith.mulf %get3A_391, %mul3A_393 : vector<16xf32>
        %swap3A_395 = arith.index_cast %add3A_387 : i32 to index
        %swap3A_396 = arith.constant 0 : index
        %swap3A_397 = tpu.vector_load %arg10[%swap3A_395, %swap3A_396] {strides = array<i32>} : memref<128x64xf32, #tpu.memory_space<vmem>>, vector<1x16xf32>,
        %swap3A_398 = vector.shape_cast %swap3A_397 : vector<1x16xf32> to vector<16xf32>
        %swap3A_399 = vector.shape_cast %mul3A_394 : vector<16xf32> to vector<1x16xf32>
        tpu.vector_store %arg10[%swap3A_395, %swap3A_396], %swap3A_399 {strides = array<i32>} : memref<128x64xf32, #tpu.memory_space<vmem>>, vector<1x16xf32>,
        %get3A_400 = arith.index_cast %add3A_387 : i32 to index
        %get3A_401 = arith.constant 16 : index
        %get3A_402 = tpu.vector_load %arg6[%get3A_400, %get3A_401] {strides = array<i32>} : memref<128x128xf32, #tpu.memory_space<vmem>>, vector<1x16xf32>,
        %get3A_403 = vector.shape_cast %get3A_402 : vector<1x16xf32> to vector<16xf32>
        %mul3A_404 = arith.constant 8.000000e+00 : f32
        %mul3A_405 = vector.broadcast %mul3A_404 : f32 to vector<16xf32>
        %mul3A_406 = arith.mulf %get3A_403, %mul3A_405 : vector<16xf32>
        %swap3A_407 = arith.index_cast %add3A_387 : i32 to index
        %swap3A_408 = arith.constant 16 : index
        %swap3A_409 = tpu.vector_load %arg10[%swap3A_407, %swap3A_408] {strides = array<i32>} : memref<128x64xf32, #tpu.memory_space<vmem>>, vector<1x16xf32>,
        %swap3A_410 = vector.shape_cast %swap3A_409 : vector<1x16xf32> to vector<16xf32>
        %swap3A_411 = vector.shape_cast %mul3A_406 : vector<16xf32> to vector<1x16xf32>
        tpu.vector_store %arg10[%swap3A_407, %swap3A_408], %swap3A_411 {strides = array<i32>} : memref<128x64xf32, #tpu.memory_space<vmem>>, vector<1x16xf32>,
        %get3A_412 = arith.index_cast %add3A_387 : i32 to index
        %get3A_413 = arith.constant 32 : index
        %get3A_414 = tpu.vector_load %arg6[%get3A_412, %get3A_413] {strides = array<i32>} : memref<128x128xf32, #tpu.memory_space<vmem>>, vector<1x16xf32>,
        %get3A_415 = vector.shape_cast %get3A_414 : vector<1x16xf32> to vector<16xf32>
        %mul3A_416 = arith.constant 8.000000e+00 : f32
        %mul3A_417 = vector.broadcast %mul3A_416 : f32 to vector<16xf32>
        %mul3A_418 = arith.mulf %get3A_415, %mul3A_417 : vector<16xf32>
        %swap3A_419 = arith.index_cast %add3A_387 : i32 to index
        %swap3A_420 = arith.constant 32 : index
        %swap3A_421 = tpu.vector_load %arg10[%swap3A_419, %swap3A_420] {strides = array<i32>} : memref<128x64xf32, #tpu.memory_space<vmem>>, vector<1x16xf32>,
        %swap3A_422 = vector.shape_cast %swap3A_421 : vector<1x16xf32> to vector<16xf32>
        %swap3A_423 = vector.shape_cast %mul3A_418 : vector<16xf32> to vector<1x16xf32>
        tpu.vector_store %arg10[%swap3A_419, %swap3A_420], %swap3A_423 {strides = array<i32>} : memref<128x64xf32, #tpu.memory_space<vmem>>, vector<1x16xf32>,
        %get3A_424 = arith.index_cast %add3A_387 : i32 to index
        %get3A_425 = arith.constant 48 : index
        %get3A_426 = tpu.vector_load %arg6[%get3A_424, %get3A_425] {strides = array<i32>} : memref<128x128xf32, #tpu.memory_space<vmem>>, vector<1x16xf32>,
        %get3A_427 = vector.shape_cast %get3A_426 : vector<1x16xf32> to vector<16xf32>
        %mul3A_428 = arith.constant 8.000000e+00 : f32
        %mul3A_429 = vector.broadcast %mul3A_428 : f32 to vector<16xf32>
        %mul3A_430 = arith.mulf %get3A_427, %mul3A_429 : vector<16xf32>
        %swap3A_431 = arith.index_cast %add3A_387 : i32 to index
        %swap3A_432 = arith.constant 48 : index
        %swap3A_433 = tpu.vector_load %arg10[%swap3A_431, %swap3A_432] {strides = array<i32>} : memref<128x64xf32, #tpu.memory_space<vmem>>, vector<1x16xf32>,
        %swap3A_434 = vector.shape_cast %swap3A_433 : vector<1x16xf32> to vector<16xf32>
        %swap3A_435 = vector.shape_cast %mul3A_430 : vector<16xf32> to vector<1x16xf32>
        tpu.vector_store %arg10[%swap3A_431, %swap3A_432], %swap3A_435 {strides = array<i32>} : memref<128x64xf32, #tpu.memory_space<vmem>>, vector<1x16xf32>,
        %mul3A_436 = arith.constant 8 : i32
        %mul3A_437 = arith.muli %scan3A_177, %mul3A_436 : i32
        %add3A_438 = arith.constant 5 : i32
        %add3A_439 = arith.addi %mul3A_437, %add3A_438 : i32
        %get3A_440 = arith.index_cast %add3A_439 : i32 to index
        %get3A_441 = arith.constant 0 : index
        %get3A_442 = tpu.vector_load %arg6[%get3A_440, %get3A_441] {strides = array<i32>} : memref<128x128xf32, #tpu.memory_space<vmem>>, vector<1x16xf32>,
        %get3A_443 = vector.shape_cast %get3A_442 : vector<1x16xf32> to vector<16xf32>
        %mul3A_444 = arith.constant 8.000000e+00 : f32
        %mul3A_445 = vector.broadcast %mul3A_444 : f32 to vector<16xf32>
        %mul3A_446 = arith.mulf %get3A_443, %mul3A_445 : vector<16xf32>
        %swap3A_447 = arith.index_cast %add3A_439 : i32 to index
        %swap3A_448 = arith.constant 0 : index
        %swap3A_449 = tpu.vector_load %arg10[%swap3A_447, %swap3A_448] {strides = array<i32>} : memref<128x64xf32, #tpu.memory_space<vmem>>, vector<1x16xf32>,
        %swap3A_450 = vector.shape_cast %swap3A_449 : vector<1x16xf32> to vector<16xf32>
        %swap3A_451 = vector.shape_cast %mul3A_446 : vector<16xf32> to vector<1x16xf32>
        tpu.vector_store %arg10[%swap3A_447, %swap3A_448], %swap3A_451 {strides = array<i32>} : memref<128x64xf32, #tpu.memory_space<vmem>>, vector<1x16xf32>,
        %get3A_452 = arith.index_cast %add3A_439 : i32 to index
        %get3A_453 = arith.constant 16 : index
        %get3A_454 = tpu.vector_load %arg6[%get3A_452, %get3A_453] {strides = array<i32>} : memref<128x128xf32, #tpu.memory_space<vmem>>, vector<1x16xf32>,
        %get3A_455 = vector.shape_cast %get3A_454 : vector<1x16xf32> to vector<16xf32>
        %mul3A_456 = arith.constant 8.000000e+00 : f32
        %mul3A_457 = vector.broadcast %mul3A_456 : f32 to vector<16xf32>
        %mul3A_458 = arith.mulf %get3A_455, %mul3A_457 : vector<16xf32>
        %swap3A_459 = arith.index_cast %add3A_439 : i32 to index
        %swap3A_460 = arith.constant 16 : index
        %swap3A_461 = tpu.vector_load %arg10[%swap3A_459, %swap3A_460] {strides = array<i32>} : memref<128x64xf32, #tpu.memory_space<vmem>>, vector<1x16xf32>,
        %swap3A_462 = vector.shape_cast %swap3A_461 : vector<1x16xf32> to vector<16xf32>
        %swap3A_463 = vector.shape_cast %mul3A_458 : vector<16xf32> to vector<1x16xf32>
        tpu.vector_store %arg10[%swap3A_459, %swap3A_460], %swap3A_463 {strides = array<i32>} : memref<128x64xf32, #tpu.memory_space<vmem>>, vector<1x16xf32>,
        %get3A_464 = arith.index_cast %add3A_439 : i32 to index
        %get3A_465 = arith.constant 32 : index
        %get3A_466 = tpu.vector_load %arg6[%get3A_464, %get3A_465] {strides = array<i32>} : memref<128x128xf32, #tpu.memory_space<vmem>>, vector<1x16xf32>,
        %get3A_467 = vector.shape_cast %get3A_466 : vector<1x16xf32> to vector<16xf32>
        %mul3A_468 = arith.constant 8.000000e+00 : f32
        %mul3A_469 = vector.broadcast %mul3A_468 : f32 to vector<16xf32>
        %mul3A_470 = arith.mulf %get3A_467, %mul3A_469 : vector<16xf32>
        %swap3A_471 = arith.index_cast %add3A_439 : i32 to index
        %swap3A_472 = arith.constant 32 : index
        %swap3A_473 = tpu.vector_load %arg10[%swap3A_471, %swap3A_472] {strides = array<i32>} : memref<128x64xf32, #tpu.memory_space<vmem>>, vector<1x16xf32>,
        %swap3A_474 = vector.shape_cast %swap3A_473 : vector<1x16xf32> to vector<16xf32>
        %swap3A_475 = vector.shape_cast %mul3A_470 : vector<16xf32> to vector<1x16xf32>
        tpu.vector_store %arg10[%swap3A_471, %swap3A_472], %swap3A_475 {strides = array<i32>} : memref<128x64xf32, #tpu.memory_space<vmem>>, vector<1x16xf32>,
        %get3A_476 = arith.index_cast %add3A_439 : i32 to index
        %get3A_477 = arith.constant 48 : index
        %get3A_478 = tpu.vector_load %arg6[%get3A_476, %get3A_477] {strides = array<i32>} : memref<128x128xf32, #tpu.memory_space<vmem>>, vector<1x16xf32>,
        %get3A_479 = vector.shape_cast %get3A_478 : vector<1x16xf32> to vector<16xf32>
        %mul3A_480 = arith.constant 8.000000e+00 : f32
        %mul3A_481 = vector.broadcast %mul3A_480 : f32 to vector<16xf32>
        %mul3A_482 = arith.mulf %get3A_479, %mul3A_481 : vector<16xf32>
        %swap3A_483 = arith.index_cast %add3A_439 : i32 to index
        %swap3A_484 = arith.constant 48 : index
        %swap3A_485 = tpu.vector_load %arg10[%swap3A_483, %swap3A_484] {strides = array<i32>} : memref<128x64xf32, #tpu.memory_space<vmem>>, vector<1x16xf32>,
        %swap3A_486 = vector.shape_cast %swap3A_485 : vector<1x16xf32> to vector<16xf32>
        %swap3A_487 = vector.shape_cast %mul3A_482 : vector<16xf32> to vector<1x16xf32>
        tpu.vector_store %arg10[%swap3A_483, %swap3A_484], %swap3A_487 {strides = array<i32>} : memref<128x64xf32, #tpu.memory_space<vmem>>, vector<1x16xf32>,
        %mul3A_488 = arith.constant 8 : i32
        %mul3A_489 = arith.muli %scan3A_177, %mul3A_488 : i32
        %add3A_490 = arith.constant 6 : i32
        %add3A_491 = arith.addi %mul3A_489, %add3A_490 : i32
        %get3A_492 = arith.index_cast %add3A_491 : i32 to index
        %get3A_493 = arith.constant 0 : index
        %get3A_494 = tpu.vector_load %arg6[%get3A_492, %get3A_493] {strides = array<i32>} : memref<128x128xf32, #tpu.memory_space<vmem>>, vector<1x16xf32>,
        %get3A_495 = vector.shape_cast %get3A_494 : vector<1x16xf32> to vector<16xf32>
        %mul3A_496 = arith.constant 8.000000e+00 : f32
        %mul3A_497 = vector.broadcast %mul3A_496 : f32 to vector<16xf32>
        %mul3A_498 = arith.mulf %get3A_495, %mul3A_497 : vector<16xf32>
        %swap3A_499 = arith.index_cast %add3A_491 : i32 to index
        %swap3A_500 = arith.constant 0 : index
        %swap3A_501 = tpu.vector_load %arg10[%swap3A_499, %swap3A_500] {strides = array<i32>} : memref<128x64xf32, #tpu.memory_space<vmem>>, vector<1x16xf32>,
        %swap3A_502 = vector.shape_cast %swap3A_501 : vector<1x16xf32> to vector<16xf32>
        %swap3A_503 = vector.shape_cast %mul3A_498 : vector<16xf32> to vector<1x16xf32>
        tpu.vector_store %arg10[%swap3A_499, %swap3A_500], %swap3A_503 {strides = array<i32>} : memref<128x64xf32, #tpu.memory_space<vmem>>, vector<1x16xf32>,
        %get3A_504 = arith.index_cast %add3A_491 : i32 to index
        %get3A_505 = arith.constant 16 : index
        %get3A_506 = tpu.vector_load %arg6[%get3A_504, %get3A_505] {strides = array<i32>} : memref<128x128xf32, #tpu.memory_space<vmem>>, vector<1x16xf32>,
        %get3A_507 = vector.shape_cast %get3A_506 : vector<1x16xf32> to vector<16xf32>
        %mul3A_508 = arith.constant 8.000000e+00 : f32
        %mul3A_509 = vector.broadcast %mul3A_508 : f32 to vector<16xf32>
        %mul3A_510 = arith.mulf %get3A_507, %mul3A_509 : vector<16xf32>
        %swap3A_511 = arith.index_cast %add3A_491 : i32 to index
        %swap3A_512 = arith.constant 16 : index
        %swap3A_513 = tpu.vector_load %arg10[%swap3A_511, %swap3A_512] {strides = array<i32>} : memref<128x64xf32, #tpu.memory_space<vmem>>, vector<1x16xf32>,
        %swap3A_514 = vector.shape_cast %swap3A_513 : vector<1x16xf32> to vector<16xf32>
        %swap3A_515 = vector.shape_cast %mul3A_510 : vector<16xf32> to vector<1x16xf32>
        tpu.vector_store %arg10[%swap3A_511, %swap3A_512], %swap3A_515 {strides = array<i32>} : memref<128x64xf32, #tpu.memory_space<vmem>>, vector<1x16xf32>,
        %get3A_516 = arith.index_cast %add3A_491 : i32 to index
        %get3A_517 = arith.constant 32 : index
        %get3A_518 = tpu.vector_load %arg6[%get3A_516, %get3A_517] {strides = array<i32>} : memref<128x128xf32, #tpu.memory_space<vmem>>, vector<1x16xf32>,
        %get3A_519 = vector.shape_cast %get3A_518 : vector<1x16xf32> to vector<16xf32>
        %mul3A_520 = arith.constant 8.000000e+00 : f32
        %mul3A_521 = vector.broadcast %mul3A_520 : f32 to vector<16xf32>
        %mul3A_522 = arith.mulf %get3A_519, %mul3A_521 : vector<16xf32>
        %swap3A_523 = arith.index_cast %add3A_491 : i32 to index
        %swap3A_524 = arith.constant 32 : index
        %swap3A_525 = tpu.vector_load %arg10[%swap3A_523, %swap3A_524] {strides = array<i32>} : memref<128x64xf32, #tpu.memory_space<vmem>>, vector<1x16xf32>,
        %swap3A_526 = vector.shape_cast %swap3A_525 : vector<1x16xf32> to vector<16xf32>
        %swap3A_527 = vector.shape_cast %mul3A_522 : vector<16xf32> to vector<1x16xf32>
        tpu.vector_store %arg10[%swap3A_523, %swap3A_524], %swap3A_527 {strides = array<i32>} : memref<128x64xf32, #tpu.memory_space<vmem>>, vector<1x16xf32>,
        %get3A_528 = arith.index_cast %add3A_491 : i32 to index
        %get3A_529 = arith.constant 48 : index
        %get3A_530 = tpu.vector_load %arg6[%get3A_528, %get3A_529] {strides = array<i32>} : memref<128x128xf32, #tpu.memory_space<vmem>>, vector<1x16xf32>,
        %get3A_531 = vector.shape_cast %get3A_530 : vector<1x16xf32> to vector<16xf32>
        %mul3A_532 = arith.constant 8.000000e+00 : f32
        %mul3A_533 = vector.broadcast %mul3A_532 : f32 to vector<16xf32>
        %mul3A_534 = arith.mulf %get3A_531, %mul3A_533 : vector<16xf32>
        %swap3A_535 = arith.index_cast %add3A_491 : i32 to index
        %swap3A_536 = arith.constant 48 : index
        %swap3A_537 = tpu.vector_load %arg10[%swap3A_535, %swap3A_536] {strides = array<i32>} : memref<128x64xf32, #tpu.memory_space<vmem>>, vector<1x16xf32>,
        %swap3A_538 = vector.shape_cast %swap3A_537 : vector<1x16xf32> to vector<16xf32>
        %swap3A_539 = vector.shape_cast %mul3A_534 : vector<16xf32> to vector<1x16xf32>
        tpu.vector_store %arg10[%swap3A_535, %swap3A_536], %swap3A_539 {strides = array<i32>} : memref<128x64xf32, #tpu.memory_space<vmem>>, vector<1x16xf32>,
        %mul3A_540 = arith.constant 8 : i32
        %mul3A_541 = arith.muli %scan3A_177, %mul3A_540 : i32
        %add3A_542 = arith.constant 7 : i32
        %add3A_543 = arith.addi %mul3A_541, %add3A_542 : i32
        %get3A_544 = arith.index_cast %add3A_543 : i32 to index
        %get3A_545 = arith.constant 0 : index
        %get3A_546 = tpu.vector_load %arg6[%get3A_544, %get3A_545] {strides = array<i32>} : memref<128x128xf32, #tpu.memory_space<vmem>>, vector<1x16xf32>,
        %get3A_547 = vector.shape_cast %get3A_546 : vector<1x16xf32> to vector<16xf32>
        %mul3A_548 = arith.constant 8.000000e+00 : f32
        %mul3A_549 = vector.broadcast %mul3A_548 : f32 to vector<16xf32>
        %mul3A_550 = arith.mulf %get3A_547, %mul3A_549 : vector<16xf32>
        %swap3A_551 = arith.index_cast %add3A_543 : i32 to index
        %swap3A_552 = arith.constant 0 : index
        %swap3A_553 = tpu.vector_load %arg10[%swap3A_551, %swap3A_552] {strides = array<i32>} : memref<128x64xf32, #tpu.memory_space<vmem>>, vector<1x16xf32>,
        %swap3A_554 = vector.shape_cast %swap3A_553 : vector<1x16xf32> to vector<16xf32>
        %swap3A_555 = vector.shape_cast %mul3A_550 : vector<16xf32> to vector<1x16xf32>
        tpu.vector_store %arg10[%swap3A_551, %swap3A_552], %swap3A_555 {strides = array<i32>} : memref<128x64xf32, #tpu.memory_space<vmem>>, vector<1x16xf32>,
        %get3A_556 = arith.index_cast %add3A_543 : i32 to index
        %get3A_557 = arith.constant 16 : index
        %get3A_558 = tpu.vector_load %arg6[%get3A_556, %get3A_557] {strides = array<i32>} : memref<128x128xf32, #tpu.memory_space<vmem>>, vector<1x16xf32>,
        %get3A_559 = vector.shape_cast %get3A_558 : vector<1x16xf32> to vector<16xf32>
        %mul3A_560 = arith.constant 8.000000e+00 : f32
        %mul3A_561 = vector.broadcast %mul3A_560 : f32 to vector<16xf32>
        %mul3A_562 = arith.mulf %get3A_559, %mul3A_561 : vector<16xf32>
        %swap3A_563 = arith.index_cast %add3A_543 : i32 to index
        %swap3A_564 = arith.constant 16 : index
        %swap3A_565 = tpu.vector_load %arg10[%swap3A_563, %swap3A_564] {strides = array<i32>} : memref<128x64xf32, #tpu.memory_space<vmem>>, vector<1x16xf32>,
        %swap3A_566 = vector.shape_cast %swap3A_565 : vector<1x16xf32> to vector<16xf32>
        %swap3A_567 = vector.shape_cast %mul3A_562 : vector<16xf32> to vector<1x16xf32>
        tpu.vector_store %arg10[%swap3A_563, %swap3A_564], %swap3A_567 {strides = array<i32>} : memref<128x64xf32, #tpu.memory_space<vmem>>, vector<1x16xf32>,
        %get3A_568 = arith.index_cast %add3A_543 : i32 to index
        %get3A_569 = arith.constant 32 : index
        %get3A_570 = tpu.vector_load %arg6[%get3A_568, %get3A_569] {strides = array<i32>} : memref<128x128xf32, #tpu.memory_space<vmem>>, vector<1x16xf32>,
        %get3A_571 = vector.shape_cast %get3A_570 : vector<1x16xf32> to vector<16xf32>
        %mul3A_572 = arith.constant 8.000000e+00 : f32
        %mul3A_573 = vector.broadcast %mul3A_572 : f32 to vector<16xf32>
        %mul3A_574 = arith.mulf %get3A_571, %mul3A_573 : vector<16xf32>
        %swap3A_575 = arith.index_cast %add3A_543 : i32 to index
        %swap3A_576 = arith.constant 32 : index
        %swap3A_577 = tpu.vector_load %arg10[%swap3A_575, %swap3A_576] {strides = array<i32>} : memref<128x64xf32, #tpu.memory_space<vmem>>, vector<1x16xf32>,
        %swap3A_578 = vector.shape_cast %swap3A_577 : vector<1x16xf32> to vector<16xf32>
        %swap3A_579 = vector.shape_cast %mul3A_574 : vector<16xf32> to vector<1x16xf32>
        tpu.vector_store %arg10[%swap3A_575, %swap3A_576], %swap3A_579 {strides = array<i32>} : memref<128x64xf32, #tpu.memory_space<vmem>>, vector<1x16xf32>,
        %get3A_580 = arith.index_cast %add3A_543 : i32 to index
        %get3A_581 = arith.constant 48 : index
        %get3A_582 = tpu.vector_load %arg6[%get3A_580, %get3A_581] {strides = array<i32>} : memref<128x128xf32, #tpu.memory_space<vmem>>, vector<1x16xf32>,
        %get3A_583 = vector.shape_cast %get3A_582 : vector<1x16xf32> to vector<16xf32>
        %mul3A_584 = arith.constant 8.000000e+00 : f32
        %mul3A_585 = vector.broadcast %mul3A_584 : f32 to vector<16xf32>
        %mul3A_586 = arith.mulf %get3A_583, %mul3A_585 : vector<16xf32>
        %swap3A_587 = arith.index_cast %add3A_543 : i32 to index
        %swap3A_588 = arith.constant 48 : index
        %swap3A_589 = tpu.vector_load %arg10[%swap3A_587, %swap3A_588] {strides = array<i32>} : memref<128x64xf32, #tpu.memory_space<vmem>>, vector<1x16xf32>,
        %swap3A_590 = vector.shape_cast %swap3A_589 : vector<1x16xf32> to vector<16xf32>
        %swap3A_591 = vector.shape_cast %mul3A_586 : vector<16xf32> to vector<1x16xf32>
        tpu.vector_store %arg10[%swap3A_587, %swap3A_588], %swap3A_591 {strides = array<i32>} : memref<128x64xf32, #tpu.memory_space<vmem>>, vector<1x16xf32>,
      }
      %scan3A_61 = arith.constant 16 : i32
      %add3A_62 = arith.constant 4 : i32
      %add3A_63 = arith.addi %add3A_46, %add3A_62 : i32
      %lt3A = arith.constant 200 : i32
      %lt3A_64 = arith.cmpi slt, %add3A_63, %lt3A : i32
      %convert_element_type3A_65 = arith.extui %lt3A_64 : i1 to i32
      %cond3A_66 = arith.constant 0 : i32
      %cond3A_67 = arith.cmpi ne, %convert_element_type3A_65, %cond3A_66 : i32
      scf.if %cond3A_67 {
        %add3A_177 = arith.constant 4 : i32
        %add3A_178 = arith.addi %add3A_46, %add3A_177 : i32
        %dma_start3A_179 = arith.constant 0 : i32
        %dma_start3A_180 = tpu.memref_slice %arg5[%add3A_178, %dma_start3A_179] : memref<200x128xi32, #tpu.memory_space<vmem>> -> memref<1x128xi32, #tpu.memory_space<vmem>>
        %dma_start3A_181 = tpu.memref_squeeze %dma_start3A_180 : memref<1x128xi32, #tpu.memory_space<vmem>> -> memref<128xi32, #tpu.memory_space<vmem>>
        %dma_start3A_182 = arith.constant 0 : i32
        %dma_start3A_183 = arith.constant 0 : i32
        %dma_start3A_184 = tpu.memref_slice %arg3[%dma_start3A_182, %dma_start3A_183] : memref<1000000x128xf32, #tpu.memory_space<hbm>> -> memref<1000000x128xf32, #tpu.memory_space<hbm>>
        tpu.enqueue_indirect_dma source(%dma_start3A_184 : memref<1000000x128xf32, #tpu.memory_space<hbm>>) target(%arg6 : memref<128x128xf32, #tpu.memory_space<vmem>>) offsets(%dma_start3A_181 : memref<128xi32, #tpu.memory_space<vmem>>) semaphore(%arg12 : memref<!tpu.dma_semaphore, #tpu.memory_space<semaphore_mem>>)
      } else {
      }
      %mul3A_68 = arith.constant 128 : i32
      %mul3A_69 = arith.muli %add3A_46, %mul3A_68 : i32
      %add3A_70 = arith.addi %mul3A_2, %mul3A_69 : i32
      %dma_start3A_71 = arith.constant 0 : i32
      %dma_start3A_72 = tpu.memref_slice %arg4[%add3A_70, %dma_start3A_71] : memref<819200x64xf32, #tpu.memory_space<hbm>> -> memref<128x64xf32, #tpu.memory_space<hbm>>
      %dma_start3A_73 = arith.constant 0 : i32
      %dma_start3A_74 = tpu.memref_slice %arg4[%add3A_70, %dma_start3A_73] : memref<819200x64xf32, #tpu.memory_space<hbm>> -> memref<128x64xf32, #tpu.memory_space<hbm>>
      tpu.enqueue_dma source(%arg10 : memref<128x64xf32, #tpu.memory_space<vmem>>) target(%dma_start3A_74 : memref<128x64xf32, #tpu.memory_space<hbm>>) target_semaphore(%arg16 : memref<!tpu.dma_semaphore, #tpu.memory_space<semaphore_mem>>)
      %add3A_75 = arith.constant 1 : i32
      %add3A_76 = arith.addi %mul3A_44, %add3A_75 : i32
      %dma_wait3A_77 = arith.constant 0 : i32
      %dma_wait3A_78 = arith.constant 0 : i32
      %dma_wait3A_79 = tpu.memref_slice %arg5[%dma_wait3A_77, %dma_wait3A_78] : memref<200x128xi32, #tpu.memory_space<vmem>> -> memref<1x128xi32, #tpu.memory_space<vmem>>
      %dma_wait3A_80 = tpu.memref_squeeze %dma_wait3A_79 : memref<1x128xi32, #tpu.memory_space<vmem>> -> memref<128xi32, #tpu.memory_space<vmem>>
      %dma_wait3A_81 = arith.constant 0 : i32
      %dma_wait3A_82 = arith.constant 0 : i32
      %dma_wait3A_83 = tpu.memref_slice %arg3[%dma_wait3A_81, %dma_wait3A_82] : memref<1000000x128xf32, #tpu.memory_space<hbm>> -> memref<1000000x128xf32, #tpu.memory_space<hbm>>
      tpu.wait_indirect_dma semaphore(%arg13 : memref<!tpu.dma_semaphore, #tpu.memory_space<semaphore_mem>>) src(%dma_wait3A_83 : memref<1000000x128xf32, #tpu.memory_space<hbm>>) dst(%arg7 : memref<128x128xf32, #tpu.memory_space<vmem>>)
      %ge3A_84 = arith.constant 2 : i32
      %ge3A_85 = arith.cmpi sge, %add3A_76, %ge3A_84 : i32
      %convert_element_type3A_86 = arith.extui %ge3A_85 : i1 to i32
      %cond3A_87 = arith.constant 0 : i32
      %cond3A_88 = arith.cmpi ne, %convert_element_type3A_86, %cond3A_87 : i32
      scf.if %cond3A_88 {
        %dma_wait3A_177 = arith.constant 0 : i32
        %dma_wait3A_178 = tpu.memref_slice %arg4[%mul3A_2, %dma_wait3A_177] : memref<819200x64xf32, #tpu.memory_space<hbm>> -> memref<128x64xf32, #tpu.memory_space<hbm>>
        %dma_wait3A_179 = arith.constant 0 : i32
        %dma_wait3A_180 = tpu.memref_slice %arg4[%mul3A_2, %dma_wait3A_179] : memref<819200x64xf32, #tpu.memory_space<hbm>> -> memref<128x64xf32, #tpu.memory_space<hbm>>
        tpu.wait_dma2 semaphore(%arg17 : memref<!tpu.dma_semaphore, #tpu.memory_space<semaphore_mem>>) src(%arg11 : memref<128x64xf32, #tpu.memory_space<vmem>>) dst(%dma_wait3A_180 : memref<128x64xf32, #tpu.memory_space<hbm>>)
      } else {
      }
      %scan3A_89 = arith.constant 0 : i32
      %scan3A_90 = arith.constant 0 : i32
      %scan3A_91 = arith.constant 16 : i32
      %scan3A_92 = arith.addi %scan3A_90, %scan3A_91 : i32
      %scan3A_93 = arith.constant 1 : i32
      scf.for %scan3A_177 = %scan3A_90 to %scan3A_92 step %scan3A_93  : i32 {
        %mul3A_178 = arith.constant 8 : i32
        %mul3A_179 = arith.muli %scan3A_177, %mul3A_178 : i32
        %add3A_180 = arith.constant 0 : i32
        %add3A_181 = arith.addi %mul3A_179, %add3A_180 : i32
        %get3A = arith.index_cast %add3A_181 : i32 to index
        %get3A_182 = arith.constant 0 : index
        %get3A_183 = tpu.vector_load %arg7[%get3A, %get3A_182] {strides = array<i32>} : memref<128x128xf32, #tpu.memory_space<vmem>>, vector<1x16xf32>,
        %get3A_184 = vector.shape_cast %get3A_183 : vector<1x16xf32> to vector<16xf32>
        %mul3A_185 = arith.constant 8.000000e+00 : f32
        %mul3A_186 = vector.broadcast %mul3A_185 : f32 to vector<16xf32>
        %mul3A_187 = arith.mulf %get3A_184, %mul3A_186 : vector<16xf32>
        %swap3A = arith.index_cast %add3A_181 : i32 to index
        %swap3A_188 = arith.constant 0 : index
        %swap3A_189 = tpu.vector_load %arg11[%swap3A, %swap3A_188] {strides = array<i32>} : memref<128x64xf32, #tpu.memory_space<vmem>>, vector<1x16xf32>,
        %swap3A_190 = vector.shape_cast %swap3A_189 : vector<1x16xf32> to vector<16xf32>
        %swap3A_191 = vector.shape_cast %mul3A_187 : vector<16xf32> to vector<1x16xf32>
        tpu.vector_store %arg11[%swap3A, %swap3A_188], %swap3A_191 {strides = array<i32>} : memref<128x64xf32, #tpu.memory_space<vmem>>, vector<1x16xf32>,
        %get3A_192 = arith.index_cast %add3A_181 : i32 to index
        %get3A_193 = arith.constant 16 : index
        %get3A_194 = tpu.vector_load %arg7[%get3A_192, %get3A_193] {strides = array<i32>} : memref<128x128xf32, #tpu.memory_space<vmem>>, vector<1x16xf32>,
        %get3A_195 = vector.shape_cast %get3A_194 : vector<1x16xf32> to vector<16xf32>
        %mul3A_196 = arith.constant 8.000000e+00 : f32
        %mul3A_197 = vector.broadcast %mul3A_196 : f32 to vector<16xf32>
        %mul3A_198 = arith.mulf %get3A_195, %mul3A_197 : vector<16xf32>
        %swap3A_199 = arith.index_cast %add3A_181 : i32 to index
        %swap3A_200 = arith.constant 16 : index
        %swap3A_201 = tpu.vector_load %arg11[%swap3A_199, %swap3A_200] {strides = array<i32>} : memref<128x64xf32, #tpu.memory_space<vmem>>, vector<1x16xf32>,
        %swap3A_202 = vector.shape_cast %swap3A_201 : vector<1x16xf32> to vector<16xf32>
        %swap3A_203 = vector.shape_cast %mul3A_198 : vector<16xf32> to vector<1x16xf32>
        tpu.vector_store %arg11[%swap3A_199, %swap3A_200], %swap3A_203 {strides = array<i32>} : memref<128x64xf32, #tpu.memory_space<vmem>>, vector<1x16xf32>,
        %get3A_204 = arith.index_cast %add3A_181 : i32 to index
        %get3A_205 = arith.constant 32 : index
        %get3A_206 = tpu.vector_load %arg7[%get3A_204, %get3A_205] {strides = array<i32>} : memref<128x128xf32, #tpu.memory_space<vmem>>, vector<1x16xf32>,
        %get3A_207 = vector.shape_cast %get3A_206 : vector<1x16xf32> to vector<16xf32>
        %mul3A_208 = arith.constant 8.000000e+00 : f32
        %mul3A_209 = vector.broadcast %mul3A_208 : f32 to vector<16xf32>
        %mul3A_210 = arith.mulf %get3A_207, %mul3A_209 : vector<16xf32>
        %swap3A_211 = arith.index_cast %add3A_181 : i32 to index
        %swap3A_212 = arith.constant 32 : index
        %swap3A_213 = tpu.vector_load %arg11[%swap3A_211, %swap3A_212] {strides = array<i32>} : memref<128x64xf32, #tpu.memory_space<vmem>>, vector<1x16xf32>,
        %swap3A_214 = vector.shape_cast %swap3A_213 : vector<1x16xf32> to vector<16xf32>
        %swap3A_215 = vector.shape_cast %mul3A_210 : vector<16xf32> to vector<1x16xf32>
        tpu.vector_store %arg11[%swap3A_211, %swap3A_212], %swap3A_215 {strides = array<i32>} : memref<128x64xf32, #tpu.memory_space<vmem>>, vector<1x16xf32>,
        %get3A_216 = arith.index_cast %add3A_181 : i32 to index
        %get3A_217 = arith.constant 48 : index
        %get3A_218 = tpu.vector_load %arg7[%get3A_216, %get3A_217] {strides = array<i32>} : memref<128x128xf32, #tpu.memory_space<vmem>>, vector<1x16xf32>,
        %get3A_219 = vector.shape_cast %get3A_218 : vector<1x16xf32> to vector<16xf32>
        %mul3A_220 = arith.constant 8.000000e+00 : f32
        %mul3A_221 = vector.broadcast %mul3A_220 : f32 to vector<16xf32>
        %mul3A_222 = arith.mulf %get3A_219, %mul3A_221 : vector<16xf32>
        %swap3A_223 = arith.index_cast %add3A_181 : i32 to index
        %swap3A_224 = arith.constant 48 : index
        %swap3A_225 = tpu.vector_load %arg11[%swap3A_223, %swap3A_224] {strides = array<i32>} : memref<128x64xf32, #tpu.memory_space<vmem>>, vector<1x16xf32>,
        %swap3A_226 = vector.shape_cast %swap3A_225 : vector<1x16xf32> to vector<16xf32>
        %swap3A_227 = vector.shape_cast %mul3A_222 : vector<16xf32> to vector<1x16xf32>
        tpu.vector_store %arg11[%swap3A_223, %swap3A_224], %swap3A_227 {strides = array<i32>} : memref<128x64xf32, #tpu.memory_space<vmem>>, vector<1x16xf32>,
        %mul3A_228 = arith.constant 8 : i32
        %mul3A_229 = arith.muli %scan3A_177, %mul3A_228 : i32
        %add3A_230 = arith.constant 1 : i32
        %add3A_231 = arith.addi %mul3A_229, %add3A_230 : i32
        %get3A_232 = arith.index_cast %add3A_231 : i32 to index
        %get3A_233 = arith.constant 0 : index
        %get3A_234 = tpu.vector_load %arg7[%get3A_232, %get3A_233] {strides = array<i32>} : memref<128x128xf32, #tpu.memory_space<vmem>>, vector<1x16xf32>,
        %get3A_235 = vector.shape_cast %get3A_234 : vector<1x16xf32> to vector<16xf32>
        %mul3A_236 = arith.constant 8.000000e+00 : f32
        %mul3A_237 = vector.broadcast %mul3A_236 : f32 to vector<16xf32>
        %mul3A_238 = arith.mulf %get3A_235, %mul3A_237 : vector<16xf32>
        %swap3A_239 = arith.index_cast %add3A_231 : i32 to index
        %swap3A_240 = arith.constant 0 : index
        %swap3A_241 = tpu.vector_load %arg11[%swap3A_239, %swap3A_240] {strides = array<i32>} : memref<128x64xf32, #tpu.memory_space<vmem>>, vector<1x16xf32>,
        %swap3A_242 = vector.shape_cast %swap3A_241 : vector<1x16xf32> to vector<16xf32>
        %swap3A_243 = vector.shape_cast %mul3A_238 : vector<16xf32> to vector<1x16xf32>
        tpu.vector_store %arg11[%swap3A_239, %swap3A_240], %swap3A_243 {strides = array<i32>} : memref<128x64xf32, #tpu.memory_space<vmem>>, vector<1x16xf32>,
        %get3A_244 = arith.index_cast %add3A_231 : i32 to index
        %get3A_245 = arith.constant 16 : index
        %get3A_246 = tpu.vector_load %arg7[%get3A_244, %get3A_245] {strides = array<i32>} : memref<128x128xf32, #tpu.memory_space<vmem>>, vector<1x16xf32>,
        %get3A_247 = vector.shape_cast %get3A_246 : vector<1x16xf32> to vector<16xf32>
        %mul3A_248 = arith.constant 8.000000e+00 : f32
        %mul3A_249 = vector.broadcast %mul3A_248 : f32 to vector<16xf32>
        %mul3A_250 = arith.mulf %get3A_247, %mul3A_249 : vector<16xf32>
        %swap3A_251 = arith.index_cast %add3A_231 : i32 to index
        %swap3A_252 = arith.constant 16 : index
        %swap3A_253 = tpu.vector_load %arg11[%swap3A_251, %swap3A_252] {strides = array<i32>} : memref<128x64xf32, #tpu.memory_space<vmem>>, vector<1x16xf32>,
        %swap3A_254 = vector.shape_cast %swap3A_253 : vector<1x16xf32> to vector<16xf32>
        %swap3A_255 = vector.shape_cast %mul3A_250 : vector<16xf32> to vector<1x16xf32>
        tpu.vector_store %arg11[%swap3A_251, %swap3A_252], %swap3A_255 {strides = array<i32>} : memref<128x64xf32, #tpu.memory_space<vmem>>, vector<1x16xf32>,
        %get3A_256 = arith.index_cast %add3A_231 : i32 to index
        %get3A_257 = arith.constant 32 : index
        %get3A_258 = tpu.vector_load %arg7[%get3A_256, %get3A_257] {strides = array<i32>} : memref<128x128xf32, #tpu.memory_space<vmem>>, vector<1x16xf32>,
        %get3A_259 = vector.shape_cast %get3A_258 : vector<1x16xf32> to vector<16xf32>
        %mul3A_260 = arith.constant 8.000000e+00 : f32
        %mul3A_261 = vector.broadcast %mul3A_260 : f32 to vector<16xf32>
        %mul3A_262 = arith.mulf %get3A_259, %mul3A_261 : vector<16xf32>
        %swap3A_263 = arith.index_cast %add3A_231 : i32 to index
        %swap3A_264 = arith.constant 32 : index
        %swap3A_265 = tpu.vector_load %arg11[%swap3A_263, %swap3A_264] {strides = array<i32>} : memref<128x64xf32, #tpu.memory_space<vmem>>, vector<1x16xf32>,
        %swap3A_266 = vector.shape_cast %swap3A_265 : vector<1x16xf32> to vector<16xf32>
        %swap3A_267 = vector.shape_cast %mul3A_262 : vector<16xf32> to vector<1x16xf32>
        tpu.vector_store %arg11[%swap3A_263, %swap3A_264], %swap3A_267 {strides = array<i32>} : memref<128x64xf32, #tpu.memory_space<vmem>>, vector<1x16xf32>,
        %get3A_268 = arith.index_cast %add3A_231 : i32 to index
        %get3A_269 = arith.constant 48 : index
        %get3A_270 = tpu.vector_load %arg7[%get3A_268, %get3A_269] {strides = array<i32>} : memref<128x128xf32, #tpu.memory_space<vmem>>, vector<1x16xf32>,
        %get3A_271 = vector.shape_cast %get3A_270 : vector<1x16xf32> to vector<16xf32>
        %mul3A_272 = arith.constant 8.000000e+00 : f32
        %mul3A_273 = vector.broadcast %mul3A_272 : f32 to vector<16xf32>
        %mul3A_274 = arith.mulf %get3A_271, %mul3A_273 : vector<16xf32>
        %swap3A_275 = arith.index_cast %add3A_231 : i32 to index
        %swap3A_276 = arith.constant 48 : index
        %swap3A_277 = tpu.vector_load %arg11[%swap3A_275, %swap3A_276] {strides = array<i32>} : memref<128x64xf32, #tpu.memory_space<vmem>>, vector<1x16xf32>,
        %swap3A_278 = vector.shape_cast %swap3A_277 : vector<1x16xf32> to vector<16xf32>
        %swap3A_279 = vector.shape_cast %mul3A_274 : vector<16xf32> to vector<1x16xf32>
        tpu.vector_store %arg11[%swap3A_275, %swap3A_276], %swap3A_279 {strides = array<i32>} : memref<128x64xf32, #tpu.memory_space<vmem>>, vector<1x16xf32>,
        %mul3A_280 = arith.constant 8 : i32
        %mul3A_281 = arith.muli %scan3A_177, %mul3A_280 : i32
        %add3A_282 = arith.constant 2 : i32
        %add3A_283 = arith.addi %mul3A_281, %add3A_282 : i32
        %get3A_284 = arith.index_cast %add3A_283 : i32 to index
        %get3A_285 = arith.constant 0 : index
        %get3A_286 = tpu.vector_load %arg7[%get3A_284, %get3A_285] {strides = array<i32>} : memref<128x128xf32, #tpu.memory_space<vmem>>, vector<1x16xf32>,
        %get3A_287 = vector.shape_cast %get3A_286 : vector<1x16xf32> to vector<16xf32>
        %mul3A_288 = arith.constant 8.000000e+00 : f32
        %mul3A_289 = vector.broadcast %mul3A_288 : f32 to vector<16xf32>
        %mul3A_290 = arith.mulf %get3A_287, %mul3A_289 : vector<16xf32>
        %swap3A_291 = arith.index_cast %add3A_283 : i32 to index
        %swap3A_292 = arith.constant 0 : index
        %swap3A_293 = tpu.vector_load %arg11[%swap3A_291, %swap3A_292] {strides = array<i32>} : memref<128x64xf32, #tpu.memory_space<vmem>>, vector<1x16xf32>,
        %swap3A_294 = vector.shape_cast %swap3A_293 : vector<1x16xf32> to vector<16xf32>
        %swap3A_295 = vector.shape_cast %mul3A_290 : vector<16xf32> to vector<1x16xf32>
        tpu.vector_store %arg11[%swap3A_291, %swap3A_292], %swap3A_295 {strides = array<i32>} : memref<128x64xf32, #tpu.memory_space<vmem>>, vector<1x16xf32>,
        %get3A_296 = arith.index_cast %add3A_283 : i32 to index
        %get3A_297 = arith.constant 16 : index
        %get3A_298 = tpu.vector_load %arg7[%get3A_296, %get3A_297] {strides = array<i32>} : memref<128x128xf32, #tpu.memory_space<vmem>>, vector<1x16xf32>,
        %get3A_299 = vector.shape_cast %get3A_298 : vector<1x16xf32> to vector<16xf32>
        %mul3A_300 = arith.constant 8.000000e+00 : f32
        %mul3A_301 = vector.broadcast %mul3A_300 : f32 to vector<16xf32>
        %mul3A_302 = arith.mulf %get3A_299, %mul3A_301 : vector<16xf32>
        %swap3A_303 = arith.index_cast %add3A_283 : i32 to index
        %swap3A_304 = arith.constant 16 : index
        %swap3A_305 = tpu.vector_load %arg11[%swap3A_303, %swap3A_304] {strides = array<i32>} : memref<128x64xf32, #tpu.memory_space<vmem>>, vector<1x16xf32>,
        %swap3A_306 = vector.shape_cast %swap3A_305 : vector<1x16xf32> to vector<16xf32>
        %swap3A_307 = vector.shape_cast %mul3A_302 : vector<16xf32> to vector<1x16xf32>
        tpu.vector_store %arg11[%swap3A_303, %swap3A_304], %swap3A_307 {strides = array<i32>} : memref<128x64xf32, #tpu.memory_space<vmem>>, vector<1x16xf32>,
        %get3A_308 = arith.index_cast %add3A_283 : i32 to index
        %get3A_309 = arith.constant 32 : index
        %get3A_310 = tpu.vector_load %arg7[%get3A_308, %get3A_309] {strides = array<i32>} : memref<128x128xf32, #tpu.memory_space<vmem>>, vector<1x16xf32>,
        %get3A_311 = vector.shape_cast %get3A_310 : vector<1x16xf32> to vector<16xf32>
        %mul3A_312 = arith.constant 8.000000e+00 : f32
        %mul3A_313 = vector.broadcast %mul3A_312 : f32 to vector<16xf32>
        %mul3A_314 = arith.mulf %get3A_311, %mul3A_313 : vector<16xf32>
        %swap3A_315 = arith.index_cast %add3A_283 : i32 to index
        %swap3A_316 = arith.constant 32 : index
        %swap3A_317 = tpu.vector_load %arg11[%swap3A_315, %swap3A_316] {strides = array<i32>} : memref<128x64xf32, #tpu.memory_space<vmem>>, vector<1x16xf32>,
        %swap3A_318 = vector.shape_cast %swap3A_317 : vector<1x16xf32> to vector<16xf32>
        %swap3A_319 = vector.shape_cast %mul3A_314 : vector<16xf32> to vector<1x16xf32>
        tpu.vector_store %arg11[%swap3A_315, %swap3A_316], %swap3A_319 {strides = array<i32>} : memref<128x64xf32, #tpu.memory_space<vmem>>, vector<1x16xf32>,
        %get3A_320 = arith.index_cast %add3A_283 : i32 to index
        %get3A_321 = arith.constant 48 : index
        %get3A_322 = tpu.vector_load %arg7[%get3A_320, %get3A_321] {strides = array<i32>} : memref<128x128xf32, #tpu.memory_space<vmem>>, vector<1x16xf32>,
        %get3A_323 = vector.shape_cast %get3A_322 : vector<1x16xf32> to vector<16xf32>
        %mul3A_324 = arith.constant 8.000000e+00 : f32
        %mul3A_325 = vector.broadcast %mul3A_324 : f32 to vector<16xf32>
        %mul3A_326 = arith.mulf %get3A_323, %mul3A_325 : vector<16xf32>
        %swap3A_327 = arith.index_cast %add3A_283 : i32 to index
        %swap3A_328 = arith.constant 48 : index
        %swap3A_329 = tpu.vector_load %arg11[%swap3A_327, %swap3A_328] {strides = array<i32>} : memref<128x64xf32, #tpu.memory_space<vmem>>, vector<1x16xf32>,
        %swap3A_330 = vector.shape_cast %swap3A_329 : vector<1x16xf32> to vector<16xf32>
        %swap3A_331 = vector.shape_cast %mul3A_326 : vector<16xf32> to vector<1x16xf32>
        tpu.vector_store %arg11[%swap3A_327, %swap3A_328], %swap3A_331 {strides = array<i32>} : memref<128x64xf32, #tpu.memory_space<vmem>>, vector<1x16xf32>,
        %mul3A_332 = arith.constant 8 : i32
        %mul3A_333 = arith.muli %scan3A_177, %mul3A_332 : i32
        %add3A_334 = arith.constant 3 : i32
        %add3A_335 = arith.addi %mul3A_333, %add3A_334 : i32
        %get3A_336 = arith.index_cast %add3A_335 : i32 to index
        %get3A_337 = arith.constant 0 : index
        %get3A_338 = tpu.vector_load %arg7[%get3A_336, %get3A_337] {strides = array<i32>} : memref<128x128xf32, #tpu.memory_space<vmem>>, vector<1x16xf32>,
        %get3A_339 = vector.shape_cast %get3A_338 : vector<1x16xf32> to vector<16xf32>
        %mul3A_340 = arith.constant 8.000000e+00 : f32
        %mul3A_341 = vector.broadcast %mul3A_340 : f32 to vector<16xf32>
        %mul3A_342 = arith.mulf %get3A_339, %mul3A_341 : vector<16xf32>
        %swap3A_343 = arith.index_cast %add3A_335 : i32 to index
        %swap3A_344 = arith.constant 0 : index
        %swap3A_345 = tpu.vector_load %arg11[%swap3A_343, %swap3A_344] {strides = array<i32>} : memref<128x64xf32, #tpu.memory_space<vmem>>, vector<1x16xf32>,
        %swap3A_346 = vector.shape_cast %swap3A_345 : vector<1x16xf32> to vector<16xf32>
        %swap3A_347 = vector.shape_cast %mul3A_342 : vector<16xf32> to vector<1x16xf32>
        tpu.vector_store %arg11[%swap3A_343, %swap3A_344], %swap3A_347 {strides = array<i32>} : memref<128x64xf32, #tpu.memory_space<vmem>>, vector<1x16xf32>,
        %get3A_348 = arith.index_cast %add3A_335 : i32 to index
        %get3A_349 = arith.constant 16 : index
        %get3A_350 = tpu.vector_load %arg7[%get3A_348, %get3A_349] {strides = array<i32>} : memref<128x128xf32, #tpu.memory_space<vmem>>, vector<1x16xf32>,
        %get3A_351 = vector.shape_cast %get3A_350 : vector<1x16xf32> to vector<16xf32>
        %mul3A_352 = arith.constant 8.000000e+00 : f32
        %mul3A_353 = vector.broadcast %mul3A_352 : f32 to vector<16xf32>
        %mul3A_354 = arith.mulf %get3A_351, %mul3A_353 : vector<16xf32>
        %swap3A_355 = arith.index_cast %add3A_335 : i32 to index
        %swap3A_356 = arith.constant 16 : index
        %swap3A_357 = tpu.vector_load %arg11[%swap3A_355, %swap3A_356] {strides = array<i32>} : memref<128x64xf32, #tpu.memory_space<vmem>>, vector<1x16xf32>,
        %swap3A_358 = vector.shape_cast %swap3A_357 : vector<1x16xf32> to vector<16xf32>
        %swap3A_359 = vector.shape_cast %mul3A_354 : vector<16xf32> to vector<1x16xf32>
        tpu.vector_store %arg11[%swap3A_355, %swap3A_356], %swap3A_359 {strides = array<i32>} : memref<128x64xf32, #tpu.memory_space<vmem>>, vector<1x16xf32>,
        %get3A_360 = arith.index_cast %add3A_335 : i32 to index
        %get3A_361 = arith.constant 32 : index
        %get3A_362 = tpu.vector_load %arg7[%get3A_360, %get3A_361] {strides = array<i32>} : memref<128x128xf32, #tpu.memory_space<vmem>>, vector<1x16xf32>,
        %get3A_363 = vector.shape_cast %get3A_362 : vector<1x16xf32> to vector<16xf32>
        %mul3A_364 = arith.constant 8.000000e+00 : f32
        %mul3A_365 = vector.broadcast %mul3A_364 : f32 to vector<16xf32>
        %mul3A_366 = arith.mulf %get3A_363, %mul3A_365 : vector<16xf32>
        %swap3A_367 = arith.index_cast %add3A_335 : i32 to index
        %swap3A_368 = arith.constant 32 : index
        %swap3A_369 = tpu.vector_load %arg11[%swap3A_367, %swap3A_368] {strides = array<i32>} : memref<128x64xf32, #tpu.memory_space<vmem>>, vector<1x16xf32>,
        %swap3A_370 = vector.shape_cast %swap3A_369 : vector<1x16xf32> to vector<16xf32>
        %swap3A_371 = vector.shape_cast %mul3A_366 : vector<16xf32> to vector<1x16xf32>
        tpu.vector_store %arg11[%swap3A_367, %swap3A_368], %swap3A_371 {strides = array<i32>} : memref<128x64xf32, #tpu.memory_space<vmem>>, vector<1x16xf32>,
        %get3A_372 = arith.index_cast %add3A_335 : i32 to index
        %get3A_373 = arith.constant 48 : index
        %get3A_374 = tpu.vector_load %arg7[%get3A_372, %get3A_373] {strides = array<i32>} : memref<128x128xf32, #tpu.memory_space<vmem>>, vector<1x16xf32>,
        %get3A_375 = vector.shape_cast %get3A_374 : vector<1x16xf32> to vector<16xf32>
        %mul3A_376 = arith.constant 8.000000e+00 : f32
        %mul3A_377 = vector.broadcast %mul3A_376 : f32 to vector<16xf32>
        %mul3A_378 = arith.mulf %get3A_375, %mul3A_377 : vector<16xf32>
        %swap3A_379 = arith.index_cast %add3A_335 : i32 to index
        %swap3A_380 = arith.constant 48 : index
        %swap3A_381 = tpu.vector_load %arg11[%swap3A_379, %swap3A_380] {strides = array<i32>} : memref<128x64xf32, #tpu.memory_space<vmem>>, vector<1x16xf32>,
        %swap3A_382 = vector.shape_cast %swap3A_381 : vector<1x16xf32> to vector<16xf32>
        %swap3A_383 = vector.shape_cast %mul3A_378 : vector<16xf32> to vector<1x16xf32>
        tpu.vector_store %arg11[%swap3A_379, %swap3A_380], %swap3A_383 {strides = array<i32>} : memref<128x64xf32, #tpu.memory_space<vmem>>, vector<1x16xf32>,
        %mul3A_384 = arith.constant 8 : i32
        %mul3A_385 = arith.muli %scan3A_177, %mul3A_384 : i32
        %add3A_386 = arith.constant 4 : i32
        %add3A_387 = arith.addi %mul3A_385, %add3A_386 : i32
        %get3A_388 = arith.index_cast %add3A_387 : i32 to index
        %get3A_389 = arith.constant 0 : index
        %get3A_390 = tpu.vector_load %arg7[%get3A_388, %get3A_389] {strides = array<i32>} : memref<128x128xf32, #tpu.memory_space<vmem>>, vector<1x16xf32>,
        %get3A_391 = vector.shape_cast %get3A_390 : vector<1x16xf32> to vector<16xf32>
        %mul3A_392 = arith.constant 8.000000e+00 : f32
        %mul3A_393 = vector.broadcast %mul3A_392 : f32 to vector<16xf32>
        %mul3A_394 = arith.mulf %get3A_391, %mul3A_393 : vector<16xf32>
        %swap3A_395 = arith.index_cast %add3A_387 : i32 to index
        %swap3A_396 = arith.constant 0 : index
        %swap3A_397 = tpu.vector_load %arg11[%swap3A_395, %swap3A_396] {strides = array<i32>} : memref<128x64xf32, #tpu.memory_space<vmem>>, vector<1x16xf32>,
        %swap3A_398 = vector.shape_cast %swap3A_397 : vector<1x16xf32> to vector<16xf32>
        %swap3A_399 = vector.shape_cast %mul3A_394 : vector<16xf32> to vector<1x16xf32>
        tpu.vector_store %arg11[%swap3A_395, %swap3A_396], %swap3A_399 {strides = array<i32>} : memref<128x64xf32, #tpu.memory_space<vmem>>, vector<1x16xf32>,
        %get3A_400 = arith.index_cast %add3A_387 : i32 to index
        %get3A_401 = arith.constant 16 : index
        %get3A_402 = tpu.vector_load %arg7[%get3A_400, %get3A_401] {strides = array<i32>} : memref<128x128xf32, #tpu.memory_space<vmem>>, vector<1x16xf32>,
        %get3A_403 = vector.shape_cast %get3A_402 : vector<1x16xf32> to vector<16xf32>
        %mul3A_404 = arith.constant 8.000000e+00 : f32
        %mul3A_405 = vector.broadcast %mul3A_404 : f32 to vector<16xf32>
        %mul3A_406 = arith.mulf %get3A_403, %mul3A_405 : vector<16xf32>
        %swap3A_407 = arith.index_cast %add3A_387 : i32 to index
        %swap3A_408 = arith.constant 16 : index
        %swap3A_409 = tpu.vector_load %arg11[%swap3A_407, %swap3A_408] {strides = array<i32>} : memref<128x64xf32, #tpu.memory_space<vmem>>, vector<1x16xf32>,
        %swap3A_410 = vector.shape_cast %swap3A_409 : vector<1x16xf32> to vector<16xf32>
        %swap3A_411 = vector.shape_cast %mul3A_406 : vector<16xf32> to vector<1x16xf32>
        tpu.vector_store %arg11[%swap3A_407, %swap3A_408], %swap3A_411 {strides = array<i32>} : memref<128x64xf32, #tpu.memory_space<vmem>>, vector<1x16xf32>,
        %get3A_412 = arith.index_cast %add3A_387 : i32 to index
        %get3A_413 = arith.constant 32 : index
        %get3A_414 = tpu.vector_load %arg7[%get3A_412, %get3A_413] {strides = array<i32>} : memref<128x128xf32, #tpu.memory_space<vmem>>, vector<1x16xf32>,
        %get3A_415 = vector.shape_cast %get3A_414 : vector<1x16xf32> to vector<16xf32>
        %mul3A_416 = arith.constant 8.000000e+00 : f32
        %mul3A_417 = vector.broadcast %mul3A_416 : f32 to vector<16xf32>
        %mul3A_418 = arith.mulf %get3A_415, %mul3A_417 : vector<16xf32>
        %swap3A_419 = arith.index_cast %add3A_387 : i32 to index
        %swap3A_420 = arith.constant 32 : index
        %swap3A_421 = tpu.vector_load %arg11[%swap3A_419, %swap3A_420] {strides = array<i32>} : memref<128x64xf32, #tpu.memory_space<vmem>>, vector<1x16xf32>,
        %swap3A_422 = vector.shape_cast %swap3A_421 : vector<1x16xf32> to vector<16xf32>
        %swap3A_423 = vector.shape_cast %mul3A_418 : vector<16xf32> to vector<1x16xf32>
        tpu.vector_store %arg11[%swap3A_419, %swap3A_420], %swap3A_423 {strides = array<i32>} : memref<128x64xf32, #tpu.memory_space<vmem>>, vector<1x16xf32>,
        %get3A_424 = arith.index_cast %add3A_387 : i32 to index
        %get3A_425 = arith.constant 48 : index
        %get3A_426 = tpu.vector_load %arg7[%get3A_424, %get3A_425] {strides = array<i32>} : memref<128x128xf32, #tpu.memory_space<vmem>>, vector<1x16xf32>,
        %get3A_427 = vector.shape_cast %get3A_426 : vector<1x16xf32> to vector<16xf32>
        %mul3A_428 = arith.constant 8.000000e+00 : f32
        %mul3A_429 = vector.broadcast %mul3A_428 : f32 to vector<16xf32>
        %mul3A_430 = arith.mulf %get3A_427, %mul3A_429 : vector<16xf32>
        %swap3A_431 = arith.index_cast %add3A_387 : i32 to index
        %swap3A_432 = arith.constant 48 : index
        %swap3A_433 = tpu.vector_load %arg11[%swap3A_431, %swap3A_432] {strides = array<i32>} : memref<128x64xf32, #tpu.memory_space<vmem>>, vector<1x16xf32>,
        %swap3A_434 = vector.shape_cast %swap3A_433 : vector<1x16xf32> to vector<16xf32>
        %swap3A_435 = vector.shape_cast %mul3A_430 : vector<16xf32> to vector<1x16xf32>
        tpu.vector_store %arg11[%swap3A_431, %swap3A_432], %swap3A_435 {strides = array<i32>} : memref<128x64xf32, #tpu.memory_space<vmem>>, vector<1x16xf32>,
        %mul3A_436 = arith.constant 8 : i32
        %mul3A_437 = arith.muli %scan3A_177, %mul3A_436 : i32
        %add3A_438 = arith.constant 5 : i32
        %add3A_439 = arith.addi %mul3A_437, %add3A_438 : i32
        %get3A_440 = arith.index_cast %add3A_439 : i32 to index
        %get3A_441 = arith.constant 0 : index
        %get3A_442 = tpu.vector_load %arg7[%get3A_440, %get3A_441] {strides = array<i32>} : memref<128x128xf32, #tpu.memory_space<vmem>>, vector<1x16xf32>,
        %get3A_443 = vector.shape_cast %get3A_442 : vector<1x16xf32> to vector<16xf32>
        %mul3A_444 = arith.constant 8.000000e+00 : f32
        %mul3A_445 = vector.broadcast %mul3A_444 : f32 to vector<16xf32>
        %mul3A_446 = arith.mulf %get3A_443, %mul3A_445 : vector<16xf32>
        %swap3A_447 = arith.index_cast %add3A_439 : i32 to index
        %swap3A_448 = arith.constant 0 : index
        %swap3A_449 = tpu.vector_load %arg11[%swap3A_447, %swap3A_448] {strides = array<i32>} : memref<128x64xf32, #tpu.memory_space<vmem>>, vector<1x16xf32>,
        %swap3A_450 = vector.shape_cast %swap3A_449 : vector<1x16xf32> to vector<16xf32>
        %swap3A_451 = vector.shape_cast %mul3A_446 : vector<16xf32> to vector<1x16xf32>
        tpu.vector_store %arg11[%swap3A_447, %swap3A_448], %swap3A_451 {strides = array<i32>} : memref<128x64xf32, #tpu.memory_space<vmem>>, vector<1x16xf32>,
        %get3A_452 = arith.index_cast %add3A_439 : i32 to index
        %get3A_453 = arith.constant 16 : index
        %get3A_454 = tpu.vector_load %arg7[%get3A_452, %get3A_453] {strides = array<i32>} : memref<128x128xf32, #tpu.memory_space<vmem>>, vector<1x16xf32>,
        %get3A_455 = vector.shape_cast %get3A_454 : vector<1x16xf32> to vector<16xf32>
        %mul3A_456 = arith.constant 8.000000e+00 : f32
        %mul3A_457 = vector.broadcast %mul3A_456 : f32 to vector<16xf32>
        %mul3A_458 = arith.mulf %get3A_455, %mul3A_457 : vector<16xf32>
        %swap3A_459 = arith.index_cast %add3A_439 : i32 to index
        %swap3A_460 = arith.constant 16 : index
        %swap3A_461 = tpu.vector_load %arg11[%swap3A_459, %swap3A_460] {strides = array<i32>} : memref<128x64xf32, #tpu.memory_space<vmem>>, vector<1x16xf32>,
        %swap3A_462 = vector.shape_cast %swap3A_461 : vector<1x16xf32> to vector<16xf32>
        %swap3A_463 = vector.shape_cast %mul3A_458 : vector<16xf32> to vector<1x16xf32>
        tpu.vector_store %arg11[%swap3A_459, %swap3A_460], %swap3A_463 {strides = array<i32>} : memref<128x64xf32, #tpu.memory_space<vmem>>, vector<1x16xf32>,
        %get3A_464 = arith.index_cast %add3A_439 : i32 to index
        %get3A_465 = arith.constant 32 : index
        %get3A_466 = tpu.vector_load %arg7[%get3A_464, %get3A_465] {strides = array<i32>} : memref<128x128xf32, #tpu.memory_space<vmem>>, vector<1x16xf32>,
        %get3A_467 = vector.shape_cast %get3A_466 : vector<1x16xf32> to vector<16xf32>
        %mul3A_468 = arith.constant 8.000000e+00 : f32
        %mul3A_469 = vector.broadcast %mul3A_468 : f32 to vector<16xf32>
        %mul3A_470 = arith.mulf %get3A_467, %mul3A_469 : vector<16xf32>
        %swap3A_471 = arith.index_cast %add3A_439 : i32 to index
        %swap3A_472 = arith.constant 32 : index
        %swap3A_473 = tpu.vector_load %arg11[%swap3A_471, %swap3A_472] {strides = array<i32>} : memref<128x64xf32, #tpu.memory_space<vmem>>, vector<1x16xf32>,
        %swap3A_474 = vector.shape_cast %swap3A_473 : vector<1x16xf32> to vector<16xf32>
        %swap3A_475 = vector.shape_cast %mul3A_470 : vector<16xf32> to vector<1x16xf32>
        tpu.vector_store %arg11[%swap3A_471, %swap3A_472], %swap3A_475 {strides = array<i32>} : memref<128x64xf32, #tpu.memory_space<vmem>>, vector<1x16xf32>,
        %get3A_476 = arith.index_cast %add3A_439 : i32 to index
        %get3A_477 = arith.constant 48 : index
        %get3A_478 = tpu.vector_load %arg7[%get3A_476, %get3A_477] {strides = array<i32>} : memref<128x128xf32, #tpu.memory_space<vmem>>, vector<1x16xf32>,
        %get3A_479 = vector.shape_cast %get3A_478 : vector<1x16xf32> to vector<16xf32>
        %mul3A_480 = arith.constant 8.000000e+00 : f32
        %mul3A_481 = vector.broadcast %mul3A_480 : f32 to vector<16xf32>
        %mul3A_482 = arith.mulf %get3A_479, %mul3A_481 : vector<16xf32>
        %swap3A_483 = arith.index_cast %add3A_439 : i32 to index
        %swap3A_484 = arith.constant 48 : index
        %swap3A_485 = tpu.vector_load %arg11[%swap3A_483, %swap3A_484] {strides = array<i32>} : memref<128x64xf32, #tpu.memory_space<vmem>>, vector<1x16xf32>,
        %swap3A_486 = vector.shape_cast %swap3A_485 : vector<1x16xf32> to vector<16xf32>
        %swap3A_487 = vector.shape_cast %mul3A_482 : vector<16xf32> to vector<1x16xf32>
        tpu.vector_store %arg11[%swap3A_483, %swap3A_484], %swap3A_487 {strides = array<i32>} : memref<128x64xf32, #tpu.memory_space<vmem>>, vector<1x16xf32>,
        %mul3A_488 = arith.constant 8 : i32
        %mul3A_489 = arith.muli %scan3A_177, %mul3A_488 : i32
        %add3A_490 = arith.constant 6 : i32
        %add3A_491 = arith.addi %mul3A_489, %add3A_490 : i32
        %get3A_492 = arith.index_cast %add3A_491 : i32 to index
        %get3A_493 = arith.constant 0 : index
        %get3A_494 = tpu.vector_load %arg7[%get3A_492, %get3A_493] {strides = array<i32>} : memref<128x128xf32, #tpu.memory_space<vmem>>, vector<1x16xf32>,
        %get3A_495 = vector.shape_cast %get3A_494 : vector<1x16xf32> to vector<16xf32>
        %mul3A_496 = arith.constant 8.000000e+00 : f32
        %mul3A_497 = vector.broadcast %mul3A_496 : f32 to vector<16xf32>
        %mul3A_498 = arith.mulf %get3A_495, %mul3A_497 : vector<16xf32>
        %swap3A_499 = arith.index_cast %add3A_491 : i32 to index
        %swap3A_500 = arith.constant 0 : index
        %swap3A_501 = tpu.vector_load %arg11[%swap3A_499, %swap3A_500] {strides = array<i32>} : memref<128x64xf32, #tpu.memory_space<vmem>>, vector<1x16xf32>,
        %swap3A_502 = vector.shape_cast %swap3A_501 : vector<1x16xf32> to vector<16xf32>
        %swap3A_503 = vector.shape_cast %mul3A_498 : vector<16xf32> to vector<1x16xf32>
        tpu.vector_store %arg11[%swap3A_499, %swap3A_500], %swap3A_503 {strides = array<i32>} : memref<128x64xf32, #tpu.memory_space<vmem>>, vector<1x16xf32>,
        %get3A_504 = arith.index_cast %add3A_491 : i32 to index
        %get3A_505 = arith.constant 16 : index
        %get3A_506 = tpu.vector_load %arg7[%get3A_504, %get3A_505] {strides = array<i32>} : memref<128x128xf32, #tpu.memory_space<vmem>>, vector<1x16xf32>,
        %get3A_507 = vector.shape_cast %get3A_506 : vector<1x16xf32> to vector<16xf32>
        %mul3A_508 = arith.constant 8.000000e+00 : f32
        %mul3A_509 = vector.broadcast %mul3A_508 : f32 to vector<16xf32>
        %mul3A_510 = arith.mulf %get3A_507, %mul3A_509 : vector<16xf32>
        %swap3A_511 = arith.index_cast %add3A_491 : i32 to index
        %swap3A_512 = arith.constant 16 : index
        %swap3A_513 = tpu.vector_load %arg11[%swap3A_511, %swap3A_512] {strides = array<i32>} : memref<128x64xf32, #tpu.memory_space<vmem>>, vector<1x16xf32>,
        %swap3A_514 = vector.shape_cast %swap3A_513 : vector<1x16xf32> to vector<16xf32>
        %swap3A_515 = vector.shape_cast %mul3A_510 : vector<16xf32> to vector<1x16xf32>
        tpu.vector_store %arg11[%swap3A_511, %swap3A_512], %swap3A_515 {strides = array<i32>} : memref<128x64xf32, #tpu.memory_space<vmem>>, vector<1x16xf32>,
        %get3A_516 = arith.index_cast %add3A_491 : i32 to index
        %get3A_517 = arith.constant 32 : index
        %get3A_518 = tpu.vector_load %arg7[%get3A_516, %get3A_517] {strides = array<i32>} : memref<128x128xf32, #tpu.memory_space<vmem>>, vector<1x16xf32>,
        %get3A_519 = vector.shape_cast %get3A_518 : vector<1x16xf32> to vector<16xf32>
        %mul3A_520 = arith.constant 8.000000e+00 : f32
        %mul3A_521 = vector.broadcast %mul3A_520 : f32 to vector<16xf32>
        %mul3A_522 = arith.mulf %get3A_519, %mul3A_521 : vector<16xf32>
        %swap3A_523 = arith.index_cast %add3A_491 : i32 to index
        %swap3A_524 = arith.constant 32 : index
        %swap3A_525 = tpu.vector_load %arg11[%swap3A_523, %swap3A_524] {strides = array<i32>} : memref<128x64xf32, #tpu.memory_space<vmem>>, vector<1x16xf32>,
        %swap3A_526 = vector.shape_cast %swap3A_525 : vector<1x16xf32> to vector<16xf32>
        %swap3A_527 = vector.shape_cast %mul3A_522 : vector<16xf32> to vector<1x16xf32>
        tpu.vector_store %arg11[%swap3A_523, %swap3A_524], %swap3A_527 {strides = array<i32>} : memref<128x64xf32, #tpu.memory_space<vmem>>, vector<1x16xf32>,
        %get3A_528 = arith.index_cast %add3A_491 : i32 to index
        %get3A_529 = arith.constant 48 : index
        %get3A_530 = tpu.vector_load %arg7[%get3A_528, %get3A_529] {strides = array<i32>} : memref<128x128xf32, #tpu.memory_space<vmem>>, vector<1x16xf32>,
        %get3A_531 = vector.shape_cast %get3A_530 : vector<1x16xf32> to vector<16xf32>
        %mul3A_532 = arith.constant 8.000000e+00 : f32
        %mul3A_533 = vector.broadcast %mul3A_532 : f32 to vector<16xf32>
        %mul3A_534 = arith.mulf %get3A_531, %mul3A_533 : vector<16xf32>
        %swap3A_535 = arith.index_cast %add3A_491 : i32 to index
        %swap3A_536 = arith.constant 48 : index
        %swap3A_537 = tpu.vector_load %arg11[%swap3A_535, %swap3A_536] {strides = array<i32>} : memref<128x64xf32, #tpu.memory_space<vmem>>, vector<1x16xf32>,
        %swap3A_538 = vector.shape_cast %swap3A_537 : vector<1x16xf32> to vector<16xf32>
        %swap3A_539 = vector.shape_cast %mul3A_534 : vector<16xf32> to vector<1x16xf32>
        tpu.vector_store %arg11[%swap3A_535, %swap3A_536], %swap3A_539 {strides = array<i32>} : memref<128x64xf32, #tpu.memory_space<vmem>>, vector<1x16xf32>,
        %mul3A_540 = arith.constant 8 : i32
        %mul3A_541 = arith.muli %scan3A_177, %mul3A_540 : i32
        %add3A_542 = arith.constant 7 : i32
        %add3A_543 = arith.addi %mul3A_541, %add3A_542 : i32
        %get3A_544 = arith.index_cast %add3A_543 : i32 to index
        %get3A_545 = arith.constant 0 : index
        %get3A_546 = tpu.vector_load %arg7[%get3A_544, %get3A_545] {strides = array<i32>} : memref<128x128xf32, #tpu.memory_space<vmem>>, vector<1x16xf32>,
        %get3A_547 = vector.shape_cast %get3A_546 : vector<1x16xf32> to vector<16xf32>
        %mul3A_548 = arith.constant 8.000000e+00 : f32
        %mul3A_549 = vector.broadcast %mul3A_548 : f32 to vector<16xf32>
        %mul3A_550 = arith.mulf %get3A_547, %mul3A_549 : vector<16xf32>
        %swap3A_551 = arith.index_cast %add3A_543 : i32 to index
        %swap3A_552 = arith.constant 0 : index
        %swap3A_553 = tpu.vector_load %arg11[%swap3A_551, %swap3A_552] {strides = array<i32>} : memref<128x64xf32, #tpu.memory_space<vmem>>, vector<1x16xf32>,
        %swap3A_554 = vector.shape_cast %swap3A_553 : vector<1x16xf32> to vector<16xf32>
        %swap3A_555 = vector.shape_cast %mul3A_550 : vector<16xf32> to vector<1x16xf32>
        tpu.vector_store %arg11[%swap3A_551, %swap3A_552], %swap3A_555 {strides = array<i32>} : memref<128x64xf32, #tpu.memory_space<vmem>>, vector<1x16xf32>,
        %get3A_556 = arith.index_cast %add3A_543 : i32 to index
        %get3A_557 = arith.constant 16 : index
        %get3A_558 = tpu.vector_load %arg7[%get3A_556, %get3A_557] {strides = array<i32>} : memref<128x128xf32, #tpu.memory_space<vmem>>, vector<1x16xf32>,
        %get3A_559 = vector.shape_cast %get3A_558 : vector<1x16xf32> to vector<16xf32>
        %mul3A_560 = arith.constant 8.000000e+00 : f32
        %mul3A_561 = vector.broadcast %mul3A_560 : f32 to vector<16xf32>
        %mul3A_562 = arith.mulf %get3A_559, %mul3A_561 : vector<16xf32>
        %swap3A_563 = arith.index_cast %add3A_543 : i32 to index
        %swap3A_564 = arith.constant 16 : index
        %swap3A_565 = tpu.vector_load %arg11[%swap3A_563, %swap3A_564] {strides = array<i32>} : memref<128x64xf32, #tpu.memory_space<vmem>>, vector<1x16xf32>,
        %swap3A_566 = vector.shape_cast %swap3A_565 : vector<1x16xf32> to vector<16xf32>
        %swap3A_567 = vector.shape_cast %mul3A_562 : vector<16xf32> to vector<1x16xf32>
        tpu.vector_store %arg11[%swap3A_563, %swap3A_564], %swap3A_567 {strides = array<i32>} : memref<128x64xf32, #tpu.memory_space<vmem>>, vector<1x16xf32>,
        %get3A_568 = arith.index_cast %add3A_543 : i32 to index
        %get3A_569 = arith.constant 32 : index
        %get3A_570 = tpu.vector_load %arg7[%get3A_568, %get3A_569] {strides = array<i32>} : memref<128x128xf32, #tpu.memory_space<vmem>>, vector<1x16xf32>,
        %get3A_571 = vector.shape_cast %get3A_570 : vector<1x16xf32> to vector<16xf32>
        %mul3A_572 = arith.constant 8.000000e+00 : f32
        %mul3A_573 = vector.broadcast %mul3A_572 : f32 to vector<16xf32>
        %mul3A_574 = arith.mulf %get3A_571, %mul3A_573 : vector<16xf32>
        %swap3A_575 = arith.index_cast %add3A_543 : i32 to index
        %swap3A_576 = arith.constant 32 : index
        %swap3A_577 = tpu.vector_load %arg11[%swap3A_575, %swap3A_576] {strides = array<i32>} : memref<128x64xf32, #tpu.memory_space<vmem>>, vector<1x16xf32>,
        %swap3A_578 = vector.shape_cast %swap3A_577 : vector<1x16xf32> to vector<16xf32>
        %swap3A_579 = vector.shape_cast %mul3A_574 : vector<16xf32> to vector<1x16xf32>
        tpu.vector_store %arg11[%swap3A_575, %swap3A_576], %swap3A_579 {strides = array<i32>} : memref<128x64xf32, #tpu.memory_space<vmem>>, vector<1x16xf32>,
        %get3A_580 = arith.index_cast %add3A_543 : i32 to index
        %get3A_581 = arith.constant 48 : index
        %get3A_582 = tpu.vector_load %arg7[%get3A_580, %get3A_581] {strides = array<i32>} : memref<128x128xf32, #tpu.memory_space<vmem>>, vector<1x16xf32>,
        %get3A_583 = vector.shape_cast %get3A_582 : vector<1x16xf32> to vector<16xf32>
        %mul3A_584 = arith.constant 8.000000e+00 : f32
        %mul3A_585 = vector.broadcast %mul3A_584 : f32 to vector<16xf32>
        %mul3A_586 = arith.mulf %get3A_583, %mul3A_585 : vector<16xf32>
        %swap3A_587 = arith.index_cast %add3A_543 : i32 to index
        %swap3A_588 = arith.constant 48 : index
        %swap3A_589 = tpu.vector_load %arg11[%swap3A_587, %swap3A_588] {strides = array<i32>} : memref<128x64xf32, #tpu.memory_space<vmem>>, vector<1x16xf32>,
        %swap3A_590 = vector.shape_cast %swap3A_589 : vector<1x16xf32> to vector<16xf32>
        %swap3A_591 = vector.shape_cast %mul3A_586 : vector<16xf32> to vector<1x16xf32>
        tpu.vector_store %arg11[%swap3A_587, %swap3A_588], %swap3A_591 {strides = array<i32>} : memref<128x64xf32, #tpu.memory_space<vmem>>, vector<1x16xf32>,
      }
      %scan3A_94 = arith.constant 16 : i32
      %add3A_95 = arith.constant 4 : i32
      %add3A_96 = arith.addi %add3A_76, %add3A_95 : i32
      %lt3A_97 = arith.constant 200 : i32
      %lt3A_98 = arith.cmpi slt, %add3A_96, %lt3A_97 : i32
      %convert_element_type3A_99 = arith.extui %lt3A_98 : i1 to i32
      %cond3A_100 = arith.constant 0 : i32
      %cond3A_101 = arith.cmpi ne, %convert_element_type3A_99, %cond3A_100 : i32
      scf.if %cond3A_101 {
        %add3A_177 = arith.constant 4 : i32
        %add3A_178 = arith.addi %add3A_76, %add3A_177 : i32
        %dma_start3A_179 = arith.constant 0 : i32
        %dma_start3A_180 = tpu.memref_slice %arg5[%add3A_178, %dma_start3A_179] : memref<200x128xi32, #tpu.memory_space<vmem>> -> memref<1x128xi32, #tpu.memory_space<vmem>>
        %dma_start3A_181 = tpu.memref_squeeze %dma_start3A_180 : memref<1x128xi32, #tpu.memory_space<vmem>> -> memref<128xi32, #tpu.memory_space<vmem>>
        %dma_start3A_182 = arith.constant 0 : i32
        %dma_start3A_183 = arith.constant 0 : i32
        %dma_start3A_184 = tpu.memref_slice %arg3[%dma_start3A_182, %dma_start3A_183] : memref<1000000x128xf32, #tpu.memory_space<hbm>> -> memref<1000000x128xf32, #tpu.memory_space<hbm>>
        tpu.enqueue_indirect_dma source(%dma_start3A_184 : memref<1000000x128xf32, #tpu.memory_space<hbm>>) target(%arg7 : memref<128x128xf32, #tpu.memory_space<vmem>>) offsets(%dma_start3A_181 : memref<128xi32, #tpu.memory_space<vmem>>) semaphore(%arg13 : memref<!tpu.dma_semaphore, #tpu.memory_space<semaphore_mem>>)
      } else {
      }
      %mul3A_102 = arith.constant 128 : i32
      %mul3A_103 = arith.muli %add3A_76, %mul3A_102 : i32
      %add3A_104 = arith.addi %mul3A_2, %mul3A_103 : i32
      %dma_start3A_105 = arith.constant 0 : i32
      %dma_start3A_106 = tpu.memref_slice %arg4[%add3A_104, %dma_start3A_105] : memref<819200x64xf32, #tpu.memory_space<hbm>> -> memref<128x64xf32, #tpu.memory_space<hbm>>
      %dma_start3A_107 = arith.constant 0 : i32
      %dma_start3A_108 = tpu.memref_slice %arg4[%add3A_104, %dma_start3A_107] : memref<819200x64xf32, #tpu.memory_space<hbm>> -> memref<128x64xf32, #tpu.memory_space<hbm>>
      tpu.enqueue_dma source(%arg11 : memref<128x64xf32, #tpu.memory_space<vmem>>) target(%dma_start3A_108 : memref<128x64xf32, #tpu.memory_space<hbm>>) target_semaphore(%arg17 : memref<!tpu.dma_semaphore, #tpu.memory_space<semaphore_mem>>)
      %add3A_109 = arith.constant 2 : i32
      %add3A_110 = arith.addi %mul3A_44, %add3A_109 : i32
      %dma_wait3A_111 = arith.constant 0 : i32
      %dma_wait3A_112 = arith.constant 0 : i32
      %dma_wait3A_113 = tpu.memref_slice %arg5[%dma_wait3A_111, %dma_wait3A_112] : memref<200x128xi32, #tpu.memory_space<vmem>> -> memref<1x128xi32, #tpu.memory_space<vmem>>
      %dma_wait3A_114 = tpu.memref_squeeze %dma_wait3A_113 : memref<1x128xi32, #tpu.memory_space<vmem>> -> memref<128xi32, #tpu.memory_space<vmem>>
      %dma_wait3A_115 = arith.constant 0 : i32
      %dma_wait3A_116 = arith.constant 0 : i32
      %dma_wait3A_117 = tpu.memref_slice %arg3[%dma_wait3A_115, %dma_wait3A_116] : memref<1000000x128xf32, #tpu.memory_space<hbm>> -> memref<1000000x128xf32, #tpu.memory_space<hbm>>
      tpu.wait_indirect_dma semaphore(%arg14 : memref<!tpu.dma_semaphore, #tpu.memory_space<semaphore_mem>>) src(%dma_wait3A_117 : memref<1000000x128xf32, #tpu.memory_space<hbm>>) dst(%arg8 : memref<128x128xf32, #tpu.memory_space<vmem>>)
      %ge3A_118 = arith.constant 2 : i32
      %ge3A_119 = arith.cmpi sge, %add3A_110, %ge3A_118 : i32
      %convert_element_type3A_120 = arith.extui %ge3A_119 : i1 to i32
      %cond3A_121 = arith.constant 0 : i32
      %cond3A_122 = arith.cmpi ne, %convert_element_type3A_120, %cond3A_121 : i32
      scf.if %cond3A_122 {
        %dma_wait3A_177 = arith.constant 0 : i32
        %dma_wait3A_178 = tpu.memref_slice %arg4[%mul3A_2, %dma_wait3A_177] : memref<819200x64xf32, #tpu.memory_space<hbm>> -> memref<128x64xf32, #tpu.memory_space<hbm>>
        %dma_wait3A_179 = arith.constant 0 : i32
        %dma_wait3A_180 = tpu.memref_slice %arg4[%mul3A_2, %dma_wait3A_179] : memref<819200x64xf32, #tpu.memory_space<hbm>> -> memref<128x64xf32, #tpu.memory_space<hbm>>
        tpu.wait_dma2 semaphore(%arg16 : memref<!tpu.dma_semaphore, #tpu.memory_space<semaphore_mem>>) src(%arg10 : memref<128x64xf32, #tpu.memory_space<vmem>>) dst(%dma_wait3A_180 : memref<128x64xf32, #tpu.memory_space<hbm>>)
      } else {
      }
      %scan3A_123 = arith.constant 0 : i32
      %scan3A_124 = arith.constant 0 : i32
      %scan3A_125 = arith.constant 16 : i32
      %scan3A_126 = arith.addi %scan3A_124, %scan3A_125 : i32
      %scan3A_127 = arith.constant 1 : i32
      scf.for %scan3A_177 = %scan3A_124 to %scan3A_126 step %scan3A_127  : i32 {
        %mul3A_178 = arith.constant 8 : i32
        %mul3A_179 = arith.muli %scan3A_177, %mul3A_178 : i32
        %add3A_180 = arith.constant 0 : i32
        %add3A_181 = arith.addi %mul3A_179, %add3A_180 : i32
        %get3A = arith.index_cast %add3A_181 : i32 to index
        %get3A_182 = arith.constant 0 : index
        %get3A_183 = tpu.vector_load %arg8[%get3A, %get3A_182] {strides = array<i32>} : memref<128x128xf32, #tpu.memory_space<vmem>>, vector<1x16xf32>,
        %get3A_184 = vector.shape_cast %get3A_183 : vector<1x16xf32> to vector<16xf32>
        %mul3A_185 = arith.constant 8.000000e+00 : f32
        %mul3A_186 = vector.broadcast %mul3A_185 : f32 to vector<16xf32>
        %mul3A_187 = arith.mulf %get3A_184, %mul3A_186 : vector<16xf32>
        %swap3A = arith.index_cast %add3A_181 : i32 to index
        %swap3A_188 = arith.constant 0 : index
        %swap3A_189 = tpu.vector_load %arg10[%swap3A, %swap3A_188] {strides = array<i32>} : memref<128x64xf32, #tpu.memory_space<vmem>>, vector<1x16xf32>,
        %swap3A_190 = vector.shape_cast %swap3A_189 : vector<1x16xf32> to vector<16xf32>
        %swap3A_191 = vector.shape_cast %mul3A_187 : vector<16xf32> to vector<1x16xf32>
        tpu.vector_store %arg10[%swap3A, %swap3A_188], %swap3A_191 {strides = array<i32>} : memref<128x64xf32, #tpu.memory_space<vmem>>, vector<1x16xf32>,
        %get3A_192 = arith.index_cast %add3A_181 : i32 to index
        %get3A_193 = arith.constant 16 : index
        %get3A_194 = tpu.vector_load %arg8[%get3A_192, %get3A_193] {strides = array<i32>} : memref<128x128xf32, #tpu.memory_space<vmem>>, vector<1x16xf32>,
        %get3A_195 = vector.shape_cast %get3A_194 : vector<1x16xf32> to vector<16xf32>
        %mul3A_196 = arith.constant 8.000000e+00 : f32
        %mul3A_197 = vector.broadcast %mul3A_196 : f32 to vector<16xf32>
        %mul3A_198 = arith.mulf %get3A_195, %mul3A_197 : vector<16xf32>
        %swap3A_199 = arith.index_cast %add3A_181 : i32 to index
        %swap3A_200 = arith.constant 16 : index
        %swap3A_201 = tpu.vector_load %arg10[%swap3A_199, %swap3A_200] {strides = array<i32>} : memref<128x64xf32, #tpu.memory_space<vmem>>, vector<1x16xf32>,
        %swap3A_202 = vector.shape_cast %swap3A_201 : vector<1x16xf32> to vector<16xf32>
        %swap3A_203 = vector.shape_cast %mul3A_198 : vector<16xf32> to vector<1x16xf32>
        tpu.vector_store %arg10[%swap3A_199, %swap3A_200], %swap3A_203 {strides = array<i32>} : memref<128x64xf32, #tpu.memory_space<vmem>>, vector<1x16xf32>,
        %get3A_204 = arith.index_cast %add3A_181 : i32 to index
        %get3A_205 = arith.constant 32 : index
        %get3A_206 = tpu.vector_load %arg8[%get3A_204, %get3A_205] {strides = array<i32>} : memref<128x128xf32, #tpu.memory_space<vmem>>, vector<1x16xf32>,
        %get3A_207 = vector.shape_cast %get3A_206 : vector<1x16xf32> to vector<16xf32>
        %mul3A_208 = arith.constant 8.000000e+00 : f32
        %mul3A_209 = vector.broadcast %mul3A_208 : f32 to vector<16xf32>
        %mul3A_210 = arith.mulf %get3A_207, %mul3A_209 : vector<16xf32>
        %swap3A_211 = arith.index_cast %add3A_181 : i32 to index
        %swap3A_212 = arith.constant 32 : index
        %swap3A_213 = tpu.vector_load %arg10[%swap3A_211, %swap3A_212] {strides = array<i32>} : memref<128x64xf32, #tpu.memory_space<vmem>>, vector<1x16xf32>,
        %swap3A_214 = vector.shape_cast %swap3A_213 : vector<1x16xf32> to vector<16xf32>
        %swap3A_215 = vector.shape_cast %mul3A_210 : vector<16xf32> to vector<1x16xf32>
        tpu.vector_store %arg10[%swap3A_211, %swap3A_212], %swap3A_215 {strides = array<i32>} : memref<128x64xf32, #tpu.memory_space<vmem>>, vector<1x16xf32>,
        %get3A_216 = arith.index_cast %add3A_181 : i32 to index
        %get3A_217 = arith.constant 48 : index
        %get3A_218 = tpu.vector_load %arg8[%get3A_216, %get3A_217] {strides = array<i32>} : memref<128x128xf32, #tpu.memory_space<vmem>>, vector<1x16xf32>,
        %get3A_219 = vector.shape_cast %get3A_218 : vector<1x16xf32> to vector<16xf32>
        %mul3A_220 = arith.constant 8.000000e+00 : f32
        %mul3A_221 = vector.broadcast %mul3A_220 : f32 to vector<16xf32>
        %mul3A_222 = arith.mulf %get3A_219, %mul3A_221 : vector<16xf32>
        %swap3A_223 = arith.index_cast %add3A_181 : i32 to index
        %swap3A_224 = arith.constant 48 : index
        %swap3A_225 = tpu.vector_load %arg10[%swap3A_223, %swap3A_224] {strides = array<i32>} : memref<128x64xf32, #tpu.memory_space<vmem>>, vector<1x16xf32>,
        %swap3A_226 = vector.shape_cast %swap3A_225 : vector<1x16xf32> to vector<16xf32>
        %swap3A_227 = vector.shape_cast %mul3A_222 : vector<16xf32> to vector<1x16xf32>
        tpu.vector_store %arg10[%swap3A_223, %swap3A_224], %swap3A_227 {strides = array<i32>} : memref<128x64xf32, #tpu.memory_space<vmem>>, vector<1x16xf32>,
        %mul3A_228 = arith.constant 8 : i32
        %mul3A_229 = arith.muli %scan3A_177, %mul3A_228 : i32
        %add3A_230 = arith.constant 1 : i32
        %add3A_231 = arith.addi %mul3A_229, %add3A_230 : i32
        %get3A_232 = arith.index_cast %add3A_231 : i32 to index
        %get3A_233 = arith.constant 0 : index
        %get3A_234 = tpu.vector_load %arg8[%get3A_232, %get3A_233] {strides = array<i32>} : memref<128x128xf32, #tpu.memory_space<vmem>>, vector<1x16xf32>,
        %get3A_235 = vector.shape_cast %get3A_234 : vector<1x16xf32> to vector<16xf32>
        %mul3A_236 = arith.constant 8.000000e+00 : f32
        %mul3A_237 = vector.broadcast %mul3A_236 : f32 to vector<16xf32>
        %mul3A_238 = arith.mulf %get3A_235, %mul3A_237 : vector<16xf32>
        %swap3A_239 = arith.index_cast %add3A_231 : i32 to index
        %swap3A_240 = arith.constant 0 : index
        %swap3A_241 = tpu.vector_load %arg10[%swap3A_239, %swap3A_240] {strides = array<i32>} : memref<128x64xf32, #tpu.memory_space<vmem>>, vector<1x16xf32>,
        %swap3A_242 = vector.shape_cast %swap3A_241 : vector<1x16xf32> to vector<16xf32>
        %swap3A_243 = vector.shape_cast %mul3A_238 : vector<16xf32> to vector<1x16xf32>
        tpu.vector_store %arg10[%swap3A_239, %swap3A_240], %swap3A_243 {strides = array<i32>} : memref<128x64xf32, #tpu.memory_space<vmem>>, vector<1x16xf32>,
        %get3A_244 = arith.index_cast %add3A_231 : i32 to index
        %get3A_245 = arith.constant 16 : index
        %get3A_246 = tpu.vector_load %arg8[%get3A_244, %get3A_245] {strides = array<i32>} : memref<128x128xf32, #tpu.memory_space<vmem>>, vector<1x16xf32>,
        %get3A_247 = vector.shape_cast %get3A_246 : vector<1x16xf32> to vector<16xf32>
        %mul3A_248 = arith.constant 8.000000e+00 : f32
        %mul3A_249 = vector.broadcast %mul3A_248 : f32 to vector<16xf32>
        %mul3A_250 = arith.mulf %get3A_247, %mul3A_249 : vector<16xf32>
        %swap3A_251 = arith.index_cast %add3A_231 : i32 to index
        %swap3A_252 = arith.constant 16 : index
        %swap3A_253 = tpu.vector_load %arg10[%swap3A_251, %swap3A_252] {strides = array<i32>} : memref<128x64xf32, #tpu.memory_space<vmem>>, vector<1x16xf32>,
        %swap3A_254 = vector.shape_cast %swap3A_253 : vector<1x16xf32> to vector<16xf32>
        %swap3A_255 = vector.shape_cast %mul3A_250 : vector<16xf32> to vector<1x16xf32>
        tpu.vector_store %arg10[%swap3A_251, %swap3A_252], %swap3A_255 {strides = array<i32>} : memref<128x64xf32, #tpu.memory_space<vmem>>, vector<1x16xf32>,
        %get3A_256 = arith.index_cast %add3A_231 : i32 to index
        %get3A_257 = arith.constant 32 : index
        %get3A_258 = tpu.vector_load %arg8[%get3A_256, %get3A_257] {strides = array<i32>} : memref<128x128xf32, #tpu.memory_space<vmem>>, vector<1x16xf32>,
        %get3A_259 = vector.shape_cast %get3A_258 : vector<1x16xf32> to vector<16xf32>
        %mul3A_260 = arith.constant 8.000000e+00 : f32
        %mul3A_261 = vector.broadcast %mul3A_260 : f32 to vector<16xf32>
        %mul3A_262 = arith.mulf %get3A_259, %mul3A_261 : vector<16xf32>
        %swap3A_263 = arith.index_cast %add3A_231 : i32 to index
        %swap3A_264 = arith.constant 32 : index
        %swap3A_265 = tpu.vector_load %arg10[%swap3A_263, %swap3A_264] {strides = array<i32>} : memref<128x64xf32, #tpu.memory_space<vmem>>, vector<1x16xf32>,
        %swap3A_266 = vector.shape_cast %swap3A_265 : vector<1x16xf32> to vector<16xf32>
        %swap3A_267 = vector.shape_cast %mul3A_262 : vector<16xf32> to vector<1x16xf32>
        tpu.vector_store %arg10[%swap3A_263, %swap3A_264], %swap3A_267 {strides = array<i32>} : memref<128x64xf32, #tpu.memory_space<vmem>>, vector<1x16xf32>,
        %get3A_268 = arith.index_cast %add3A_231 : i32 to index
        %get3A_269 = arith.constant 48 : index
        %get3A_270 = tpu.vector_load %arg8[%get3A_268, %get3A_269] {strides = array<i32>} : memref<128x128xf32, #tpu.memory_space<vmem>>, vector<1x16xf32>,
        %get3A_271 = vector.shape_cast %get3A_270 : vector<1x16xf32> to vector<16xf32>
        %mul3A_272 = arith.constant 8.000000e+00 : f32
        %mul3A_273 = vector.broadcast %mul3A_272 : f32 to vector<16xf32>
        %mul3A_274 = arith.mulf %get3A_271, %mul3A_273 : vector<16xf32>
        %swap3A_275 = arith.index_cast %add3A_231 : i32 to index
        %swap3A_276 = arith.constant 48 : index
        %swap3A_277 = tpu.vector_load %arg10[%swap3A_275, %swap3A_276] {strides = array<i32>} : memref<128x64xf32, #tpu.memory_space<vmem>>, vector<1x16xf32>,
        %swap3A_278 = vector.shape_cast %swap3A_277 : vector<1x16xf32> to vector<16xf32>
        %swap3A_279 = vector.shape_cast %mul3A_274 : vector<16xf32> to vector<1x16xf32>
        tpu.vector_store %arg10[%swap3A_275, %swap3A_276], %swap3A_279 {strides = array<i32>} : memref<128x64xf32, #tpu.memory_space<vmem>>, vector<1x16xf32>,
        %mul3A_280 = arith.constant 8 : i32
        %mul3A_281 = arith.muli %scan3A_177, %mul3A_280 : i32
        %add3A_282 = arith.constant 2 : i32
        %add3A_283 = arith.addi %mul3A_281, %add3A_282 : i32
        %get3A_284 = arith.index_cast %add3A_283 : i32 to index
        %get3A_285 = arith.constant 0 : index
        %get3A_286 = tpu.vector_load %arg8[%get3A_284, %get3A_285] {strides = array<i32>} : memref<128x128xf32, #tpu.memory_space<vmem>>, vector<1x16xf32>,
        %get3A_287 = vector.shape_cast %get3A_286 : vector<1x16xf32> to vector<16xf32>
        %mul3A_288 = arith.constant 8.000000e+00 : f32
        %mul3A_289 = vector.broadcast %mul3A_288 : f32 to vector<16xf32>
        %mul3A_290 = arith.mulf %get3A_287, %mul3A_289 : vector<16xf32>
        %swap3A_291 = arith.index_cast %add3A_283 : i32 to index
        %swap3A_292 = arith.constant 0 : index
        %swap3A_293 = tpu.vector_load %arg10[%swap3A_291, %swap3A_292] {strides = array<i32>} : memref<128x64xf32, #tpu.memory_space<vmem>>, vector<1x16xf32>,
        %swap3A_294 = vector.shape_cast %swap3A_293 : vector<1x16xf32> to vector<16xf32>
        %swap3A_295 = vector.shape_cast %mul3A_290 : vector<16xf32> to vector<1x16xf32>
        tpu.vector_store %arg10[%swap3A_291, %swap3A_292], %swap3A_295 {strides = array<i32>} : memref<128x64xf32, #tpu.memory_space<vmem>>, vector<1x16xf32>,
        %get3A_296 = arith.index_cast %add3A_283 : i32 to index
        %get3A_297 = arith.constant 16 : index
        %get3A_298 = tpu.vector_load %arg8[%get3A_296, %get3A_297] {strides = array<i32>} : memref<128x128xf32, #tpu.memory_space<vmem>>, vector<1x16xf32>,
        %get3A_299 = vector.shape_cast %get3A_298 : vector<1x16xf32> to vector<16xf32>
        %mul3A_300 = arith.constant 8.000000e+00 : f32
        %mul3A_301 = vector.broadcast %mul3A_300 : f32 to vector<16xf32>
        %mul3A_302 = arith.mulf %get3A_299, %mul3A_301 : vector<16xf32>
        %swap3A_303 = arith.index_cast %add3A_283 : i32 to index
        %swap3A_304 = arith.constant 16 : index
        %swap3A_305 = tpu.vector_load %arg10[%swap3A_303, %swap3A_304] {strides = array<i32>} : memref<128x64xf32, #tpu.memory_space<vmem>>, vector<1x16xf32>,
        %swap3A_306 = vector.shape_cast %swap3A_305 : vector<1x16xf32> to vector<16xf32>
        %swap3A_307 = vector.shape_cast %mul3A_302 : vector<16xf32> to vector<1x16xf32>
        tpu.vector_store %arg10[%swap3A_303, %swap3A_304], %swap3A_307 {strides = array<i32>} : memref<128x64xf32, #tpu.memory_space<vmem>>, vector<1x16xf32>,
        %get3A_308 = arith.index_cast %add3A_283 : i32 to index
        %get3A_309 = arith.constant 32 : index
        %get3A_310 = tpu.vector_load %arg8[%get3A_308, %get3A_309] {strides = array<i32>} : memref<128x128xf32, #tpu.memory_space<vmem>>, vector<1x16xf32>,
        %get3A_311 = vector.shape_cast %get3A_310 : vector<1x16xf32> to vector<16xf32>
        %mul3A_312 = arith.constant 8.000000e+00 : f32
        %mul3A_313 = vector.broadcast %mul3A_312 : f32 to vector<16xf32>
        %mul3A_314 = arith.mulf %get3A_311, %mul3A_313 : vector<16xf32>
        %swap3A_315 = arith.index_cast %add3A_283 : i32 to index
        %swap3A_316 = arith.constant 32 : index
        %swap3A_317 = tpu.vector_load %arg10[%swap3A_315, %swap3A_316] {strides = array<i32>} : memref<128x64xf32, #tpu.memory_space<vmem>>, vector<1x16xf32>,
        %swap3A_318 = vector.shape_cast %swap3A_317 : vector<1x16xf32> to vector<16xf32>
        %swap3A_319 = vector.shape_cast %mul3A_314 : vector<16xf32> to vector<1x16xf32>
        tpu.vector_store %arg10[%swap3A_315, %swap3A_316], %swap3A_319 {strides = array<i32>} : memref<128x64xf32, #tpu.memory_space<vmem>>, vector<1x16xf32>,
        %get3A_320 = arith.index_cast %add3A_283 : i32 to index
        %get3A_321 = arith.constant 48 : index
        %get3A_322 = tpu.vector_load %arg8[%get3A_320, %get3A_321] {strides = array<i32>} : memref<128x128xf32, #tpu.memory_space<vmem>>, vector<1x16xf32>,
        %get3A_323 = vector.shape_cast %get3A_322 : vector<1x16xf32> to vector<16xf32>
        %mul3A_324 = arith.constant 8.000000e+00 : f32
        %mul3A_325 = vector.broadcast %mul3A_324 : f32 to vector<16xf32>
        %mul3A_326 = arith.mulf %get3A_323, %mul3A_325 : vector<16xf32>
        %swap3A_327 = arith.index_cast %add3A_283 : i32 to index
        %swap3A_328 = arith.constant 48 : index
        %swap3A_329 = tpu.vector_load %arg10[%swap3A_327, %swap3A_328] {strides = array<i32>} : memref<128x64xf32, #tpu.memory_space<vmem>>, vector<1x16xf32>,
        %swap3A_330 = vector.shape_cast %swap3A_329 : vector<1x16xf32> to vector<16xf32>
        %swap3A_331 = vector.shape_cast %mul3A_326 : vector<16xf32> to vector<1x16xf32>
        tpu.vector_store %arg10[%swap3A_327, %swap3A_328], %swap3A_331 {strides = array<i32>} : memref<128x64xf32, #tpu.memory_space<vmem>>, vector<1x16xf32>,
        %mul3A_332 = arith.constant 8 : i32
        %mul3A_333 = arith.muli %scan3A_177, %mul3A_332 : i32
        %add3A_334 = arith.constant 3 : i32
        %add3A_335 = arith.addi %mul3A_333, %add3A_334 : i32
        %get3A_336 = arith.index_cast %add3A_335 : i32 to index
        %get3A_337 = arith.constant 0 : index
        %get3A_338 = tpu.vector_load %arg8[%get3A_336, %get3A_337] {strides = array<i32>} : memref<128x128xf32, #tpu.memory_space<vmem>>, vector<1x16xf32>,
        %get3A_339 = vector.shape_cast %get3A_338 : vector<1x16xf32> to vector<16xf32>
        %mul3A_340 = arith.constant 8.000000e+00 : f32
        %mul3A_341 = vector.broadcast %mul3A_340 : f32 to vector<16xf32>
        %mul3A_342 = arith.mulf %get3A_339, %mul3A_341 : vector<16xf32>
        %swap3A_343 = arith.index_cast %add3A_335 : i32 to index
        %swap3A_344 = arith.constant 0 : index
        %swap3A_345 = tpu.vector_load %arg10[%swap3A_343, %swap3A_344] {strides = array<i32>} : memref<128x64xf32, #tpu.memory_space<vmem>>, vector<1x16xf32>,
        %swap3A_346 = vector.shape_cast %swap3A_345 : vector<1x16xf32> to vector<16xf32>
        %swap3A_347 = vector.shape_cast %mul3A_342 : vector<16xf32> to vector<1x16xf32>
        tpu.vector_store %arg10[%swap3A_343, %swap3A_344], %swap3A_347 {strides = array<i32>} : memref<128x64xf32, #tpu.memory_space<vmem>>, vector<1x16xf32>,
        %get3A_348 = arith.index_cast %add3A_335 : i32 to index
        %get3A_349 = arith.constant 16 : index
        %get3A_350 = tpu.vector_load %arg8[%get3A_348, %get3A_349] {strides = array<i32>} : memref<128x128xf32, #tpu.memory_space<vmem>>, vector<1x16xf32>,
        %get3A_351 = vector.shape_cast %get3A_350 : vector<1x16xf32> to vector<16xf32>
        %mul3A_352 = arith.constant 8.000000e+00 : f32
        %mul3A_353 = vector.broadcast %mul3A_352 : f32 to vector<16xf32>
        %mul3A_354 = arith.mulf %get3A_351, %mul3A_353 : vector<16xf32>
        %swap3A_355 = arith.index_cast %add3A_335 : i32 to index
        %swap3A_356 = arith.constant 16 : index
        %swap3A_357 = tpu.vector_load %arg10[%swap3A_355, %swap3A_356] {strides = array<i32>} : memref<128x64xf32, #tpu.memory_space<vmem>>, vector<1x16xf32>,
        %swap3A_358 = vector.shape_cast %swap3A_357 : vector<1x16xf32> to vector<16xf32>
        %swap3A_359 = vector.shape_cast %mul3A_354 : vector<16xf32> to vector<1x16xf32>
        tpu.vector_store %arg10[%swap3A_355, %swap3A_356], %swap3A_359 {strides = array<i32>} : memref<128x64xf32, #tpu.memory_space<vmem>>, vector<1x16xf32>,
        %get3A_360 = arith.index_cast %add3A_335 : i32 to index
        %get3A_361 = arith.constant 32 : index
        %get3A_362 = tpu.vector_load %arg8[%get3A_360, %get3A_361] {strides = array<i32>} : memref<128x128xf32, #tpu.memory_space<vmem>>, vector<1x16xf32>,
        %get3A_363 = vector.shape_cast %get3A_362 : vector<1x16xf32> to vector<16xf32>
        %mul3A_364 = arith.constant 8.000000e+00 : f32
        %mul3A_365 = vector.broadcast %mul3A_364 : f32 to vector<16xf32>
        %mul3A_366 = arith.mulf %get3A_363, %mul3A_365 : vector<16xf32>
        %swap3A_367 = arith.index_cast %add3A_335 : i32 to index
        %swap3A_368 = arith.constant 32 : index
        %swap3A_369 = tpu.vector_load %arg10[%swap3A_367, %swap3A_368] {strides = array<i32>} : memref<128x64xf32, #tpu.memory_space<vmem>>, vector<1x16xf32>,
        %swap3A_370 = vector.shape_cast %swap3A_369 : vector<1x16xf32> to vector<16xf32>
        %swap3A_371 = vector.shape_cast %mul3A_366 : vector<16xf32> to vector<1x16xf32>
        tpu.vector_store %arg10[%swap3A_367, %swap3A_368], %swap3A_371 {strides = array<i32>} : memref<128x64xf32, #tpu.memory_space<vmem>>, vector<1x16xf32>,
        %get3A_372 = arith.index_cast %add3A_335 : i32 to index
        %get3A_373 = arith.constant 48 : index
        %get3A_374 = tpu.vector_load %arg8[%get3A_372, %get3A_373] {strides = array<i32>} : memref<128x128xf32, #tpu.memory_space<vmem>>, vector<1x16xf32>,
        %get3A_375 = vector.shape_cast %get3A_374 : vector<1x16xf32> to vector<16xf32>
        %mul3A_376 = arith.constant 8.000000e+00 : f32
        %mul3A_377 = vector.broadcast %mul3A_376 : f32 to vector<16xf32>
        %mul3A_378 = arith.mulf %get3A_375, %mul3A_377 : vector<16xf32>
        %swap3A_379 = arith.index_cast %add3A_335 : i32 to index
        %swap3A_380 = arith.constant 48 : index
        %swap3A_381 = tpu.vector_load %arg10[%swap3A_379, %swap3A_380] {strides = array<i32>} : memref<128x64xf32, #tpu.memory_space<vmem>>, vector<1x16xf32>,
        %swap3A_382 = vector.shape_cast %swap3A_381 : vector<1x16xf32> to vector<16xf32>
        %swap3A_383 = vector.shape_cast %mul3A_378 : vector<16xf32> to vector<1x16xf32>
        tpu.vector_store %arg10[%swap3A_379, %swap3A_380], %swap3A_383 {strides = array<i32>} : memref<128x64xf32, #tpu.memory_space<vmem>>, vector<1x16xf32>,
        %mul3A_384 = arith.constant 8 : i32
        %mul3A_385 = arith.muli %scan3A_177, %mul3A_384 : i32
        %add3A_386 = arith.constant 4 : i32
        %add3A_387 = arith.addi %mul3A_385, %add3A_386 : i32
        %get3A_388 = arith.index_cast %add3A_387 : i32 to index
        %get3A_389 = arith.constant 0 : index
        %get3A_390 = tpu.vector_load %arg8[%get3A_388, %get3A_389] {strides = array<i32>} : memref<128x128xf32, #tpu.memory_space<vmem>>, vector<1x16xf32>,
        %get3A_391 = vector.shape_cast %get3A_390 : vector<1x16xf32> to vector<16xf32>
        %mul3A_392 = arith.constant 8.000000e+00 : f32
        %mul3A_393 = vector.broadcast %mul3A_392 : f32 to vector<16xf32>
        %mul3A_394 = arith.mulf %get3A_391, %mul3A_393 : vector<16xf32>
        %swap3A_395 = arith.index_cast %add3A_387 : i32 to index
        %swap3A_396 = arith.constant 0 : index
        %swap3A_397 = tpu.vector_load %arg10[%swap3A_395, %swap3A_396] {strides = array<i32>} : memref<128x64xf32, #tpu.memory_space<vmem>>, vector<1x16xf32>,
        %swap3A_398 = vector.shape_cast %swap3A_397 : vector<1x16xf32> to vector<16xf32>
        %swap3A_399 = vector.shape_cast %mul3A_394 : vector<16xf32> to vector<1x16xf32>
        tpu.vector_store %arg10[%swap3A_395, %swap3A_396], %swap3A_399 {strides = array<i32>} : memref<128x64xf32, #tpu.memory_space<vmem>>, vector<1x16xf32>,
        %get3A_400 = arith.index_cast %add3A_387 : i32 to index
        %get3A_401 = arith.constant 16 : index
        %get3A_402 = tpu.vector_load %arg8[%get3A_400, %get3A_401] {strides = array<i32>} : memref<128x128xf32, #tpu.memory_space<vmem>>, vector<1x16xf32>,
        %get3A_403 = vector.shape_cast %get3A_402 : vector<1x16xf32> to vector<16xf32>
        %mul3A_404 = arith.constant 8.000000e+00 : f32
        %mul3A_405 = vector.broadcast %mul3A_404 : f32 to vector<16xf32>
        %mul3A_406 = arith.mulf %get3A_403, %mul3A_405 : vector<16xf32>
        %swap3A_407 = arith.index_cast %add3A_387 : i32 to index
        %swap3A_408 = arith.constant 16 : index
        %swap3A_409 = tpu.vector_load %arg10[%swap3A_407, %swap3A_408] {strides = array<i32>} : memref<128x64xf32, #tpu.memory_space<vmem>>, vector<1x16xf32>,
        %swap3A_410 = vector.shape_cast %swap3A_409 : vector<1x16xf32> to vector<16xf32>
        %swap3A_411 = vector.shape_cast %mul3A_406 : vector<16xf32> to vector<1x16xf32>
        tpu.vector_store %arg10[%swap3A_407, %swap3A_408], %swap3A_411 {strides = array<i32>} : memref<128x64xf32, #tpu.memory_space<vmem>>, vector<1x16xf32>,
        %get3A_412 = arith.index_cast %add3A_387 : i32 to index
        %get3A_413 = arith.constant 32 : index
        %get3A_414 = tpu.vector_load %arg8[%get3A_412, %get3A_413] {strides = array<i32>} : memref<128x128xf32, #tpu.memory_space<vmem>>, vector<1x16xf32>,
        %get3A_415 = vector.shape_cast %get3A_414 : vector<1x16xf32> to vector<16xf32>
        %mul3A_416 = arith.constant 8.000000e+00 : f32
        %mul3A_417 = vector.broadcast %mul3A_416 : f32 to vector<16xf32>
        %mul3A_418 = arith.mulf %get3A_415, %mul3A_417 : vector<16xf32>
        %swap3A_419 = arith.index_cast %add3A_387 : i32 to index
        %swap3A_420 = arith.constant 32 : index
        %swap3A_421 = tpu.vector_load %arg10[%swap3A_419, %swap3A_420] {strides = array<i32>} : memref<128x64xf32, #tpu.memory_space<vmem>>, vector<1x16xf32>,
        %swap3A_422 = vector.shape_cast %swap3A_421 : vector<1x16xf32> to vector<16xf32>
        %swap3A_423 = vector.shape_cast %mul3A_418 : vector<16xf32> to vector<1x16xf32>
        tpu.vector_store %arg10[%swap3A_419, %swap3A_420], %swap3A_423 {strides = array<i32>} : memref<128x64xf32, #tpu.memory_space<vmem>>, vector<1x16xf32>,
        %get3A_424 = arith.index_cast %add3A_387 : i32 to index
        %get3A_425 = arith.constant 48 : index
        %get3A_426 = tpu.vector_load %arg8[%get3A_424, %get3A_425] {strides = array<i32>} : memref<128x128xf32, #tpu.memory_space<vmem>>, vector<1x16xf32>,
        %get3A_427 = vector.shape_cast %get3A_426 : vector<1x16xf32> to vector<16xf32>
        %mul3A_428 = arith.constant 8.000000e+00 : f32
        %mul3A_429 = vector.broadcast %mul3A_428 : f32 to vector<16xf32>
        %mul3A_430 = arith.mulf %get3A_427, %mul3A_429 : vector<16xf32>
        %swap3A_431 = arith.index_cast %add3A_387 : i32 to index
        %swap3A_432 = arith.constant 48 : index
        %swap3A_433 = tpu.vector_load %arg10[%swap3A_431, %swap3A_432] {strides = array<i32>} : memref<128x64xf32, #tpu.memory_space<vmem>>, vector<1x16xf32>,
        %swap3A_434 = vector.shape_cast %swap3A_433 : vector<1x16xf32> to vector<16xf32>
        %swap3A_435 = vector.shape_cast %mul3A_430 : vector<16xf32> to vector<1x16xf32>
        tpu.vector_store %arg10[%swap3A_431, %swap3A_432], %swap3A_435 {strides = array<i32>} : memref<128x64xf32, #tpu.memory_space<vmem>>, vector<1x16xf32>,
        %mul3A_436 = arith.constant 8 : i32
        %mul3A_437 = arith.muli %scan3A_177, %mul3A_436 : i32
        %add3A_438 = arith.constant 5 : i32
        %add3A_439 = arith.addi %mul3A_437, %add3A_438 : i32
        %get3A_440 = arith.index_cast %add3A_439 : i32 to index
        %get3A_441 = arith.constant 0 : index
        %get3A_442 = tpu.vector_load %arg8[%get3A_440, %get3A_441] {strides = array<i32>} : memref<128x128xf32, #tpu.memory_space<vmem>>, vector<1x16xf32>,
        %get3A_443 = vector.shape_cast %get3A_442 : vector<1x16xf32> to vector<16xf32>
        %mul3A_444 = arith.constant 8.000000e+00 : f32
        %mul3A_445 = vector.broadcast %mul3A_444 : f32 to vector<16xf32>
        %mul3A_446 = arith.mulf %get3A_443, %mul3A_445 : vector<16xf32>
        %swap3A_447 = arith.index_cast %add3A_439 : i32 to index
        %swap3A_448 = arith.constant 0 : index
        %swap3A_449 = tpu.vector_load %arg10[%swap3A_447, %swap3A_448] {strides = array<i32>} : memref<128x64xf32, #tpu.memory_space<vmem>>, vector<1x16xf32>,
        %swap3A_450 = vector.shape_cast %swap3A_449 : vector<1x16xf32> to vector<16xf32>
        %swap3A_451 = vector.shape_cast %mul3A_446 : vector<16xf32> to vector<1x16xf32>
        tpu.vector_store %arg10[%swap3A_447, %swap3A_448], %swap3A_451 {strides = array<i32>} : memref<128x64xf32, #tpu.memory_space<vmem>>, vector<1x16xf32>,
        %get3A_452 = arith.index_cast %add3A_439 : i32 to index
        %get3A_453 = arith.constant 16 : index
        %get3A_454 = tpu.vector_load %arg8[%get3A_452, %get3A_453] {strides = array<i32>} : memref<128x128xf32, #tpu.memory_space<vmem>>, vector<1x16xf32>,
        %get3A_455 = vector.shape_cast %get3A_454 : vector<1x16xf32> to vector<16xf32>
        %mul3A_456 = arith.constant 8.000000e+00 : f32
        %mul3A_457 = vector.broadcast %mul3A_456 : f32 to vector<16xf32>
        %mul3A_458 = arith.mulf %get3A_455, %mul3A_457 : vector<16xf32>
        %swap3A_459 = arith.index_cast %add3A_439 : i32 to index
        %swap3A_460 = arith.constant 16 : index
        %swap3A_461 = tpu.vector_load %arg10[%swap3A_459, %swap3A_460] {strides = array<i32>} : memref<128x64xf32, #tpu.memory_space<vmem>>, vector<1x16xf32>,
        %swap3A_462 = vector.shape_cast %swap3A_461 : vector<1x16xf32> to vector<16xf32>
        %swap3A_463 = vector.shape_cast %mul3A_458 : vector<16xf32> to vector<1x16xf32>
        tpu.vector_store %arg10[%swap3A_459, %swap3A_460], %swap3A_463 {strides = array<i32>} : memref<128x64xf32, #tpu.memory_space<vmem>>, vector<1x16xf32>,
        %get3A_464 = arith.index_cast %add3A_439 : i32 to index
        %get3A_465 = arith.constant 32 : index
        %get3A_466 = tpu.vector_load %arg8[%get3A_464, %get3A_465] {strides = array<i32>} : memref<128x128xf32, #tpu.memory_space<vmem>>, vector<1x16xf32>,
        %get3A_467 = vector.shape_cast %get3A_466 : vector<1x16xf32> to vector<16xf32>
        %mul3A_468 = arith.constant 8.000000e+00 : f32
        %mul3A_469 = vector.broadcast %mul3A_468 : f32 to vector<16xf32>
        %mul3A_470 = arith.mulf %get3A_467, %mul3A_469 : vector<16xf32>
        %swap3A_471 = arith.index_cast %add3A_439 : i32 to index
        %swap3A_472 = arith.constant 32 : index
        %swap3A_473 = tpu.vector_load %arg10[%swap3A_471, %swap3A_472] {strides = array<i32>} : memref<128x64xf32, #tpu.memory_space<vmem>>, vector<1x16xf32>,
        %swap3A_474 = vector.shape_cast %swap3A_473 : vector<1x16xf32> to vector<16xf32>
        %swap3A_475 = vector.shape_cast %mul3A_470 : vector<16xf32> to vector<1x16xf32>
        tpu.vector_store %arg10[%swap3A_471, %swap3A_472], %swap3A_475 {strides = array<i32>} : memref<128x64xf32, #tpu.memory_space<vmem>>, vector<1x16xf32>,
        %get3A_476 = arith.index_cast %add3A_439 : i32 to index
        %get3A_477 = arith.constant 48 : index
        %get3A_478 = tpu.vector_load %arg8[%get3A_476, %get3A_477] {strides = array<i32>} : memref<128x128xf32, #tpu.memory_space<vmem>>, vector<1x16xf32>,
        %get3A_479 = vector.shape_cast %get3A_478 : vector<1x16xf32> to vector<16xf32>
        %mul3A_480 = arith.constant 8.000000e+00 : f32
        %mul3A_481 = vector.broadcast %mul3A_480 : f32 to vector<16xf32>
        %mul3A_482 = arith.mulf %get3A_479, %mul3A_481 : vector<16xf32>
        %swap3A_483 = arith.index_cast %add3A_439 : i32 to index
        %swap3A_484 = arith.constant 48 : index
        %swap3A_485 = tpu.vector_load %arg10[%swap3A_483, %swap3A_484] {strides = array<i32>} : memref<128x64xf32, #tpu.memory_space<vmem>>, vector<1x16xf32>,
        %swap3A_486 = vector.shape_cast %swap3A_485 : vector<1x16xf32> to vector<16xf32>
        %swap3A_487 = vector.shape_cast %mul3A_482 : vector<16xf32> to vector<1x16xf32>
        tpu.vector_store %arg10[%swap3A_483, %swap3A_484], %swap3A_487 {strides = array<i32>} : memref<128x64xf32, #tpu.memory_space<vmem>>, vector<1x16xf32>,
        %mul3A_488 = arith.constant 8 : i32
        %mul3A_489 = arith.muli %scan3A_177, %mul3A_488 : i32
        %add3A_490 = arith.constant 6 : i32
        %add3A_491 = arith.addi %mul3A_489, %add3A_490 : i32
        %get3A_492 = arith.index_cast %add3A_491 : i32 to index
        %get3A_493 = arith.constant 0 : index
        %get3A_494 = tpu.vector_load %arg8[%get3A_492, %get3A_493] {strides = array<i32>} : memref<128x128xf32, #tpu.memory_space<vmem>>, vector<1x16xf32>,
        %get3A_495 = vector.shape_cast %get3A_494 : vector<1x16xf32> to vector<16xf32>
        %mul3A_496 = arith.constant 8.000000e+00 : f32
        %mul3A_497 = vector.broadcast %mul3A_496 : f32 to vector<16xf32>
        %mul3A_498 = arith.mulf %get3A_495, %mul3A_497 : vector<16xf32>
        %swap3A_499 = arith.index_cast %add3A_491 : i32 to index
        %swap3A_500 = arith.constant 0 : index
        %swap3A_501 = tpu.vector_load %arg10[%swap3A_499, %swap3A_500] {strides = array<i32>} : memref<128x64xf32, #tpu.memory_space<vmem>>, vector<1x16xf32>,
        %swap3A_502 = vector.shape_cast %swap3A_501 : vector<1x16xf32> to vector<16xf32>
        %swap3A_503 = vector.shape_cast %mul3A_498 : vector<16xf32> to vector<1x16xf32>
        tpu.vector_store %arg10[%swap3A_499, %swap3A_500], %swap3A_503 {strides = array<i32>} : memref<128x64xf32, #tpu.memory_space<vmem>>, vector<1x16xf32>,
        %get3A_504 = arith.index_cast %add3A_491 : i32 to index
        %get3A_505 = arith.constant 16 : index
        %get3A_506 = tpu.vector_load %arg8[%get3A_504, %get3A_505] {strides = array<i32>} : memref<128x128xf32, #tpu.memory_space<vmem>>, vector<1x16xf32>,
        %get3A_507 = vector.shape_cast %get3A_506 : vector<1x16xf32> to vector<16xf32>
        %mul3A_508 = arith.constant 8.000000e+00 : f32
        %mul3A_509 = vector.broadcast %mul3A_508 : f32 to vector<16xf32>
        %mul3A_510 = arith.mulf %get3A_507, %mul3A_509 : vector<16xf32>
        %swap3A_511 = arith.index_cast %add3A_491 : i32 to index
        %swap3A_512 = arith.constant 16 : index
        %swap3A_513 = tpu.vector_load %arg10[%swap3A_511, %swap3A_512] {strides = array<i32>} : memref<128x64xf32, #tpu.memory_space<vmem>>, vector<1x16xf32>,
        %swap3A_514 = vector.shape_cast %swap3A_513 : vector<1x16xf32> to vector<16xf32>
        %swap3A_515 = vector.shape_cast %mul3A_510 : vector<16xf32> to vector<1x16xf32>
        tpu.vector_store %arg10[%swap3A_511, %swap3A_512], %swap3A_515 {strides = array<i32>} : memref<128x64xf32, #tpu.memory_space<vmem>>, vector<1x16xf32>,
        %get3A_516 = arith.index_cast %add3A_491 : i32 to index
        %get3A_517 = arith.constant 32 : index
        %get3A_518 = tpu.vector_load %arg8[%get3A_516, %get3A_517] {strides = array<i32>} : memref<128x128xf32, #tpu.memory_space<vmem>>, vector<1x16xf32>,
        %get3A_519 = vector.shape_cast %get3A_518 : vector<1x16xf32> to vector<16xf32>
        %mul3A_520 = arith.constant 8.000000e+00 : f32
        %mul3A_521 = vector.broadcast %mul3A_520 : f32 to vector<16xf32>
        %mul3A_522 = arith.mulf %get3A_519, %mul3A_521 : vector<16xf32>
        %swap3A_523 = arith.index_cast %add3A_491 : i32 to index
        %swap3A_524 = arith.constant 32 : index
        %swap3A_525 = tpu.vector_load %arg10[%swap3A_523, %swap3A_524] {strides = array<i32>} : memref<128x64xf32, #tpu.memory_space<vmem>>, vector<1x16xf32>,
        %swap3A_526 = vector.shape_cast %swap3A_525 : vector<1x16xf32> to vector<16xf32>
        %swap3A_527 = vector.shape_cast %mul3A_522 : vector<16xf32> to vector<1x16xf32>
        tpu.vector_store %arg10[%swap3A_523, %swap3A_524], %swap3A_527 {strides = array<i32>} : memref<128x64xf32, #tpu.memory_space<vmem>>, vector<1x16xf32>,
        %get3A_528 = arith.index_cast %add3A_491 : i32 to index
        %get3A_529 = arith.constant 48 : index
        %get3A_530 = tpu.vector_load %arg8[%get3A_528, %get3A_529] {strides = array<i32>} : memref<128x128xf32, #tpu.memory_space<vmem>>, vector<1x16xf32>,
        %get3A_531 = vector.shape_cast %get3A_530 : vector<1x16xf32> to vector<16xf32>
        %mul3A_532 = arith.constant 8.000000e+00 : f32
        %mul3A_533 = vector.broadcast %mul3A_532 : f32 to vector<16xf32>
        %mul3A_534 = arith.mulf %get3A_531, %mul3A_533 : vector<16xf32>
        %swap3A_535 = arith.index_cast %add3A_491 : i32 to index
        %swap3A_536 = arith.constant 48 : index
        %swap3A_537 = tpu.vector_load %arg10[%swap3A_535, %swap3A_536] {strides = array<i32>} : memref<128x64xf32, #tpu.memory_space<vmem>>, vector<1x16xf32>,
        %swap3A_538 = vector.shape_cast %swap3A_537 : vector<1x16xf32> to vector<16xf32>
        %swap3A_539 = vector.shape_cast %mul3A_534 : vector<16xf32> to vector<1x16xf32>
        tpu.vector_store %arg10[%swap3A_535, %swap3A_536], %swap3A_539 {strides = array<i32>} : memref<128x64xf32, #tpu.memory_space<vmem>>, vector<1x16xf32>,
        %mul3A_540 = arith.constant 8 : i32
        %mul3A_541 = arith.muli %scan3A_177, %mul3A_540 : i32
        %add3A_542 = arith.constant 7 : i32
        %add3A_543 = arith.addi %mul3A_541, %add3A_542 : i32
        %get3A_544 = arith.index_cast %add3A_543 : i32 to index
        %get3A_545 = arith.constant 0 : index
        %get3A_546 = tpu.vector_load %arg8[%get3A_544, %get3A_545] {strides = array<i32>} : memref<128x128xf32, #tpu.memory_space<vmem>>, vector<1x16xf32>,
        %get3A_547 = vector.shape_cast %get3A_546 : vector<1x16xf32> to vector<16xf32>
        %mul3A_548 = arith.constant 8.000000e+00 : f32
        %mul3A_549 = vector.broadcast %mul3A_548 : f32 to vector<16xf32>
        %mul3A_550 = arith.mulf %get3A_547, %mul3A_549 : vector<16xf32>
        %swap3A_551 = arith.index_cast %add3A_543 : i32 to index
        %swap3A_552 = arith.constant 0 : index
        %swap3A_553 = tpu.vector_load %arg10[%swap3A_551, %swap3A_552] {strides = array<i32>} : memref<128x64xf32, #tpu.memory_space<vmem>>, vector<1x16xf32>,
        %swap3A_554 = vector.shape_cast %swap3A_553 : vector<1x16xf32> to vector<16xf32>
        %swap3A_555 = vector.shape_cast %mul3A_550 : vector<16xf32> to vector<1x16xf32>
        tpu.vector_store %arg10[%swap3A_551, %swap3A_552], %swap3A_555 {strides = array<i32>} : memref<128x64xf32, #tpu.memory_space<vmem>>, vector<1x16xf32>,
        %get3A_556 = arith.index_cast %add3A_543 : i32 to index
        %get3A_557 = arith.constant 16 : index
        %get3A_558 = tpu.vector_load %arg8[%get3A_556, %get3A_557] {strides = array<i32>} : memref<128x128xf32, #tpu.memory_space<vmem>>, vector<1x16xf32>,
        %get3A_559 = vector.shape_cast %get3A_558 : vector<1x16xf32> to vector<16xf32>
        %mul3A_560 = arith.constant 8.000000e+00 : f32
        %mul3A_561 = vector.broadcast %mul3A_560 : f32 to vector<16xf32>
        %mul3A_562 = arith.mulf %get3A_559, %mul3A_561 : vector<16xf32>
        %swap3A_563 = arith.index_cast %add3A_543 : i32 to index
        %swap3A_564 = arith.constant 16 : index
        %swap3A_565 = tpu.vector_load %arg10[%swap3A_563, %swap3A_564] {strides = array<i32>} : memref<128x64xf32, #tpu.memory_space<vmem>>, vector<1x16xf32>,
        %swap3A_566 = vector.shape_cast %swap3A_565 : vector<1x16xf32> to vector<16xf32>
        %swap3A_567 = vector.shape_cast %mul3A_562 : vector<16xf32> to vector<1x16xf32>
        tpu.vector_store %arg10[%swap3A_563, %swap3A_564], %swap3A_567 {strides = array<i32>} : memref<128x64xf32, #tpu.memory_space<vmem>>, vector<1x16xf32>,
        %get3A_568 = arith.index_cast %add3A_543 : i32 to index
        %get3A_569 = arith.constant 32 : index
        %get3A_570 = tpu.vector_load %arg8[%get3A_568, %get3A_569] {strides = array<i32>} : memref<128x128xf32, #tpu.memory_space<vmem>>, vector<1x16xf32>,
        %get3A_571 = vector.shape_cast %get3A_570 : vector<1x16xf32> to vector<16xf32>
        %mul3A_572 = arith.constant 8.000000e+00 : f32
        %mul3A_573 = vector.broadcast %mul3A_572 : f32 to vector<16xf32>
        %mul3A_574 = arith.mulf %get3A_571, %mul3A_573 : vector<16xf32>
        %swap3A_575 = arith.index_cast %add3A_543 : i32 to index
        %swap3A_576 = arith.constant 32 : index
        %swap3A_577 = tpu.vector_load %arg10[%swap3A_575, %swap3A_576] {strides = array<i32>} : memref<128x64xf32, #tpu.memory_space<vmem>>, vector<1x16xf32>,
        %swap3A_578 = vector.shape_cast %swap3A_577 : vector<1x16xf32> to vector<16xf32>
        %swap3A_579 = vector.shape_cast %mul3A_574 : vector<16xf32> to vector<1x16xf32>
        tpu.vector_store %arg10[%swap3A_575, %swap3A_576], %swap3A_579 {strides = array<i32>} : memref<128x64xf32, #tpu.memory_space<vmem>>, vector<1x16xf32>,
        %get3A_580 = arith.index_cast %add3A_543 : i32 to index
        %get3A_581 = arith.constant 48 : index
        %get3A_582 = tpu.vector_load %arg8[%get3A_580, %get3A_581] {strides = array<i32>} : memref<128x128xf32, #tpu.memory_space<vmem>>, vector<1x16xf32>,
        %get3A_583 = vector.shape_cast %get3A_582 : vector<1x16xf32> to vector<16xf32>
        %mul3A_584 = arith.constant 8.000000e+00 : f32
        %mul3A_585 = vector.broadcast %mul3A_584 : f32 to vector<16xf32>
        %mul3A_586 = arith.mulf %get3A_583, %mul3A_585 : vector<16xf32>
        %swap3A_587 = arith.index_cast %add3A_543 : i32 to index
        %swap3A_588 = arith.constant 48 : index
        %swap3A_589 = tpu.vector_load %arg10[%swap3A_587, %swap3A_588] {strides = array<i32>} : memref<128x64xf32, #tpu.memory_space<vmem>>, vector<1x16xf32>,
        %swap3A_590 = vector.shape_cast %swap3A_589 : vector<1x16xf32> to vector<16xf32>
        %swap3A_591 = vector.shape_cast %mul3A_586 : vector<16xf32> to vector<1x16xf32>
        tpu.vector_store %arg10[%swap3A_587, %swap3A_588], %swap3A_591 {strides = array<i32>} : memref<128x64xf32, #tpu.memory_space<vmem>>, vector<1x16xf32>,
      }
      %scan3A_128 = arith.constant 16 : i32
      %add3A_129 = arith.constant 4 : i32
      %add3A_130 = arith.addi %add3A_110, %add3A_129 : i32
      %lt3A_131 = arith.constant 200 : i32
      %lt3A_132 = arith.cmpi slt, %add3A_130, %lt3A_131 : i32
      %convert_element_type3A_133 = arith.extui %lt3A_132 : i1 to i32
      %cond3A_134 = arith.constant 0 : i32
      %cond3A_135 = arith.cmpi ne, %convert_element_type3A_133, %cond3A_134 : i32
      scf.if %cond3A_135 {
        %add3A_177 = arith.constant 4 : i32
        %add3A_178 = arith.addi %add3A_110, %add3A_177 : i32
        %dma_start3A_179 = arith.constant 0 : i32
        %dma_start3A_180 = tpu.memref_slice %arg5[%add3A_178, %dma_start3A_179] : memref<200x128xi32, #tpu.memory_space<vmem>> -> memref<1x128xi32, #tpu.memory_space<vmem>>
        %dma_start3A_181 = tpu.memref_squeeze %dma_start3A_180 : memref<1x128xi32, #tpu.memory_space<vmem>> -> memref<128xi32, #tpu.memory_space<vmem>>
        %dma_start3A_182 = arith.constant 0 : i32
        %dma_start3A_183 = arith.constant 0 : i32
        %dma_start3A_184 = tpu.memref_slice %arg3[%dma_start3A_182, %dma_start3A_183] : memref<1000000x128xf32, #tpu.memory_space<hbm>> -> memref<1000000x128xf32, #tpu.memory_space<hbm>>
        tpu.enqueue_indirect_dma source(%dma_start3A_184 : memref<1000000x128xf32, #tpu.memory_space<hbm>>) target(%arg8 : memref<128x128xf32, #tpu.memory_space<vmem>>) offsets(%dma_start3A_181 : memref<128xi32, #tpu.memory_space<vmem>>) semaphore(%arg14 : memref<!tpu.dma_semaphore, #tpu.memory_space<semaphore_mem>>)
      } else {
      }
      %mul3A_136 = arith.constant 128 : i32
      %mul3A_137 = arith.muli %add3A_110, %mul3A_136 : i32
      %add3A_138 = arith.addi %mul3A_2, %mul3A_137 : i32
      %dma_start3A_139 = arith.constant 0 : i32
      %dma_start3A_140 = tpu.memref_slice %arg4[%add3A_138, %dma_start3A_139] : memref<819200x64xf32, #tpu.memory_space<hbm>> -> memref<128x64xf32, #tpu.memory_space<hbm>>
      %dma_start3A_141 = arith.constant 0 : i32
      %dma_start3A_142 = tpu.memref_slice %arg4[%add3A_138, %dma_start3A_141] : memref<819200x64xf32, #tpu.memory_space<hbm>> -> memref<128x64xf32, #tpu.memory_space<hbm>>
      tpu.enqueue_dma source(%arg10 : memref<128x64xf32, #tpu.memory_space<vmem>>) target(%dma_start3A_142 : memref<128x64xf32, #tpu.memory_space<hbm>>) target_semaphore(%arg16 : memref<!tpu.dma_semaphore, #tpu.memory_space<semaphore_mem>>)
      %add3A_143 = arith.constant 3 : i32
      %add3A_144 = arith.addi %mul3A_44, %add3A_143 : i32
      %dma_wait3A_145 = arith.constant 0 : i32
      %dma_wait3A_146 = arith.constant 0 : i32
      %dma_wait3A_147 = tpu.memref_slice %arg5[%dma_wait3A_145, %dma_wait3A_146] : memref<200x128xi32, #tpu.memory_space<vmem>> -> memref<1x128xi32, #tpu.memory_space<vmem>>
      %dma_wait3A_148 = tpu.memref_squeeze %dma_wait3A_147 : memref<1x128xi32, #tpu.memory_space<vmem>> -> memref<128xi32, #tpu.memory_space<vmem>>
      %dma_wait3A_149 = arith.constant 0 : i32
      %dma_wait3A_150 = arith.constant 0 : i32
      %dma_wait3A_151 = tpu.memref_slice %arg3[%dma_wait3A_149, %dma_wait3A_150] : memref<1000000x128xf32, #tpu.memory_space<hbm>> -> memref<1000000x128xf32, #tpu.memory_space<hbm>>
      tpu.wait_indirect_dma semaphore(%arg15 : memref<!tpu.dma_semaphore, #tpu.memory_space<semaphore_mem>>) src(%dma_wait3A_151 : memref<1000000x128xf32, #tpu.memory_space<hbm>>) dst(%arg9 : memref<128x128xf32, #tpu.memory_space<vmem>>)
      %ge3A_152 = arith.constant 2 : i32
      %ge3A_153 = arith.cmpi sge, %add3A_144, %ge3A_152 : i32
      %convert_element_type3A_154 = arith.extui %ge3A_153 : i1 to i32
      %cond3A_155 = arith.constant 0 : i32
      %cond3A_156 = arith.cmpi ne, %convert_element_type3A_154, %cond3A_155 : i32
      scf.if %cond3A_156 {
        %dma_wait3A_177 = arith.constant 0 : i32
        %dma_wait3A_178 = tpu.memref_slice %arg4[%mul3A_2, %dma_wait3A_177] : memref<819200x64xf32, #tpu.memory_space<hbm>> -> memref<128x64xf32, #tpu.memory_space<hbm>>
        %dma_wait3A_179 = arith.constant 0 : i32
        %dma_wait3A_180 = tpu.memref_slice %arg4[%mul3A_2, %dma_wait3A_179] : memref<819200x64xf32, #tpu.memory_space<hbm>> -> memref<128x64xf32, #tpu.memory_space<hbm>>
        tpu.wait_dma2 semaphore(%arg17 : memref<!tpu.dma_semaphore, #tpu.memory_space<semaphore_mem>>) src(%arg11 : memref<128x64xf32, #tpu.memory_space<vmem>>) dst(%dma_wait3A_180 : memref<128x64xf32, #tpu.memory_space<hbm>>)
      } else {
      }
      %scan3A_157 = arith.constant 0 : i32
      %scan3A_158 = arith.constant 0 : i32
      %scan3A_159 = arith.constant 16 : i32
      %scan3A_160 = arith.addi %scan3A_158, %scan3A_159 : i32
      %scan3A_161 = arith.constant 1 : i32
      scf.for %scan3A_177 = %scan3A_158 to %scan3A_160 step %scan3A_161  : i32 {
        %mul3A_178 = arith.constant 8 : i32
        %mul3A_179 = arith.muli %scan3A_177, %mul3A_178 : i32
        %add3A_180 = arith.constant 0 : i32
        %add3A_181 = arith.addi %mul3A_179, %add3A_180 : i32
        %get3A = arith.index_cast %add3A_181 : i32 to index
        %get3A_182 = arith.constant 0 : index
        %get3A_183 = tpu.vector_load %arg9[%get3A, %get3A_182] {strides = array<i32>} : memref<128x128xf32, #tpu.memory_space<vmem>>, vector<1x16xf32>,
        %get3A_184 = vector.shape_cast %get3A_183 : vector<1x16xf32> to vector<16xf32>
        %mul3A_185 = arith.constant 8.000000e+00 : f32
        %mul3A_186 = vector.broadcast %mul3A_185 : f32 to vector<16xf32>
        %mul3A_187 = arith.mulf %get3A_184, %mul3A_186 : vector<16xf32>
        %swap3A = arith.index_cast %add3A_181 : i32 to index
        %swap3A_188 = arith.constant 0 : index
        %swap3A_189 = tpu.vector_load %arg11[%swap3A, %swap3A_188] {strides = array<i32>} : memref<128x64xf32, #tpu.memory_space<vmem>>, vector<1x16xf32>,
        %swap3A_190 = vector.shape_cast %swap3A_189 : vector<1x16xf32> to vector<16xf32>
        %swap3A_191 = vector.shape_cast %mul3A_187 : vector<16xf32> to vector<1x16xf32>
        tpu.vector_store %arg11[%swap3A, %swap3A_188], %swap3A_191 {strides = array<i32>} : memref<128x64xf32, #tpu.memory_space<vmem>>, vector<1x16xf32>,
        %get3A_192 = arith.index_cast %add3A_181 : i32 to index
        %get3A_193 = arith.constant 16 : index
        %get3A_194 = tpu.vector_load %arg9[%get3A_192, %get3A_193] {strides = array<i32>} : memref<128x128xf32, #tpu.memory_space<vmem>>, vector<1x16xf32>,
        %get3A_195 = vector.shape_cast %get3A_194 : vector<1x16xf32> to vector<16xf32>
        %mul3A_196 = arith.constant 8.000000e+00 : f32
        %mul3A_197 = vector.broadcast %mul3A_196 : f32 to vector<16xf32>
        %mul3A_198 = arith.mulf %get3A_195, %mul3A_197 : vector<16xf32>
        %swap3A_199 = arith.index_cast %add3A_181 : i32 to index
        %swap3A_200 = arith.constant 16 : index
        %swap3A_201 = tpu.vector_load %arg11[%swap3A_199, %swap3A_200] {strides = array<i32>} : memref<128x64xf32, #tpu.memory_space<vmem>>, vector<1x16xf32>,
        %swap3A_202 = vector.shape_cast %swap3A_201 : vector<1x16xf32> to vector<16xf32>
        %swap3A_203 = vector.shape_cast %mul3A_198 : vector<16xf32> to vector<1x16xf32>
        tpu.vector_store %arg11[%swap3A_199, %swap3A_200], %swap3A_203 {strides = array<i32>} : memref<128x64xf32, #tpu.memory_space<vmem>>, vector<1x16xf32>,
        %get3A_204 = arith.index_cast %add3A_181 : i32 to index
        %get3A_205 = arith.constant 32 : index
        %get3A_206 = tpu.vector_load %arg9[%get3A_204, %get3A_205] {strides = array<i32>} : memref<128x128xf32, #tpu.memory_space<vmem>>, vector<1x16xf32>,
        %get3A_207 = vector.shape_cast %get3A_206 : vector<1x16xf32> to vector<16xf32>
        %mul3A_208 = arith.constant 8.000000e+00 : f32
        %mul3A_209 = vector.broadcast %mul3A_208 : f32 to vector<16xf32>
        %mul3A_210 = arith.mulf %get3A_207, %mul3A_209 : vector<16xf32>
        %swap3A_211 = arith.index_cast %add3A_181 : i32 to index
        %swap3A_212 = arith.constant 32 : index
        %swap3A_213 = tpu.vector_load %arg11[%swap3A_211, %swap3A_212] {strides = array<i32>} : memref<128x64xf32, #tpu.memory_space<vmem>>, vector<1x16xf32>,
        %swap3A_214 = vector.shape_cast %swap3A_213 : vector<1x16xf32> to vector<16xf32>
        %swap3A_215 = vector.shape_cast %mul3A_210 : vector<16xf32> to vector<1x16xf32>
        tpu.vector_store %arg11[%swap3A_211, %swap3A_212], %swap3A_215 {strides = array<i32>} : memref<128x64xf32, #tpu.memory_space<vmem>>, vector<1x16xf32>,
        %get3A_216 = arith.index_cast %add3A_181 : i32 to index
        %get3A_217 = arith.constant 48 : index
        %get3A_218 = tpu.vector_load %arg9[%get3A_216, %get3A_217] {strides = array<i32>} : memref<128x128xf32, #tpu.memory_space<vmem>>, vector<1x16xf32>,
        %get3A_219 = vector.shape_cast %get3A_218 : vector<1x16xf32> to vector<16xf32>
        %mul3A_220 = arith.constant 8.000000e+00 : f32
        %mul3A_221 = vector.broadcast %mul3A_220 : f32 to vector<16xf32>
        %mul3A_222 = arith.mulf %get3A_219, %mul3A_221 : vector<16xf32>
        %swap3A_223 = arith.index_cast %add3A_181 : i32 to index
        %swap3A_224 = arith.constant 48 : index
        %swap3A_225 = tpu.vector_load %arg11[%swap3A_223, %swap3A_224] {strides = array<i32>} : memref<128x64xf32, #tpu.memory_space<vmem>>, vector<1x16xf32>,
        %swap3A_226 = vector.shape_cast %swap3A_225 : vector<1x16xf32> to vector<16xf32>
        %swap3A_227 = vector.shape_cast %mul3A_222 : vector<16xf32> to vector<1x16xf32>
        tpu.vector_store %arg11[%swap3A_223, %swap3A_224], %swap3A_227 {strides = array<i32>} : memref<128x64xf32, #tpu.memory_space<vmem>>, vector<1x16xf32>,
        %mul3A_228 = arith.constant 8 : i32
        %mul3A_229 = arith.muli %scan3A_177, %mul3A_228 : i32
        %add3A_230 = arith.constant 1 : i32
        %add3A_231 = arith.addi %mul3A_229, %add3A_230 : i32
        %get3A_232 = arith.index_cast %add3A_231 : i32 to index
        %get3A_233 = arith.constant 0 : index
        %get3A_234 = tpu.vector_load %arg9[%get3A_232, %get3A_233] {strides = array<i32>} : memref<128x128xf32, #tpu.memory_space<vmem>>, vector<1x16xf32>,
        %get3A_235 = vector.shape_cast %get3A_234 : vector<1x16xf32> to vector<16xf32>
        %mul3A_236 = arith.constant 8.000000e+00 : f32
        %mul3A_237 = vector.broadcast %mul3A_236 : f32 to vector<16xf32>
        %mul3A_238 = arith.mulf %get3A_235, %mul3A_237 : vector<16xf32>
        %swap3A_239 = arith.index_cast %add3A_231 : i32 to index
        %swap3A_240 = arith.constant 0 : index
        %swap3A_241 = tpu.vector_load %arg11[%swap3A_239, %swap3A_240] {strides = array<i32>} : memref<128x64xf32, #tpu.memory_space<vmem>>, vector<1x16xf32>,
        %swap3A_242 = vector.shape_cast %swap3A_241 : vector<1x16xf32> to vector<16xf32>
        %swap3A_243 = vector.shape_cast %mul3A_238 : vector<16xf32> to vector<1x16xf32>
        tpu.vector_store %arg11[%swap3A_239, %swap3A_240], %swap3A_243 {strides = array<i32>} : memref<128x64xf32, #tpu.memory_space<vmem>>, vector<1x16xf32>,
        %get3A_244 = arith.index_cast %add3A_231 : i32 to index
        %get3A_245 = arith.constant 16 : index
        %get3A_246 = tpu.vector_load %arg9[%get3A_244, %get3A_245] {strides = array<i32>} : memref<128x128xf32, #tpu.memory_space<vmem>>, vector<1x16xf32>,
        %get3A_247 = vector.shape_cast %get3A_246 : vector<1x16xf32> to vector<16xf32>
        %mul3A_248 = arith.constant 8.000000e+00 : f32
        %mul3A_249 = vector.broadcast %mul3A_248 : f32 to vector<16xf32>
        %mul3A_250 = arith.mulf %get3A_247, %mul3A_249 : vector<16xf32>
        %swap3A_251 = arith.index_cast %add3A_231 : i32 to index
        %swap3A_252 = arith.constant 16 : index
        %swap3A_253 = tpu.vector_load %arg11[%swap3A_251, %swap3A_252] {strides = array<i32>} : memref<128x64xf32, #tpu.memory_space<vmem>>, vector<1x16xf32>,
        %swap3A_254 = vector.shape_cast %swap3A_253 : vector<1x16xf32> to vector<16xf32>
        %swap3A_255 = vector.shape_cast %mul3A_250 : vector<16xf32> to vector<1x16xf32>
        tpu.vector_store %arg11[%swap3A_251, %swap3A_252], %swap3A_255 {strides = array<i32>} : memref<128x64xf32, #tpu.memory_space<vmem>>, vector<1x16xf32>,
        %get3A_256 = arith.index_cast %add3A_231 : i32 to index
        %get3A_257 = arith.constant 32 : index
        %get3A_258 = tpu.vector_load %arg9[%get3A_256, %get3A_257] {strides = array<i32>} : memref<128x128xf32, #tpu.memory_space<vmem>>, vector<1x16xf32>,
        %get3A_259 = vector.shape_cast %get3A_258 : vector<1x16xf32> to vector<16xf32>
        %mul3A_260 = arith.constant 8.000000e+00 : f32
        %mul3A_261 = vector.broadcast %mul3A_260 : f32 to vector<16xf32>
        %mul3A_262 = arith.mulf %get3A_259, %mul3A_261 : vector<16xf32>
        %swap3A_263 = arith.index_cast %add3A_231 : i32 to index
        %swap3A_264 = arith.constant 32 : index
        %swap3A_265 = tpu.vector_load %arg11[%swap3A_263, %swap3A_264] {strides = array<i32>} : memref<128x64xf32, #tpu.memory_space<vmem>>, vector<1x16xf32>,
        %swap3A_266 = vector.shape_cast %swap3A_265 : vector<1x16xf32> to vector<16xf32>
        %swap3A_267 = vector.shape_cast %mul3A_262 : vector<16xf32> to vector<1x16xf32>
        tpu.vector_store %arg11[%swap3A_263, %swap3A_264], %swap3A_267 {strides = array<i32>} : memref<128x64xf32, #tpu.memory_space<vmem>>, vector<1x16xf32>,
        %get3A_268 = arith.index_cast %add3A_231 : i32 to index
        %get3A_269 = arith.constant 48 : index
        %get3A_270 = tpu.vector_load %arg9[%get3A_268, %get3A_269] {strides = array<i32>} : memref<128x128xf32, #tpu.memory_space<vmem>>, vector<1x16xf32>,
        %get3A_271 = vector.shape_cast %get3A_270 : vector<1x16xf32> to vector<16xf32>
        %mul3A_272 = arith.constant 8.000000e+00 : f32
        %mul3A_273 = vector.broadcast %mul3A_272 : f32 to vector<16xf32>
        %mul3A_274 = arith.mulf %get3A_271, %mul3A_273 : vector<16xf32>
        %swap3A_275 = arith.index_cast %add3A_231 : i32 to index
        %swap3A_276 = arith.constant 48 : index
        %swap3A_277 = tpu.vector_load %arg11[%swap3A_275, %swap3A_276] {strides = array<i32>} : memref<128x64xf32, #tpu.memory_space<vmem>>, vector<1x16xf32>,
        %swap3A_278 = vector.shape_cast %swap3A_277 : vector<1x16xf32> to vector<16xf32>
        %swap3A_279 = vector.shape_cast %mul3A_274 : vector<16xf32> to vector<1x16xf32>
        tpu.vector_store %arg11[%swap3A_275, %swap3A_276], %swap3A_279 {strides = array<i32>} : memref<128x64xf32, #tpu.memory_space<vmem>>, vector<1x16xf32>,
        %mul3A_280 = arith.constant 8 : i32
        %mul3A_281 = arith.muli %scan3A_177, %mul3A_280 : i32
        %add3A_282 = arith.constant 2 : i32
        %add3A_283 = arith.addi %mul3A_281, %add3A_282 : i32
        %get3A_284 = arith.index_cast %add3A_283 : i32 to index
        %get3A_285 = arith.constant 0 : index
        %get3A_286 = tpu.vector_load %arg9[%get3A_284, %get3A_285] {strides = array<i32>} : memref<128x128xf32, #tpu.memory_space<vmem>>, vector<1x16xf32>,
        %get3A_287 = vector.shape_cast %get3A_286 : vector<1x16xf32> to vector<16xf32>
        %mul3A_288 = arith.constant 8.000000e+00 : f32
        %mul3A_289 = vector.broadcast %mul3A_288 : f32 to vector<16xf32>
        %mul3A_290 = arith.mulf %get3A_287, %mul3A_289 : vector<16xf32>
        %swap3A_291 = arith.index_cast %add3A_283 : i32 to index
        %swap3A_292 = arith.constant 0 : index
        %swap3A_293 = tpu.vector_load %arg11[%swap3A_291, %swap3A_292] {strides = array<i32>} : memref<128x64xf32, #tpu.memory_space<vmem>>, vector<1x16xf32>,
        %swap3A_294 = vector.shape_cast %swap3A_293 : vector<1x16xf32> to vector<16xf32>
        %swap3A_295 = vector.shape_cast %mul3A_290 : vector<16xf32> to vector<1x16xf32>
        tpu.vector_store %arg11[%swap3A_291, %swap3A_292], %swap3A_295 {strides = array<i32>} : memref<128x64xf32, #tpu.memory_space<vmem>>, vector<1x16xf32>,
        %get3A_296 = arith.index_cast %add3A_283 : i32 to index
        %get3A_297 = arith.constant 16 : index
        %get3A_298 = tpu.vector_load %arg9[%get3A_296, %get3A_297] {strides = array<i32>} : memref<128x128xf32, #tpu.memory_space<vmem>>, vector<1x16xf32>,
        %get3A_299 = vector.shape_cast %get3A_298 : vector<1x16xf32> to vector<16xf32>
        %mul3A_300 = arith.constant 8.000000e+00 : f32
        %mul3A_301 = vector.broadcast %mul3A_300 : f32 to vector<16xf32>
        %mul3A_302 = arith.mulf %get3A_299, %mul3A_301 : vector<16xf32>
        %swap3A_303 = arith.index_cast %add3A_283 : i32 to index
        %swap3A_304 = arith.constant 16 : index
        %swap3A_305 = tpu.vector_load %arg11[%swap3A_303, %swap3A_304] {strides = array<i32>} : memref<128x64xf32, #tpu.memory_space<vmem>>, vector<1x16xf32>,
        %swap3A_306 = vector.shape_cast %swap3A_305 : vector<1x16xf32> to vector<16xf32>
        %swap3A_307 = vector.shape_cast %mul3A_302 : vector<16xf32> to vector<1x16xf32>
        tpu.vector_store %arg11[%swap3A_303, %swap3A_304], %swap3A_307 {strides = array<i32>} : memref<128x64xf32, #tpu.memory_space<vmem>>, vector<1x16xf32>,
        %get3A_308 = arith.index_cast %add3A_283 : i32 to index
        %get3A_309 = arith.constant 32 : index
        %get3A_310 = tpu.vector_load %arg9[%get3A_308, %get3A_309] {strides = array<i32>} : memref<128x128xf32, #tpu.memory_space<vmem>>, vector<1x16xf32>,
        %get3A_311 = vector.shape_cast %get3A_310 : vector<1x16xf32> to vector<16xf32>
        %mul3A_312 = arith.constant 8.000000e+00 : f32
        %mul3A_313 = vector.broadcast %mul3A_312 : f32 to vector<16xf32>
        %mul3A_314 = arith.mulf %get3A_311, %mul3A_313 : vector<16xf32>
        %swap3A_315 = arith.index_cast %add3A_283 : i32 to index
        %swap3A_316 = arith.constant 32 : index
        %swap3A_317 = tpu.vector_load %arg11[%swap3A_315, %swap3A_316] {strides = array<i32>} : memref<128x64xf32, #tpu.memory_space<vmem>>, vector<1x16xf32>,
        %swap3A_318 = vector.shape_cast %swap3A_317 : vector<1x16xf32> to vector<16xf32>
        %swap3A_319 = vector.shape_cast %mul3A_314 : vector<16xf32> to vector<1x16xf32>
        tpu.vector_store %arg11[%swap3A_315, %swap3A_316], %swap3A_319 {strides = array<i32>} : memref<128x64xf32, #tpu.memory_space<vmem>>, vector<1x16xf32>,
        %get3A_320 = arith.index_cast %add3A_283 : i32 to index
        %get3A_321 = arith.constant 48 : index
        %get3A_322 = tpu.vector_load %arg9[%get3A_320, %get3A_321] {strides = array<i32>} : memref<128x128xf32, #tpu.memory_space<vmem>>, vector<1x16xf32>,
        %get3A_323 = vector.shape_cast %get3A_322 : vector<1x16xf32> to vector<16xf32>
        %mul3A_324 = arith.constant 8.000000e+00 : f32
        %mul3A_325 = vector.broadcast %mul3A_324 : f32 to vector<16xf32>
        %mul3A_326 = arith.mulf %get3A_323, %mul3A_325 : vector<16xf32>
        %swap3A_327 = arith.index_cast %add3A_283 : i32 to index
        %swap3A_328 = arith.constant 48 : index
        %swap3A_329 = tpu.vector_load %arg11[%swap3A_327, %swap3A_328] {strides = array<i32>} : memref<128x64xf32, #tpu.memory_space<vmem>>, vector<1x16xf32>,
        %swap3A_330 = vector.shape_cast %swap3A_329 : vector<1x16xf32> to vector<16xf32>
        %swap3A_331 = vector.shape_cast %mul3A_326 : vector<16xf32> to vector<1x16xf32>
        tpu.vector_store %arg11[%swap3A_327, %swap3A_328], %swap3A_331 {strides = array<i32>} : memref<128x64xf32, #tpu.memory_space<vmem>>, vector<1x16xf32>,
        %mul3A_332 = arith.constant 8 : i32
        %mul3A_333 = arith.muli %scan3A_177, %mul3A_332 : i32
        %add3A_334 = arith.constant 3 : i32
        %add3A_335 = arith.addi %mul3A_333, %add3A_334 : i32
        %get3A_336 = arith.index_cast %add3A_335 : i32 to index
        %get3A_337 = arith.constant 0 : index
        %get3A_338 = tpu.vector_load %arg9[%get3A_336, %get3A_337] {strides = array<i32>} : memref<128x128xf32, #tpu.memory_space<vmem>>, vector<1x16xf32>,
        %get3A_339 = vector.shape_cast %get3A_338 : vector<1x16xf32> to vector<16xf32>
        %mul3A_340 = arith.constant 8.000000e+00 : f32
        %mul3A_341 = vector.broadcast %mul3A_340 : f32 to vector<16xf32>
        %mul3A_342 = arith.mulf %get3A_339, %mul3A_341 : vector<16xf32>
        %swap3A_343 = arith.index_cast %add3A_335 : i32 to index
        %swap3A_344 = arith.constant 0 : index
        %swap3A_345 = tpu.vector_load %arg11[%swap3A_343, %swap3A_344] {strides = array<i32>} : memref<128x64xf32, #tpu.memory_space<vmem>>, vector<1x16xf32>,
        %swap3A_346 = vector.shape_cast %swap3A_345 : vector<1x16xf32> to vector<16xf32>
        %swap3A_347 = vector.shape_cast %mul3A_342 : vector<16xf32> to vector<1x16xf32>
        tpu.vector_store %arg11[%swap3A_343, %swap3A_344], %swap3A_347 {strides = array<i32>} : memref<128x64xf32, #tpu.memory_space<vmem>>, vector<1x16xf32>,
        %get3A_348 = arith.index_cast %add3A_335 : i32 to index
        %get3A_349 = arith.constant 16 : index
        %get3A_350 = tpu.vector_load %arg9[%get3A_348, %get3A_349] {strides = array<i32>} : memref<128x128xf32, #tpu.memory_space<vmem>>, vector<1x16xf32>,
        %get3A_351 = vector.shape_cast %get3A_350 : vector<1x16xf32> to vector<16xf32>
        %mul3A_352 = arith.constant 8.000000e+00 : f32
        %mul3A_353 = vector.broadcast %mul3A_352 : f32 to vector<16xf32>
        %mul3A_354 = arith.mulf %get3A_351, %mul3A_353 : vector<16xf32>
        %swap3A_355 = arith.index_cast %add3A_335 : i32 to index
        %swap3A_356 = arith.constant 16 : index
        %swap3A_357 = tpu.vector_load %arg11[%swap3A_355, %swap3A_356] {strides = array<i32>} : memref<128x64xf32, #tpu.memory_space<vmem>>, vector<1x16xf32>,
        %swap3A_358 = vector.shape_cast %swap3A_357 : vector<1x16xf32> to vector<16xf32>
        %swap3A_359 = vector.shape_cast %mul3A_354 : vector<16xf32> to vector<1x16xf32>
        tpu.vector_store %arg11[%swap3A_355, %swap3A_356], %swap3A_359 {strides = array<i32>} : memref<128x64xf32, #tpu.memory_space<vmem>>, vector<1x16xf32>,
        %get3A_360 = arith.index_cast %add3A_335 : i32 to index
        %get3A_361 = arith.constant 32 : index
        %get3A_362 = tpu.vector_load %arg9[%get3A_360, %get3A_361] {strides = array<i32>} : memref<128x128xf32, #tpu.memory_space<vmem>>, vector<1x16xf32>,
        %get3A_363 = vector.shape_cast %get3A_362 : vector<1x16xf32> to vector<16xf32>
        %mul3A_364 = arith.constant 8.000000e+00 : f32
        %mul3A_365 = vector.broadcast %mul3A_364 : f32 to vector<16xf32>
        %mul3A_366 = arith.mulf %get3A_363, %mul3A_365 : vector<16xf32>
        %swap3A_367 = arith.index_cast %add3A_335 : i32 to index
        %swap3A_368 = arith.constant 32 : index
        %swap3A_369 = tpu.vector_load %arg11[%swap3A_367, %swap3A_368] {strides = array<i32>} : memref<128x64xf32, #tpu.memory_space<vmem>>, vector<1x16xf32>,
        %swap3A_370 = vector.shape_cast %swap3A_369 : vector<1x16xf32> to vector<16xf32>
        %swap3A_371 = vector.shape_cast %mul3A_366 : vector<16xf32> to vector<1x16xf32>
        tpu.vector_store %arg11[%swap3A_367, %swap3A_368], %swap3A_371 {strides = array<i32>} : memref<128x64xf32, #tpu.memory_space<vmem>>, vector<1x16xf32>,
        %get3A_372 = arith.index_cast %add3A_335 : i32 to index
        %get3A_373 = arith.constant 48 : index
        %get3A_374 = tpu.vector_load %arg9[%get3A_372, %get3A_373] {strides = array<i32>} : memref<128x128xf32, #tpu.memory_space<vmem>>, vector<1x16xf32>,
        %get3A_375 = vector.shape_cast %get3A_374 : vector<1x16xf32> to vector<16xf32>
        %mul3A_376 = arith.constant 8.000000e+00 : f32
        %mul3A_377 = vector.broadcast %mul3A_376 : f32 to vector<16xf32>
        %mul3A_378 = arith.mulf %get3A_375, %mul3A_377 : vector<16xf32>
        %swap3A_379 = arith.index_cast %add3A_335 : i32 to index
        %swap3A_380 = arith.constant 48 : index
        %swap3A_381 = tpu.vector_load %arg11[%swap3A_379, %swap3A_380] {strides = array<i32>} : memref<128x64xf32, #tpu.memory_space<vmem>>, vector<1x16xf32>,
        %swap3A_382 = vector.shape_cast %swap3A_381 : vector<1x16xf32> to vector<16xf32>
        %swap3A_383 = vector.shape_cast %mul3A_378 : vector<16xf32> to vector<1x16xf32>
        tpu.vector_store %arg11[%swap3A_379, %swap3A_380], %swap3A_383 {strides = array<i32>} : memref<128x64xf32, #tpu.memory_space<vmem>>, vector<1x16xf32>,
        %mul3A_384 = arith.constant 8 : i32
        %mul3A_385 = arith.muli %scan3A_177, %mul3A_384 : i32
        %add3A_386 = arith.constant 4 : i32
        %add3A_387 = arith.addi %mul3A_385, %add3A_386 : i32
        %get3A_388 = arith.index_cast %add3A_387 : i32 to index
        %get3A_389 = arith.constant 0 : index
        %get3A_390 = tpu.vector_load %arg9[%get3A_388, %get3A_389] {strides = array<i32>} : memref<128x128xf32, #tpu.memory_space<vmem>>, vector<1x16xf32>,
        %get3A_391 = vector.shape_cast %get3A_390 : vector<1x16xf32> to vector<16xf32>
        %mul3A_392 = arith.constant 8.000000e+00 : f32
        %mul3A_393 = vector.broadcast %mul3A_392 : f32 to vector<16xf32>
        %mul3A_394 = arith.mulf %get3A_391, %mul3A_393 : vector<16xf32>
        %swap3A_395 = arith.index_cast %add3A_387 : i32 to index
        %swap3A_396 = arith.constant 0 : index
        %swap3A_397 = tpu.vector_load %arg11[%swap3A_395, %swap3A_396] {strides = array<i32>} : memref<128x64xf32, #tpu.memory_space<vmem>>, vector<1x16xf32>,
        %swap3A_398 = vector.shape_cast %swap3A_397 : vector<1x16xf32> to vector<16xf32>
        %swap3A_399 = vector.shape_cast %mul3A_394 : vector<16xf32> to vector<1x16xf32>
        tpu.vector_store %arg11[%swap3A_395, %swap3A_396], %swap3A_399 {strides = array<i32>} : memref<128x64xf32, #tpu.memory_space<vmem>>, vector<1x16xf32>,
        %get3A_400 = arith.index_cast %add3A_387 : i32 to index
        %get3A_401 = arith.constant 16 : index
        %get3A_402 = tpu.vector_load %arg9[%get3A_400, %get3A_401] {strides = array<i32>} : memref<128x128xf32, #tpu.memory_space<vmem>>, vector<1x16xf32>,
        %get3A_403 = vector.shape_cast %get3A_402 : vector<1x16xf32> to vector<16xf32>
        %mul3A_404 = arith.constant 8.000000e+00 : f32
        %mul3A_405 = vector.broadcast %mul3A_404 : f32 to vector<16xf32>
        %mul3A_406 = arith.mulf %get3A_403, %mul3A_405 : vector<16xf32>
        %swap3A_407 = arith.index_cast %add3A_387 : i32 to index
        %swap3A_408 = arith.constant 16 : index
        %swap3A_409 = tpu.vector_load %arg11[%swap3A_407, %swap3A_408] {strides = array<i32>} : memref<128x64xf32, #tpu.memory_space<vmem>>, vector<1x16xf32>,
        %swap3A_410 = vector.shape_cast %swap3A_409 : vector<1x16xf32> to vector<16xf32>
        %swap3A_411 = vector.shape_cast %mul3A_406 : vector<16xf32> to vector<1x16xf32>
        tpu.vector_store %arg11[%swap3A_407, %swap3A_408], %swap3A_411 {strides = array<i32>} : memref<128x64xf32, #tpu.memory_space<vmem>>, vector<1x16xf32>,
        %get3A_412 = arith.index_cast %add3A_387 : i32 to index
        %get3A_413 = arith.constant 32 : index
        %get3A_414 = tpu.vector_load %arg9[%get3A_412, %get3A_413] {strides = array<i32>} : memref<128x128xf32, #tpu.memory_space<vmem>>, vector<1x16xf32>,
        %get3A_415 = vector.shape_cast %get3A_414 : vector<1x16xf32> to vector<16xf32>
        %mul3A_416 = arith.constant 8.000000e+00 : f32
        %mul3A_417 = vector.broadcast %mul3A_416 : f32 to vector<16xf32>
        %mul3A_418 = arith.mulf %get3A_415, %mul3A_417 : vector<16xf32>
        %swap3A_419 = arith.index_cast %add3A_387 : i32 to index
        %swap3A_420 = arith.constant 32 : index
        %swap3A_421 = tpu.vector_load %arg11[%swap3A_419, %swap3A_420] {strides = array<i32>} : memref<128x64xf32, #tpu.memory_space<vmem>>, vector<1x16xf32>,
        %swap3A_422 = vector.shape_cast %swap3A_421 : vector<1x16xf32> to vector<16xf32>
        %swap3A_423 = vector.shape_cast %mul3A_418 : vector<16xf32> to vector<1x16xf32>
        tpu.vector_store %arg11[%swap3A_419, %swap3A_420], %swap3A_423 {strides = array<i32>} : memref<128x64xf32, #tpu.memory_space<vmem>>, vector<1x16xf32>,
        %get3A_424 = arith.index_cast %add3A_387 : i32 to index
        %get3A_425 = arith.constant 48 : index
        %get3A_426 = tpu.vector_load %arg9[%get3A_424, %get3A_425] {strides = array<i32>} : memref<128x128xf32, #tpu.memory_space<vmem>>, vector<1x16xf32>,
        %get3A_427 = vector.shape_cast %get3A_426 : vector<1x16xf32> to vector<16xf32>
        %mul3A_428 = arith.constant 8.000000e+00 : f32
        %mul3A_429 = vector.broadcast %mul3A_428 : f32 to vector<16xf32>
        %mul3A_430 = arith.mulf %get3A_427, %mul3A_429 : vector<16xf32>
        %swap3A_431 = arith.index_cast %add3A_387 : i32 to index
        %swap3A_432 = arith.constant 48 : index
        %swap3A_433 = tpu.vector_load %arg11[%swap3A_431, %swap3A_432] {strides = array<i32>} : memref<128x64xf32, #tpu.memory_space<vmem>>, vector<1x16xf32>,
        %swap3A_434 = vector.shape_cast %swap3A_433 : vector<1x16xf32> to vector<16xf32>
        %swap3A_435 = vector.shape_cast %mul3A_430 : vector<16xf32> to vector<1x16xf32>
        tpu.vector_store %arg11[%swap3A_431, %swap3A_432], %swap3A_435 {strides = array<i32>} : memref<128x64xf32, #tpu.memory_space<vmem>>, vector<1x16xf32>,
        %mul3A_436 = arith.constant 8 : i32
        %mul3A_437 = arith.muli %scan3A_177, %mul3A_436 : i32
        %add3A_438 = arith.constant 5 : i32
        %add3A_439 = arith.addi %mul3A_437, %add3A_438 : i32
        %get3A_440 = arith.index_cast %add3A_439 : i32 to index
        %get3A_441 = arith.constant 0 : index
        %get3A_442 = tpu.vector_load %arg9[%get3A_440, %get3A_441] {strides = array<i32>} : memref<128x128xf32, #tpu.memory_space<vmem>>, vector<1x16xf32>,
        %get3A_443 = vector.shape_cast %get3A_442 : vector<1x16xf32> to vector<16xf32>
        %mul3A_444 = arith.constant 8.000000e+00 : f32
        %mul3A_445 = vector.broadcast %mul3A_444 : f32 to vector<16xf32>
        %mul3A_446 = arith.mulf %get3A_443, %mul3A_445 : vector<16xf32>
        %swap3A_447 = arith.index_cast %add3A_439 : i32 to index
        %swap3A_448 = arith.constant 0 : index
        %swap3A_449 = tpu.vector_load %arg11[%swap3A_447, %swap3A_448] {strides = array<i32>} : memref<128x64xf32, #tpu.memory_space<vmem>>, vector<1x16xf32>,
        %swap3A_450 = vector.shape_cast %swap3A_449 : vector<1x16xf32> to vector<16xf32>
        %swap3A_451 = vector.shape_cast %mul3A_446 : vector<16xf32> to vector<1x16xf32>
        tpu.vector_store %arg11[%swap3A_447, %swap3A_448], %swap3A_451 {strides = array<i32>} : memref<128x64xf32, #tpu.memory_space<vmem>>, vector<1x16xf32>,
        %get3A_452 = arith.index_cast %add3A_439 : i32 to index
        %get3A_453 = arith.constant 16 : index
        %get3A_454 = tpu.vector_load %arg9[%get3A_452, %get3A_453] {strides = array<i32>} : memref<128x128xf32, #tpu.memory_space<vmem>>, vector<1x16xf32>,
        %get3A_455 = vector.shape_cast %get3A_454 : vector<1x16xf32> to vector<16xf32>
        %mul3A_456 = arith.constant 8.000000e+00 : f32
        %mul3A_457 = vector.broadcast %mul3A_456 : f32 to vector<16xf32>
        %mul3A_458 = arith.mulf %get3A_455, %mul3A_457 : vector<16xf32>
        %swap3A_459 = arith.index_cast %add3A_439 : i32 to index
        %swap3A_460 = arith.constant 16 : index
        %swap3A_461 = tpu.vector_load %arg11[%swap3A_459, %swap3A_460] {strides = array<i32>} : memref<128x64xf32, #tpu.memory_space<vmem>>, vector<1x16xf32>,
        %swap3A_462 = vector.shape_cast %swap3A_461 : vector<1x16xf32> to vector<16xf32>
        %swap3A_463 = vector.shape_cast %mul3A_458 : vector<16xf32> to vector<1x16xf32>
        tpu.vector_store %arg11[%swap3A_459, %swap3A_460], %swap3A_463 {strides = array<i32>} : memref<128x64xf32, #tpu.memory_space<vmem>>, vector<1x16xf32>,
        %get3A_464 = arith.index_cast %add3A_439 : i32 to index
        %get3A_465 = arith.constant 32 : index
        %get3A_466 = tpu.vector_load %arg9[%get3A_464, %get3A_465] {strides = array<i32>} : memref<128x128xf32, #tpu.memory_space<vmem>>, vector<1x16xf32>,
        %get3A_467 = vector.shape_cast %get3A_466 : vector<1x16xf32> to vector<16xf32>
        %mul3A_468 = arith.constant 8.000000e+00 : f32
        %mul3A_469 = vector.broadcast %mul3A_468 : f32 to vector<16xf32>
        %mul3A_470 = arith.mulf %get3A_467, %mul3A_469 : vector<16xf32>
        %swap3A_471 = arith.index_cast %add3A_439 : i32 to index
        %swap3A_472 = arith.constant 32 : index
        %swap3A_473 = tpu.vector_load %arg11[%swap3A_471, %swap3A_472] {strides = array<i32>} : memref<128x64xf32, #tpu.memory_space<vmem>>, vector<1x16xf32>,
        %swap3A_474 = vector.shape_cast %swap3A_473 : vector<1x16xf32> to vector<16xf32>
        %swap3A_475 = vector.shape_cast %mul3A_470 : vector<16xf32> to vector<1x16xf32>
        tpu.vector_store %arg11[%swap3A_471, %swap3A_472], %swap3A_475 {strides = array<i32>} : memref<128x64xf32, #tpu.memory_space<vmem>>, vector<1x16xf32>,
        %get3A_476 = arith.index_cast %add3A_439 : i32 to index
        %get3A_477 = arith.constant 48 : index
        %get3A_478 = tpu.vector_load %arg9[%get3A_476, %get3A_477] {strides = array<i32>} : memref<128x128xf32, #tpu.memory_space<vmem>>, vector<1x16xf32>,
        %get3A_479 = vector.shape_cast %get3A_478 : vector<1x16xf32> to vector<16xf32>
        %mul3A_480 = arith.constant 8.000000e+00 : f32
        %mul3A_481 = vector.broadcast %mul3A_480 : f32 to vector<16xf32>
        %mul3A_482 = arith.mulf %get3A_479, %mul3A_481 : vector<16xf32>
        %swap3A_483 = arith.index_cast %add3A_439 : i32 to index
        %swap3A_484 = arith.constant 48 : index
        %swap3A_485 = tpu.vector_load %arg11[%swap3A_483, %swap3A_484] {strides = array<i32>} : memref<128x64xf32, #tpu.memory_space<vmem>>, vector<1x16xf32>,
        %swap3A_486 = vector.shape_cast %swap3A_485 : vector<1x16xf32> to vector<16xf32>
        %swap3A_487 = vector.shape_cast %mul3A_482 : vector<16xf32> to vector<1x16xf32>
        tpu.vector_store %arg11[%swap3A_483, %swap3A_484], %swap3A_487 {strides = array<i32>} : memref<128x64xf32, #tpu.memory_space<vmem>>, vector<1x16xf32>,
        %mul3A_488 = arith.constant 8 : i32
        %mul3A_489 = arith.muli %scan3A_177, %mul3A_488 : i32
        %add3A_490 = arith.constant 6 : i32
        %add3A_491 = arith.addi %mul3A_489, %add3A_490 : i32
        %get3A_492 = arith.index_cast %add3A_491 : i32 to index
        %get3A_493 = arith.constant 0 : index
        %get3A_494 = tpu.vector_load %arg9[%get3A_492, %get3A_493] {strides = array<i32>} : memref<128x128xf32, #tpu.memory_space<vmem>>, vector<1x16xf32>,
        %get3A_495 = vector.shape_cast %get3A_494 : vector<1x16xf32> to vector<16xf32>
        %mul3A_496 = arith.constant 8.000000e+00 : f32
        %mul3A_497 = vector.broadcast %mul3A_496 : f32 to vector<16xf32>
        %mul3A_498 = arith.mulf %get3A_495, %mul3A_497 : vector<16xf32>
        %swap3A_499 = arith.index_cast %add3A_491 : i32 to index
        %swap3A_500 = arith.constant 0 : index
        %swap3A_501 = tpu.vector_load %arg11[%swap3A_499, %swap3A_500] {strides = array<i32>} : memref<128x64xf32, #tpu.memory_space<vmem>>, vector<1x16xf32>,
        %swap3A_502 = vector.shape_cast %swap3A_501 : vector<1x16xf32> to vector<16xf32>
        %swap3A_503 = vector.shape_cast %mul3A_498 : vector<16xf32> to vector<1x16xf32>
        tpu.vector_store %arg11[%swap3A_499, %swap3A_500], %swap3A_503 {strides = array<i32>} : memref<128x64xf32, #tpu.memory_space<vmem>>, vector<1x16xf32>,
        %get3A_504 = arith.index_cast %add3A_491 : i32 to index
        %get3A_505 = arith.constant 16 : index
        %get3A_506 = tpu.vector_load %arg9[%get3A_504, %get3A_505] {strides = array<i32>} : memref<128x128xf32, #tpu.memory_space<vmem>>, vector<1x16xf32>,
        %get3A_507 = vector.shape_cast %get3A_506 : vector<1x16xf32> to vector<16xf32>
        %mul3A_508 = arith.constant 8.000000e+00 : f32
        %mul3A_509 = vector.broadcast %mul3A_508 : f32 to vector<16xf32>
        %mul3A_510 = arith.mulf %get3A_507, %mul3A_509 : vector<16xf32>
        %swap3A_511 = arith.index_cast %add3A_491 : i32 to index
        %swap3A_512 = arith.constant 16 : index
        %swap3A_513 = tpu.vector_load %arg11[%swap3A_511, %swap3A_512] {strides = array<i32>} : memref<128x64xf32, #tpu.memory_space<vmem>>, vector<1x16xf32>,
        %swap3A_514 = vector.shape_cast %swap3A_513 : vector<1x16xf32> to vector<16xf32>
        %swap3A_515 = vector.shape_cast %mul3A_510 : vector<16xf32> to vector<1x16xf32>
        tpu.vector_store %arg11[%swap3A_511, %swap3A_512], %swap3A_515 {strides = array<i32>} : memref<128x64xf32, #tpu.memory_space<vmem>>, vector<1x16xf32>,
        %get3A_516 = arith.index_cast %add3A_491 : i32 to index
        %get3A_517 = arith.constant 32 : index
        %get3A_518 = tpu.vector_load %arg9[%get3A_516, %get3A_517] {strides = array<i32>} : memref<128x128xf32, #tpu.memory_space<vmem>>, vector<1x16xf32>,
        %get3A_519 = vector.shape_cast %get3A_518 : vector<1x16xf32> to vector<16xf32>
        %mul3A_520 = arith.constant 8.000000e+00 : f32
        %mul3A_521 = vector.broadcast %mul3A_520 : f32 to vector<16xf32>
        %mul3A_522 = arith.mulf %get3A_519, %mul3A_521 : vector<16xf32>
        %swap3A_523 = arith.index_cast %add3A_491 : i32 to index
        %swap3A_524 = arith.constant 32 : index
        %swap3A_525 = tpu.vector_load %arg11[%swap3A_523, %swap3A_524] {strides = array<i32>} : memref<128x64xf32, #tpu.memory_space<vmem>>, vector<1x16xf32>,
        %swap3A_526 = vector.shape_cast %swap3A_525 : vector<1x16xf32> to vector<16xf32>
        %swap3A_527 = vector.shape_cast %mul3A_522 : vector<16xf32> to vector<1x16xf32>
        tpu.vector_store %arg11[%swap3A_523, %swap3A_524], %swap3A_527 {strides = array<i32>} : memref<128x64xf32, #tpu.memory_space<vmem>>, vector<1x16xf32>,
        %get3A_528 = arith.index_cast %add3A_491 : i32 to index
        %get3A_529 = arith.constant 48 : index
        %get3A_530 = tpu.vector_load %arg9[%get3A_528, %get3A_529] {strides = array<i32>} : memref<128x128xf32, #tpu.memory_space<vmem>>, vector<1x16xf32>,
        %get3A_531 = vector.shape_cast %get3A_530 : vector<1x16xf32> to vector<16xf32>
        %mul3A_532 = arith.constant 8.000000e+00 : f32
        %mul3A_533 = vector.broadcast %mul3A_532 : f32 to vector<16xf32>
        %mul3A_534 = arith.mulf %get3A_531, %mul3A_533 : vector<16xf32>
        %swap3A_535 = arith.index_cast %add3A_491 : i32 to index
        %swap3A_536 = arith.constant 48 : index
        %swap3A_537 = tpu.vector_load %arg11[%swap3A_535, %swap3A_536] {strides = array<i32>} : memref<128x64xf32, #tpu.memory_space<vmem>>, vector<1x16xf32>,
        %swap3A_538 = vector.shape_cast %swap3A_537 : vector<1x16xf32> to vector<16xf32>
        %swap3A_539 = vector.shape_cast %mul3A_534 : vector<16xf32> to vector<1x16xf32>
        tpu.vector_store %arg11[%swap3A_535, %swap3A_536], %swap3A_539 {strides = array<i32>} : memref<128x64xf32, #tpu.memory_space<vmem>>, vector<1x16xf32>,
        %mul3A_540 = arith.constant 8 : i32
        %mul3A_541 = arith.muli %scan3A_177, %mul3A_540 : i32
        %add3A_542 = arith.constant 7 : i32
        %add3A_543 = arith.addi %mul3A_541, %add3A_542 : i32
        %get3A_544 = arith.index_cast %add3A_543 : i32 to index
        %get3A_545 = arith.constant 0 : index
        %get3A_546 = tpu.vector_load %arg9[%get3A_544, %get3A_545] {strides = array<i32>} : memref<128x128xf32, #tpu.memory_space<vmem>>, vector<1x16xf32>,
        %get3A_547 = vector.shape_cast %get3A_546 : vector<1x16xf32> to vector<16xf32>
        %mul3A_548 = arith.constant 8.000000e+00 : f32
        %mul3A_549 = vector.broadcast %mul3A_548 : f32 to vector<16xf32>
        %mul3A_550 = arith.mulf %get3A_547, %mul3A_549 : vector<16xf32>
        %swap3A_551 = arith.index_cast %add3A_543 : i32 to index
        %swap3A_552 = arith.constant 0 : index
        %swap3A_553 = tpu.vector_load %arg11[%swap3A_551, %swap3A_552] {strides = array<i32>} : memref<128x64xf32, #tpu.memory_space<vmem>>, vector<1x16xf32>,
        %swap3A_554 = vector.shape_cast %swap3A_553 : vector<1x16xf32> to vector<16xf32>
        %swap3A_555 = vector.shape_cast %mul3A_550 : vector<16xf32> to vector<1x16xf32>
        tpu.vector_store %arg11[%swap3A_551, %swap3A_552], %swap3A_555 {strides = array<i32>} : memref<128x64xf32, #tpu.memory_space<vmem>>, vector<1x16xf32>,
        %get3A_556 = arith.index_cast %add3A_543 : i32 to index
        %get3A_557 = arith.constant 16 : index
        %get3A_558 = tpu.vector_load %arg9[%get3A_556, %get3A_557] {strides = array<i32>} : memref<128x128xf32, #tpu.memory_space<vmem>>, vector<1x16xf32>,
        %get3A_559 = vector.shape_cast %get3A_558 : vector<1x16xf32> to vector<16xf32>
        %mul3A_560 = arith.constant 8.000000e+00 : f32
        %mul3A_561 = vector.broadcast %mul3A_560 : f32 to vector<16xf32>
        %mul3A_562 = arith.mulf %get3A_559, %mul3A_561 : vector<16xf32>
        %swap3A_563 = arith.index_cast %add3A_543 : i32 to index
        %swap3A_564 = arith.constant 16 : index
        %swap3A_565 = tpu.vector_load %arg11[%swap3A_563, %swap3A_564] {strides = array<i32>} : memref<128x64xf32, #tpu.memory_space<vmem>>, vector<1x16xf32>,
        %swap3A_566 = vector.shape_cast %swap3A_565 : vector<1x16xf32> to vector<16xf32>
        %swap3A_567 = vector.shape_cast %mul3A_562 : vector<16xf32> to vector<1x16xf32>
        tpu.vector_store %arg11[%swap3A_563, %swap3A_564], %swap3A_567 {strides = array<i32>} : memref<128x64xf32, #tpu.memory_space<vmem>>, vector<1x16xf32>,
        %get3A_568 = arith.index_cast %add3A_543 : i32 to index
        %get3A_569 = arith.constant 32 : index
        %get3A_570 = tpu.vector_load %arg9[%get3A_568, %get3A_569] {strides = array<i32>} : memref<128x128xf32, #tpu.memory_space<vmem>>, vector<1x16xf32>,
        %get3A_571 = vector.shape_cast %get3A_570 : vector<1x16xf32> to vector<16xf32>
        %mul3A_572 = arith.constant 8.000000e+00 : f32
        %mul3A_573 = vector.broadcast %mul3A_572 : f32 to vector<16xf32>
        %mul3A_574 = arith.mulf %get3A_571, %mul3A_573 : vector<16xf32>
        %swap3A_575 = arith.index_cast %add3A_543 : i32 to index
        %swap3A_576 = arith.constant 32 : index
        %swap3A_577 = tpu.vector_load %arg11[%swap3A_575, %swap3A_576] {strides = array<i32>} : memref<128x64xf32, #tpu.memory_space<vmem>>, vector<1x16xf32>,
        %swap3A_578 = vector.shape_cast %swap3A_577 : vector<1x16xf32> to vector<16xf32>
        %swap3A_579 = vector.shape_cast %mul3A_574 : vector<16xf32> to vector<1x16xf32>
        tpu.vector_store %arg11[%swap3A_575, %swap3A_576], %swap3A_579 {strides = array<i32>} : memref<128x64xf32, #tpu.memory_space<vmem>>, vector<1x16xf32>,
        %get3A_580 = arith.index_cast %add3A_543 : i32 to index
        %get3A_581 = arith.constant 48 : index
        %get3A_582 = tpu.vector_load %arg9[%get3A_580, %get3A_581] {strides = array<i32>} : memref<128x128xf32, #tpu.memory_space<vmem>>, vector<1x16xf32>,
        %get3A_583 = vector.shape_cast %get3A_582 : vector<1x16xf32> to vector<16xf32>
        %mul3A_584 = arith.constant 8.000000e+00 : f32
        %mul3A_585 = vector.broadcast %mul3A_584 : f32 to vector<16xf32>
        %mul3A_586 = arith.mulf %get3A_583, %mul3A_585 : vector<16xf32>
        %swap3A_587 = arith.index_cast %add3A_543 : i32 to index
        %swap3A_588 = arith.constant 48 : index
        %swap3A_589 = tpu.vector_load %arg11[%swap3A_587, %swap3A_588] {strides = array<i32>} : memref<128x64xf32, #tpu.memory_space<vmem>>, vector<1x16xf32>,
        %swap3A_590 = vector.shape_cast %swap3A_589 : vector<1x16xf32> to vector<16xf32>
        %swap3A_591 = vector.shape_cast %mul3A_586 : vector<16xf32> to vector<1x16xf32>
        tpu.vector_store %arg11[%swap3A_587, %swap3A_588], %swap3A_591 {strides = array<i32>} : memref<128x64xf32, #tpu.memory_space<vmem>>, vector<1x16xf32>,
      }
      %scan3A_162 = arith.constant 16 : i32
      %add3A_163 = arith.constant 4 : i32
      %add3A_164 = arith.addi %add3A_144, %add3A_163 : i32
      %lt3A_165 = arith.constant 200 : i32
      %lt3A_166 = arith.cmpi slt, %add3A_164, %lt3A_165 : i32
      %convert_element_type3A_167 = arith.extui %lt3A_166 : i1 to i32
      %cond3A_168 = arith.constant 0 : i32
      %cond3A_169 = arith.cmpi ne, %convert_element_type3A_167, %cond3A_168 : i32
      scf.if %cond3A_169 {
        %add3A_177 = arith.constant 4 : i32
        %add3A_178 = arith.addi %add3A_144, %add3A_177 : i32
        %dma_start3A_179 = arith.constant 0 : i32
        %dma_start3A_180 = tpu.memref_slice %arg5[%add3A_178, %dma_start3A_179] : memref<200x128xi32, #tpu.memory_space<vmem>> -> memref<1x128xi32, #tpu.memory_space<vmem>>
        %dma_start3A_181 = tpu.memref_squeeze %dma_start3A_180 : memref<1x128xi32, #tpu.memory_space<vmem>> -> memref<128xi32, #tpu.memory_space<vmem>>
        %dma_start3A_182 = arith.constant 0 : i32
        %dma_start3A_183 = arith.constant 0 : i32
        %dma_start3A_184 = tpu.memref_slice %arg3[%dma_start3A_182, %dma_start3A_183] : memref<1000000x128xf32, #tpu.memory_space<hbm>> -> memref<1000000x128xf32, #tpu.memory_space<hbm>>
        tpu.enqueue_indirect_dma source(%dma_start3A_184 : memref<1000000x128xf32, #tpu.memory_space<hbm>>) target(%arg9 : memref<128x128xf32, #tpu.memory_space<vmem>>) offsets(%dma_start3A_181 : memref<128xi32, #tpu.memory_space<vmem>>) semaphore(%arg15 : memref<!tpu.dma_semaphore, #tpu.memory_space<semaphore_mem>>)
      } else {
      }
      %mul3A_170 = arith.constant 128 : i32
      %mul3A_171 = arith.muli %add3A_144, %mul3A_170 : i32
      %add3A_172 = arith.addi %mul3A_2, %mul3A_171 : i32
      %dma_start3A_173 = arith.constant 0 : i32
      %dma_start3A_174 = tpu.memref_slice %arg4[%add3A_172, %dma_start3A_173] : memref<819200x64xf32, #tpu.memory_space<hbm>> -> memref<128x64xf32, #tpu.memory_space<hbm>>
      %dma_start3A_175 = arith.constant 0 : i32
      %dma_start3A_176 = tpu.memref_slice %arg4[%add3A_172, %dma_start3A_175] : memref<819200x64xf32, #tpu.memory_space<hbm>> -> memref<128x64xf32, #tpu.memory_space<hbm>>
      tpu.enqueue_dma source(%arg11 : memref<128x64xf32, #tpu.memory_space<vmem>>) target(%dma_start3A_176 : memref<128x64xf32, #tpu.memory_space<hbm>>) target_semaphore(%arg17 : memref<!tpu.dma_semaphore, #tpu.memory_space<semaphore_mem>>)
    }
    %scan3A_34 = arith.constant 50 : i32
    %dma_wait3A = arith.constant 0 : i32
    %dma_wait3A_35 = tpu.memref_slice %arg4[%mul3A_2, %dma_wait3A] : memref<819200x64xf32, #tpu.memory_space<hbm>> -> memref<128x64xf32, #tpu.memory_space<hbm>>
    %dma_wait3A_36 = arith.constant 0 : i32
    %dma_wait3A_37 = tpu.memref_slice %arg4[%mul3A_2, %dma_wait3A_36] : memref<819200x64xf32, #tpu.memory_space<hbm>> -> memref<128x64xf32, #tpu.memory_space<hbm>>
    tpu.wait_dma2 semaphore(%arg16 : memref<!tpu.dma_semaphore, #tpu.memory_space<semaphore_mem>>) src(%arg10 : memref<128x64xf32, #tpu.memory_space<vmem>>) dst(%dma_wait3A_37 : memref<128x64xf32, #tpu.memory_space<hbm>>)
    %dma_wait3A_38 = arith.constant 0 : i32
    %dma_wait3A_39 = tpu.memref_slice %arg4[%mul3A_2, %dma_wait3A_38] : memref<819200x64xf32, #tpu.memory_space<hbm>> -> memref<128x64xf32, #tpu.memory_space<hbm>>
    %dma_wait3A_40 = arith.constant 0 : i32
    %dma_wait3A_41 = tpu.memref_slice %arg4[%mul3A_2, %dma_wait3A_40] : memref<819200x64xf32, #tpu.memory_space<hbm>> -> memref<128x64xf32, #tpu.memory_space<hbm>>
    tpu.wait_dma2 semaphore(%arg17 : memref<!tpu.dma_semaphore, #tpu.memory_space<semaphore_mem>>) src(%arg11 : memref<128x64xf32, #tpu.memory_space<vmem>>) dst(%dma_wait3A_41 : memref<128x64xf32, #tpu.memory_space<hbm>>)
    return
  }
}

</mosaic_0001>

<sc_bundles>
// kernel: kernel.3.cloned.1.call-start
scs
__scs_entry_jumppad:
0x0: {  	(pc) =	sbr.rel $0x88, $3  }
0x1: {  	(tag) =	ssettag $0x0;
	lr =	simm.s32 $0x1  }
0x2: {  	[smem:$0x3F9F] =	sst lr;
	_ =	strace $0xD0000000  }
0x3: {  	_ = 	snop  }
0x4: {  	_ = 	snop  }
0x5: {  	_ = 	snop  }
0x6: {  	_ = 	snop  }
0x7: {  	_ = 	snop  }
__scs_overlays_trampoline_lowered:
0x8: {  	[smem:$0x3FAE] =	sst s0  }
0x9: {  	[smem:$0x3FAF] =	sst s1  }
0xa: {  	[smem:$0x3FB0] =	sst s2  }
0xb: {  	[smem:$0x3FB1] =	sst s3  }
0xc: {  	[smem:$0x3FB2] =	sst s4  }
0xd: {  	[smem:$0x3FB3] =	sst s5  }
0xe: {  	[smem:$0x3FB4] =	sst s6  }
0xf: {  	[smem:$0x3FB5] =	sst s7  }
0x10: {  	[smem:$0x3FB6] =	sst s8  }
0x11: {  	[smem:$0x3FB7] =	sst s9;
	s0 =	simm.s32 @!p0 $0x0  }
0x12: {  	s1 =	sld [smem:$0x3F9D];
	s0 =	simm.s32 @p0 $0x1  }
0x13: {  	[smem:$0x3FB8] =	sst s0;
	s0 =	simm.s32 @!p1 $0x0  }
0x14: {  	s2 =	sld [smem:$0x3F9C];
	s0 =	simm.s32 @p1 $0x1  }
0x15: {  	[smem:$0x3FB9] =	sst s0;
	s0 =	simm.s32 @!p2 $0x0  }
0x16: {  	s3 =	sld [smem:$0x3FDB];
	s0 =	simm.s32 @p2 $0x1  }
0x17: {  	s4 =	simm.s32 $0x1BF5;
	[smem:$0x3FBB] =	sst s0  }
0x18: {  	s0 =	sld [smem:$0x3F9E];
	_ =	swait.ge [sflag:s4], $0x0  }
0x19: {  	s7 =	sld [smem:$0x3F9F]  }
0x1a: {  	s8 =	sadd.s32 $0xFFFFE003, lr  }
0x1b: {  	s9 =	sadd.s32 $0xFFFFFEF7, lr;
	s5 =	simm.s32 $0xFFFFFFFF;
	p2 =	slt.u32 s8, $0xFFFFF086  }
0x1c: {  	p1 =	slt.u32 s9, $0xF7A;
	s5 =	simm.s32 @!p2 $0x0  }
0x1d: {  	s5 =	simm.s32 @p1 $0x1;
	p0 =	seq.s32 s7, s2  }
0x1e: {  	s7 =	smul.u32 @!p0 $0xF7A, s2;
	p2 =	seq.s32 @!p0 s5, $0x0  }
0x1f: {  	s9 =	smul.u32 $0xF7A, s1;
	s8 =	simm.s32 @!p0 $0x1BF5;
	p2 =	por !p2, p0  }
0x20: {  	[sflag:s8] =	ssyncset.s32 @!p0 $0xFFFFF086;
	s6 =	sadd.s32 @!p0 s3, s7;
	s7 =	simm.s32 @!p0 $0x108  }
0x21: {  	s3 =	sadd.s32 s3, s9;
	s6 =	sadd.s32 @!p0 $0x88, s6;
	s7 =	simm.s32 @p2 $0x1082  }
0x22: {  	[simem:s7], [sflag:s8] =	dma.local @!p0 [hbm:s6], $0xF7A  }
0x23: {  	s9 =	sor.u32 $0xD0000000, s2;
	s6 =	simm.s32 $0x108;
	_ =	swait.ge @!p0 [sflag:s8], $0x0  }
0x24: {  	s3 =	sadd.s32 $0x88, s3;
	s6 =	simm.s32 @!p1 $0x1082;
	[sflag:s4] =	ssyncset.s32 $0xFFFFF086  }
0x25: {  	[simem:s6], [sflag:s4] =	dma.local [hbm:s3], $0xF7A  }
0x26: {  	[smem:$0x3F9F] =	sst s1;
	(tag) =	ssettag s2;
	_ =	strace s9  }
0x27: {  	s1 =	sld [smem:$0x3FAF]  }
0x28: {  	s2 =	sld [smem:$0x3FB0]  }
0x29: {  	s4 =	sld [smem:$0x3FB2]  }
0x2a: {  	p0 =	seq.s32 s5, $0x0;
	s5 =	sld [smem:$0x3FB3]  }
0x2b: {  	s6 =	sld [smem:$0x3FB4]  }
0x2c: {  	s7 =	sld [smem:$0x3FB5]  }
0x2d: {  	s3 =	simm.s32 $0x108;
	s8 =	sld [smem:$0x3FB6]  }
0x2e: {  	s3 =	simm.s32 @!p0 $0x1082;
	s9 =	sld [smem:$0x3FB7]  }
0x2f: {  	lr =	sadd.s32 s0, s3;
	s0 =	sld [smem:$0x3FAE]  }
0x30: {  	s3 =	sld [smem:$0x3FB1]  }
0x31: {  	[smem:$0x3FBA] =	sst s10  }
0x32: {  	s10 =	sld [smem:$0x3FB8];
	_ =	sdelay $0x3  }
0x33: {  	p0 =	seq.s32 s10, $0x1;
	s10 =	sld [smem:$0x3FBA];
	_ =	sdelay $0x3  }
0x34: {  	[smem:$0x3FBA] =	sst s10  }
0x35: {  	s10 =	sld [smem:$0x3FB9];
	_ =	sdelay $0x3  }
0x36: {  	p1 =	seq.s32 s10, $0x1;
	s10 =	sld [smem:$0x3FBA];
	_ =	sdelay $0x3  }
0x37: {  	[smem:$0x3FBA] =	sst s10  }
0x38: {  	s10 =	sld [smem:$0x3FBB]  }
0x39: {  	_ = 	snop;
	(pc) =	sbr.ind lr, $3  }
0x3a: {  	_ = 	snop  }
0x3b: {  	_ = 	snop  }
0x3c: {  	p2 =	seq.s32 s10, $0x1;
	s10 =	sld [smem:$0x3FBA]  }
0x3d: {  	_ =	shalt  }
0x3e: {  	_ =	shalt  }
0x3f: {  	_ =	shalt  }
0x40: {  	_ =	shalt  }
0x41: {  	_ =	shalt  }
0x42: {  	_ =	shalt  }
0x43: {  	_ =	shalt  }
0x44: {  	_ =	shalt  }
0x45: {  	_ =	shalt  }
0x46: {  	_ =	shalt  }
0x47: {  	_ =	shalt  }
0x48: {  	_ =	shalt  }
0x49: {  	_ =	shalt  }
0x4a: {  	_ =	shalt  }
0x4b: {  	_ =	shalt  }
0x4c: {  	_ =	shalt  }
0x4d: {  	_ =	shalt  }
0x4e: {  	_ =	shalt  }
0x4f: {  	_ =	shalt  }
0x50: {  	_ =	shalt  }
0x51: {  	_ =	shalt  }
0x52: {  	_ =	shalt  }
0x53: {  	_ =	shalt  }
0x54: {  	_ =	shalt  }
0x55: {  	_ =	shalt  }
0x56: {  	_ =	shalt  }
0x57: {  	_ =	shalt  }
0x58: {  	_ =	shalt  }
0x59: {  	_ =	shalt  }
0x5a: {  	_ =	shalt  }
0x5b: {  	_ =	shalt  }
0x5c: {  	_ =	shalt  }
0x5d: {  	_ =	shalt  }
0x5e: {  	_ =	shalt  }
0x5f: {  	_ =	shalt  }
0x60: {  	_ =	shalt  }
0x61: {  	_ =	shalt  }
0x62: {  	_ =	shalt  }
0x63: {  	_ =	shalt  }
0x64: {  	_ =	shalt  }
0x65: {  	_ =	shalt  }
0x66: {  	_ =	shalt  }
0x67: {  	_ =	shalt  }
0x68: {  	_ =	shalt  }
0x69: {  	_ =	shalt  }
0x6a: {  	_ =	shalt  }
0x6b: {  	_ =	shalt  }
0x6c: {  	_ =	shalt  }
0x6d: {  	_ =	shalt  }
0x6e: {  	_ =	shalt  }
0x6f: {  	_ =	shalt  }
0x70: {  	_ =	shalt  }
0x71: {  	_ =	shalt  }
0x72: {  	_ =	shalt  }
0x73: {  	_ =	shalt  }
0x74: {  	_ =	shalt  }
0x75: {  	_ =	shalt  }
0x76: {  	_ =	shalt  }
0x77: {  	_ =	shalt  }
0x78: {  	_ =	shalt  }
0x79: {  	_ =	shalt  }
0x7a: {  	_ =	shalt  }
0x7b: {  	_ =	shalt  }
0x7c: {  	_ =	shalt  }
0x7d: {  	_ =	shalt  }
0x7e: {  	_ =	shalt  }
0x7f: {  	_ =	shalt  }
0x80: {  	_ =	shalt  }
0x81: {  	_ =	shalt  }
0x82: {  	_ =	shalt  }
0x83: {  	_ =	shalt  }
0x84: {  	_ =	shalt  }
0x85: {  	_ =	shalt  }
0x86: {  	_ =	shalt  }
0x87: {  	_ =	shalt  }
.Lfunc_end0:
.L_simem_size_0:
called_computation.1_lowered:
.L_overlay_start_0:
0x88: {  	s2 =	sld [smem:$0x3FD9]  }
0x89: {  	s3 =	sld [smem:$0x3FFE];
	_ =	sdelay $0x1  }
0x8a: {  	s1 =	srdreg.scid  }
0x8b: {  	s0 =	sand.u32 $0x1, s1  }
0x8c: {  	s17 =	sshll.u32 s0, $0xA;
	s2 =	sadd.s32 s3, s2  }
0x8d: {  	s2 =	sadd.s32 s2, s17  }
0x8e: {  	[smem:$0x3FC6] =	sst s2  }
0x8f: {  	_ = 	snop  }
0x90: {  	s2 =	sld [smem:$0x3FD0];
	(tm) =	ssettm $0x1  }
0x91: {  	s18 =	sld [smem:$0x3FFB];
	_ =	sdelay $0x3  }
0x92: {  	_ =	strace s18  }
0x93: {  	s3 =	sld [smem:$0x3FFC];
	_ =	sdelay $0x3  }
0x94: {  	_ =	strace s3  }
0x95: {  	s3 =	sld [smem:$0x3FFD];
	_ =	sdelay $0x3  }
0x96: {  	_ =	strace s3  }
0x97: {  	_ =	strace $0x8FFFFFFF  }
0x98: {  	s19 =	sld [smem:$0x3FDB];
	_ =	sdelay $0x1  }
0x99: {  	s4 =	simm.s32 $_scs_section_size  }
0x9a: {  	s5 =	simm.s32 $_size__tile_overlayer_lowered;
	s6 =	simm.s32 $_tile_overlayer_lowered  }
0x9b: {  	s22 =	simm.s32 $0x1BFF;
	s21 =	sshll.u32 s6, $0x1;
	s3 =	sadd.s32 s4, s19  }
0x9c: {  	s7 =	simm.s32 $0x0;
	s20 =	sshll.u32 s5, $0x1;
	s5 =	sadd.s32 s21, s3  }
0x9d: {  	[timem:s7], [sflag:s22] =	dma.local [hbm:s5], s20  }
0x9e: {  	_ =	swait.ge [sflag:s22], s20  }
0x9f: {  	s4 =	ssub.s32 $0x0, s20;
	[sflag:s22] =	ssyncset.done $0x0  }
0xa0: {  	[sflag:s22] =	ssyncadd.s32 s4;
	_ =	sdelay $0x1  }
0xa1: {  	s23 =	simm.s32 $0x1B8B  }
0xa2: {  	_ =	swait.ge [sflag:s23], $0x1  }
0xa3: {  	[sflag:s23] =	ssyncset.done $0x0  }
0xa4: {  	s25 =	simm.s32 $0x1B8E;
	s24 =	sld [smem:$0x3FFE];
	[sflag:s23] =	ssyncadd.s32 $0xFFFFFFFF  }
0xa5: {  	s26 =	simm.s32 $execute0_lowered;
	[smem:$0x3FD2] =	sst s25  }
0xa6: {  	s5 =	sshll.u32 s26, $0x1;
	_ =	strace $0x80000046;
	[dreg:$0x1] =	wrdreg $0xFFFFFFFF  }
0xa7: {  	s28 =	simm.s32 $_size_execute0_lowered;
	s3 =	sadd.s32 s3, s5;
	[dreg:$0x0] =	wrdreg $0x0  }
0xa8: {  	s5 =	sshll.u32 s28, $0x1;
	[dreg:$0x2] =	wrdreg s3  }
0xa9: {  	[dreg:$0x3] =	wrdreg s5  }
0xaa: {  	[dreg:$0x4] =	wrdreg $0xC0  }
0xab: {  	_ =	task [dreg:s7], $0x5FFFF  }
0xac: {  	[dreg:$0x1] =	wrdreg $0xFFFFFFFF  }
0xad: {  	[dreg:$0x0] =	wrdreg $0x60  }
0xae: {  	[dreg:$0x2] =	wrdreg s2  }
0xaf: {  	[dreg:$0x3] =	wrdreg s24  }
0xb0: {  	[dreg:$0x4] =	wrdreg $0x9  }
0xb1: {  	_ =	task.clear_ibuf [dreg:s7], $0x5FFFF;
	_ =	strace $0x90000046  }
0xb2: {  	s29 =	simm.s32 $0x9;
	_ =	strace $0x80000048  }
0xb3: {  	_ =	swait.ge [sflag:s29], $0x1  }
0xb4: {  	[sflag:s29] =	ssyncadd.s32 $0xFFFFFFFF  }
0xb5: {  	_ =	strace $0x90000048  }
0xb6: {  	_ =	sfence  }
0xb7: {  	s30 =	sld [smem:$0x0];
	_ =	sdelay $0x2  }
0xb8: {  	s31 =	sshll.u32 s1, $0xD;
	s1 =	sshrl.u32 s1, $0x2  }
0xb9: {  	s3 =	sand.u32 $0x4000, s31;
	s1 =	sadd.s32 s1, s30  }
0xba: {  	s0 =	sor.u32 s3, s0;
	s1 =	sshll.u32 s1, $0x11  }
0xbb: {  	s0 =	sor.u32 s1, s0  }
0xbc: {  	s0 =	sadd.s32 $0x8F2B, s0  }
0xbd: {  	[sflag:s0] =	ssyncadd.remote.s32 $0x1  }
0xbe: {  	_ =	sfence.sel $0xFFFF  }
0xbf: {  	[dreg:$0x0] =	wrdreg $0xFFFFFFFF;
	(pc) =	sbr.abs _section_cstart, $3  }
0xc0: {  	[dreg:$0x1] =	wrdreg $0xFFFFFFFF  }
0xc1: {  	_ =	task.clear_ibuf [dreg:s7], $0x2FFFF;
	_ =	strace $0x9FFFFFFF  }
0xc2: {  	(tm) =	ssettm $0x7FFFFFFF  }
0xc3: {  	_ =	shalt  }
tec
execute0_lowered:
.L_overlay_start_1:
0x0: {  	(tag) =	ssettag $0x1  }
0x1: {  	s0 =	rddreg [dreg:$0x0]  }
0x2: {  	s1 =	srdreg.scid;
	s2 =	stileid.u32  }
0x3: {  	s4 =	rddreg [dreg:$0x1];
	s11 =	simm.s32 $0x7;
	s12 =	simm.s32 $0x80  }
0x4: {  	s14 =	simm.s32 $0xA400;
	s15 =	simm.s32 $0x100;
	s16 =	simm.s32 $0xE400  }
0x5: {  	s17 =	simm.s32 $0x180;
	s18 =	simm.s32 $0x12400;
	s19 =	simm.s32 $0x1  }
0x6: {  	s20 =	simm.s32 $0x16400;
	s21 =	simm.s32 $0x2;
	s22 =	simm.s32 $0x1A400  }
0x7: {  	s23 =	simm.s32 $0x3;
	s24 =	simm.s32 $0x5;
	s25 =	simm.s32 $0x4  }
0x8: {  	s26 =	simm.s32 $0x6;
	s1 =	sand.u32 $0x1, s1;
	s3 =	sshll.u32 s2, $0x1  }
0x9: {  	s28 =	simm.s32 $0x0;
	s2 =	simm.s32 $0x0;
	s6 =	sor.u32 s1, s3  }
0xa: {  	[smem:$0x7FF] =	sst s2;
	s3 =	sadd.s32 $0xF42E00, s4;
	s1 =	ssub.s32 $0x2, s1  }
0xb: {  	s4 =	sadd.s32 $0xA00, s4;
	s9 =	smul.u32 $0x6400, s6;
	s5 =	sshrl.u32 s1, $0x1  }
0xc: {  	_ =	strace $0x80000047;
	s6 =	smul.u32 $0x320000, s6;
	s1 =	ssub.s32 s1, s5  }
0xd: {  	s7 =	sshrl.u32 s9, $0x3;
	s8 =	sor.u32 $0x100, s9;
	s10 =	smax.u32 s1, $0x1  }
0xe: {  	s5 =	sadd.s32 s0, s7;
	s7 =	sor.u32 $0x80, s9;
	s9 =	sor.u32 $0x180, s9  }
.LBB2_1:
0xf: {  	[tilespmem:s2], [sflag:$0x7] =	stream.linear.gather [hbm4b:s5+s2], $0x6400, $0x38;
	[tilespmem:$0x1E400] =	vst v63  }
0x10: {  	_ =	swait.ge [sflag:s11], $0x6400  }
0x11: {  	[sflag:s11] =	ssyncset.done $0x0  }
0x12: {  	s0 =	simm.s32 $0x6400;
	[sflag:s11] =	ssyncadd.s32 $0xFFFF9C00  }
0x13: {  	[tilespmem:s0], [sflag:$0x1] =	stream.indirect.gather [hbm4b:s3+s12], $0x80, s2, s12, $0xb8;
	[tilespmem:$0x1E400] =	vst v63  }
0x14: {  	_ = 	snop  }
0x15: {  	[tilespmem:s14], [sflag:$0x2] =	stream.indirect.gather [hbm4b:s3+s12], $0x80, s12, s12, $0xb8;
	[tilespmem:$0x1E400] =	vst v63  }
0x16: {  	_ = 	snop  }
0x17: {  	[tilespmem:s16], [sflag:$0x3] =	stream.indirect.gather [hbm4b:s3+s12], $0x80, s15, s12, $0xb8;
	[tilespmem:$0x1E400] =	vst v63  }
0x18: {  	s29 =	simm.s32 $0x0  }
0x19: {  	[tilespmem:s18], [sflag:$0x4] =	stream.indirect.gather [hbm4b:s3+s12], $0x80, s17, s12, $0xb8;
	[tilespmem:$0x1E400] =	vst v63  }
.LBB2_2:
0x1a: {  	_ =	swait.ge [sflag:s19], $0x4000  }
0x1b: {  	p1 =	seq.s32 s29, $0x0;
	[sflag:s19] =	ssyncset.done $0x0  }
0x1c: {  	s0 =	simm.s32 @!p1 $0x5;
	[sflag:s19] =	ssyncadd.s32 $0xFFFFC000  }
0x1d: {  	_ =	swait.ge @!p1 [sflag:s0], $0x4000  }
0x1e: {  	[sflag:s0] =	ssyncset.done @!p1 $0x0  }
0x1f: {  	s31 =	simm.s32 $0x0;
	[sflag:s0] =	ssyncadd.s32 @!p1 $0xFFFFC000  }
0x20: {  	v0 =	vld [tilespmem:s31+$0x67B0]  }
0x21: {  	v1 =	vld [tilespmem:s31+$0x6400];
	_ =	sdelay $0x1  }
0x22: {  	v2 =	vld [tilespmem:s31+$0x6410]  }
0x23: {  	v3 =	vld [tilespmem:s31+$0x6420]  }
0x24: {  	v4 =	vld [tilespmem:s31+$0x6430];
	v0 =	vmul.f32 $8.000000000e+00, v0  }
0x25: {  	v5 =	vld [tilespmem:s31+$0x6480];
	v1 =	vmul.f32 $8.000000000e+00, v1  }
0x26: {  	v6 =	vld [tilespmem:s31+$0x6490];
	[tilespmem:s31+$0x167B0] =	vst v0  }
0x27: {  	v0 =	vmul.f32 $8.000000000e+00, v2;
	[tilespmem:s31+$0x16400] =	vst v1;
	v1 =	vld [tilespmem:s31+$0x64B0]  }
0x28: {  	v7 =	vld [tilespmem:s31+$0x64A0];
	v2 =	vmul.f32 $8.000000000e+00, v3  }
0x29: {  	v3 =	vmul.f32 $8.000000000e+00, v4;
	[tilespmem:s31+$0x16410] =	vst v0;
	v0 =	vld [tilespmem:s31+$0x6500]  }
0x2a: {  	v4 =	vmul.f32 $8.000000000e+00, v5;
	[tilespmem:s31+$0x16420] =	vst v2;
	v2 =	vld [tilespmem:s31+$0x6510]  }
0x2b: {  	v5 =	vmul.f32 $8.000000000e+00, v6;
	[tilespmem:s31+$0x16430] =	vst v3;
	v3 =	vld [tilespmem:s31+$0x6520]  }
0x2c: {  	[tilespmem:s31+$0x16480] =	vst v4;
	v4 =	vld [tilespmem:s31+$0x6530];
	v1 =	vmul.f32 $8.000000000e+00, v1  }
0x2d: {  	v6 =	vmul.f32 $8.000000000e+00, v7;
	[tilespmem:s31+$0x16490] =	vst v5;
	v5 =	vld [tilespmem:s31+$0x6580]  }
0x2e: {  	v0 =	vmul.f32 $8.000000000e+00, v0;
	[tilespmem:s31+$0x164B0] =	vst v1;
	v1 =	vld [tilespmem:s31+$0x65A0]  }
0x2f: {  	[tilespmem:s31+$0x164A0] =	vst v6;
	v6 =	vld [tilespmem:s31+$0x6590];
	v2 =	vmul.f32 $8.000000000e+00, v2  }
0x30: {  	v3 =	vmul.f32 $8.000000000e+00, v3;
	[tilespmem:s31+$0x16500] =	vst v0;
	v0 =	vld [tilespmem:s31+$0x65B0]  }
0x31: {  	v4 =	vmul.f32 $8.000000000e+00, v4;
	[tilespmem:s31+$0x16510] =	vst v2;
	v2 =	vld [tilespmem:s31+$0x6600]  }
0x32: {  	v5 =	vmul.f32 $8.000000000e+00, v5;
	[tilespmem:s31+$0x16520] =	vst v3;
	v3 =	vld [tilespmem:s31+$0x6610]  }
0x33: {  	[tilespmem:s31+$0x16530] =	vst v4;
	v4 =	vld [tilespmem:s31+$0x6620];
	v1 =	vmul.f32 $8.000000000e+00, v1  }
0x34: {  	v6 =	vmul.f32 $8.000000000e+00, v6;
	[tilespmem:s31+$0x16580] =	vst v5;
	v5 =	vld [tilespmem:s31+$0x6630]  }
0x35: {  	v0 =	vmul.f32 $8.000000000e+00, v0;
	[tilespmem:s31+$0x165A0] =	vst v1;
	v1 =	vld [tilespmem:s31+$0x6690]  }
0x36: {  	[tilespmem:s31+$0x16590] =	vst v6;
	v6 =	vld [tilespmem:s31+$0x6680];
	v2 =	vmul.f32 $8.000000000e+00, v2  }
0x37: {  	[tilespmem:s31+$0x165B0] =	vst v0;
	v0 =	vmul.f32 $8.000000000e+00, v3;
	v3 =	vld [tilespmem:s31+$0x66B0]  }
0x38: {  	v7 =	vld [tilespmem:s31+$0x66A0];
	[tilespmem:s31+$0x16600] =	vst v2;
	v2 =	vmul.f32 $8.000000000e+00, v4  }
0x39: {  	v4 =	vld [tilespmem:s31+$0x6700];
	[tilespmem:s31+$0x16610] =	vst v0;
	v0 =	vmul.f32 $8.000000000e+00, v5  }
0x3a: {  	v8 =	vld [tilespmem:s31+$0x6710];
	[tilespmem:s31+$0x16620] =	vst v2;
	v5 =	vmul.f32 $8.000000000e+00, v1  }
0x3b: {  	v2 =	vmul.f32 $8.000000000e+00, v6;
	[tilespmem:s31+$0x16630] =	vst v0;
	v0 =	vld [tilespmem:s31+$0x6720]  }
0x3c: {  	v1 =	vld [tilespmem:s31+$0x6730];
	[tilespmem:s31+$0x16690] =	vst v5;
	v5 =	vmul.f32 $8.000000000e+00, v3  }
0x3d: {  	v6 =	vmul.f32 $8.000000000e+00, v7;
	[tilespmem:s31+$0x16680] =	vst v2;
	v2 =	vld [tilespmem:s31+$0x6780]  }
0x3e: {  	v3 =	vld [tilespmem:s31+$0x6790];
	[tilespmem:s31+$0x166B0] =	vst v5;
	v5 =	vmul.f32 $8.000000000e+00, v4  }
0x3f: {  	s30 =	sshll.u32 s29, $0xB;
	s1 =	simm.s32 $0x400;
	s0 =	simm.s32 $0x2000;
	[tilespmem:s31+$0x166A0] =	vst v6;
	v6 =	vmul.f32 $8.000000000e+00, v8;
	v4 =	vld [tilespmem:s31+$0x67A0]  }
.LBB2_3:
0x40: {  	p0 =	sne.s32 s0, $0xF000;
	v7 =	vld [tilespmem:s1+$0x67B0];
	[tilespmem:s31+$0x16700] =	vst v5;
	v0 =	vmul.f32 $8.000000000e+00, v0  }
0x41: {  	v5 =	vld [tilespmem:s1+$0x6400];
	[tilespmem:s31+$0x16710] =	vst v6;
	v1 =	vmul.f32 $8.000000000e+00, v1  }
0x42: {  	v6 =	vld [tilespmem:s1+$0x6410];
	[tilespmem:s31+$0x16720] =	vst v0;
	v0 =	vmul.f32 $8.000000000e+00, v2  }
0x43: {  	v2 =	vld [tilespmem:s1+$0x6420];
	[tilespmem:s31+$0x16730] =	vst v1;
	v1 =	vmul.f32 $8.000000000e+00, v3  }
0x44: {  	v3 =	vld [tilespmem:s1+$0x6430];
	[tilespmem:s31+$0x16780] =	vst v0;
	v0 =	vmul.f32 $8.000000000e+00, v4  }
0x45: {  	v4 =	vld [tilespmem:s1+$0x6480];
	v7 =	vmul.f32 $8.000000000e+00, v7;
	[tilespmem:s31+$0x16790] =	vst v1  }
0x46: {  	v1 =	vmul.f32 $8.000000000e+00, v5;
	v5 =	vld [tilespmem:s1+$0x6490];
	[tilespmem:s31+$0x167A0] =	vst v0;
	s31 =	smov.u32 s1  }
0x47: {  	v0 =	vmul.f32 $8.000000000e+00, v6;
	v6 =	vld [tilespmem:s31+$0x64A0];
	[tilespmem:s31+$0x167B0] =	vst v7  }
0x48: {  	[tilespmem:s31+$0x16400] =	vst v1;
	v1 =	vmul.f32 $8.000000000e+00, v2;
	v2 =	vld [tilespmem:s31+$0x64B0]  }
0x49: {  	[tilespmem:s31+$0x16410] =	vst v0;
	v0 =	vmul.f32 $8.000000000e+00, v3;
	v3 =	vld [tilespmem:s31+$0x6500]  }
0x4a: {  	[tilespmem:s31+$0x16420] =	vst v1;
	v1 =	vmul.f32 $8.000000000e+00, v4;
	v4 =	vld [tilespmem:s31+$0x6510]  }
0x4b: {  	[tilespmem:s31+$0x16430] =	vst v0;
	v0 =	vmul.f32 $8.000000000e+00, v5;
	v5 =	vld [tilespmem:s31+$0x6520]  }
0x4c: {  	[tilespmem:s31+$0x16480] =	vst v1;
	v1 =	vmul.f32 $8.000000000e+00, v6;
	v6 =	vld [tilespmem:s31+$0x6530]  }
0x4d: {  	[tilespmem:s31+$0x16490] =	vst v0;
	v0 =	vmul.f32 $8.000000000e+00, v2;
	v2 =	vld [tilespmem:s31+$0x6580]  }
0x4e: {  	[tilespmem:s31+$0x164A0] =	vst v1;
	v1 =	vmul.f32 $8.000000000e+00, v3;
	v3 =	vld [tilespmem:s31+$0x6590]  }
0x4f: {  	[tilespmem:s31+$0x164B0] =	vst v0;
	v0 =	vmul.f32 $8.000000000e+00, v4;
	v4 =	vld [tilespmem:s31+$0x65A0]  }
0x50: {  	[tilespmem:s31+$0x16500] =	vst v1;
	v1 =	vmul.f32 $8.000000000e+00, v5;
	v5 =	vld [tilespmem:s31+$0x65B0]  }
0x51: {  	[tilespmem:s31+$0x16510] =	vst v0;
	v0 =	vmul.f32 $8.000000000e+00, v6;
	v6 =	vld [tilespmem:s31+$0x6600]  }
0x52: {  	[tilespmem:s31+$0x16520] =	vst v1;
	v1 =	vmul.f32 $8.000000000e+00, v2;
	v2 =	vld [tilespmem:s31+$0x6610]  }
0x53: {  	[tilespmem:s31+$0x16530] =	vst v0;
	v0 =	vmul.f32 $8.000000000e+00, v3;
	v3 =	vld [tilespmem:s31+$0x6620]  }
0x54: {  	[tilespmem:s31+$0x16580] =	vst v1;
	v1 =	vmul.f32 $8.000000000e+00, v4;
	v4 =	vld [tilespmem:s31+$0x6630]  }
0x55: {  	[tilespmem:s31+$0x16590] =	vst v0;
	v0 =	vmul.f32 $8.000000000e+00, v5;
	v5 =	vld [tilespmem:s31+$0x6680]  }
0x56: {  	[tilespmem:s31+$0x165A0] =	vst v1;
	v1 =	vmul.f32 $8.000000000e+00, v6;
	v6 =	vld [tilespmem:s31+$0x6690]  }
0x57: {  	[tilespmem:s31+$0x165B0] =	vst v0;
	v0 =	vmul.f32 $8.000000000e+00, v2;
	v2 =	vld [tilespmem:s31+$0x66A0]  }
0x58: {  	[tilespmem:s31+$0x16600] =	vst v1;
	v1 =	vmul.f32 $8.000000000e+00, v3;
	v3 =	vld [tilespmem:s31+$0x66B0]  }
0x59: {  	[tilespmem:s31+$0x16610] =	vst v0;
	v0 =	vmul.f32 $8.000000000e+00, v4;
	v4 =	vld [tilespmem:s31+$0x6700]  }
0x5a: {  	[tilespmem:s31+$0x16620] =	vst v1;
	v1 =	vmul.f32 $8.000000000e+00, v5;
	v7 =	vld [tilespmem:s31+$0x6710]  }
.Ltmp0:
0x5b: {  	[tilespmem:s31+$0x16630] =	vst v0;
	v5 =	vmul.f32 $8.000000000e+00, v6;
	v0 =	vld [tilespmem:s31+$0x6720];
	(pc) =	sbr.rel @p0 .LBB2_3-.Ltmp0, $4  }
0x5c: {  	[tilespmem:s31+$0x16680] =	vst v1;
	v6 =	vmul.f32 $8.000000000e+00, v2;
	v1 =	vld [tilespmem:s31+$0x6730]  }
0x5d: {  	[tilespmem:s31+$0x16690] =	vst v5;
	v8 =	vmul.f32 $8.000000000e+00, v3;
	v2 =	vld [tilespmem:s31+$0x6780]  }
0x5e: {  	[tilespmem:s31+$0x166A0] =	vst v6;
	v5 =	vmul.f32 $8.000000000e+00, v4;
	v3 =	vld [tilespmem:s31+$0x6790]  }
0x5f: {  	s1 =	sshra.s32 s0, $0x2;
	s0 =	sadd.s32 $0x1000, s0;
	[tilespmem:s31+$0x166B0] =	vst v8;
	v6 =	vmul.f32 $8.000000000e+00, v7;
	v4 =	vld [tilespmem:s31+$0x67A0]  }
0x60: {  	v7 =	vld [tilespmem:s1+$0x67B0];
	[tilespmem:s31+$0x16700] =	vst v5;
	v0 =	vmul.f32 $8.000000000e+00, v0  }
0x61: {  	v5 =	vld [tilespmem:s1+$0x6400];
	[tilespmem:s31+$0x16710] =	vst v6;
	v1 =	vmul.f32 $8.000000000e+00, v1  }
0x62: {  	v6 =	vld [tilespmem:s1+$0x6410];
	[tilespmem:s31+$0x16720] =	vst v0;
	v2 =	vmul.f32 $8.000000000e+00, v2  }
0x63: {  	v0 =	vld [tilespmem:s1+$0x6420];
	[tilespmem:s31+$0x16730] =	vst v1;
	v3 =	vmul.f32 $8.000000000e+00, v3  }
0x64: {  	v1 =	vld [tilespmem:s1+$0x6430];
	[tilespmem:s31+$0x16780] =	vst v2;
	v4 =	vmul.f32 $8.000000000e+00, v4  }
0x65: {  	v2 =	vld [tilespmem:s1+$0x6480];
	[tilespmem:s31+$0x16790] =	vst v3;
	v7 =	vmul.f32 $8.000000000e+00, v7  }
0x66: {  	v3 =	vld [tilespmem:s1+$0x6490];
	[tilespmem:s31+$0x167A0] =	vst v4;
	v4 =	vmul.f32 $8.000000000e+00, v5  }
0x67: {  	v5 =	vld [tilespmem:s1+$0x64A0];
	[tilespmem:s1+$0x167B0] =	vst v7;
	v6 =	vmul.f32 $8.000000000e+00, v6  }
0x68: {  	[tilespmem:s1+$0x16400] =	vst v4;
	v4 =	vld [tilespmem:s1+$0x64B0];
	v0 =	vmul.f32 $8.000000000e+00, v0  }
0x69: {  	[tilespmem:s1+$0x16410] =	vst v6;
	v6 =	vld [tilespmem:s1+$0x6500];
	v1 =	vmul.f32 $8.000000000e+00, v1  }
0x6a: {  	[tilespmem:s1+$0x16420] =	vst v0;
	v0 =	vld [tilespmem:s1+$0x6510];
	v2 =	vmul.f32 $8.000000000e+00, v2  }
0x6b: {  	[tilespmem:s1+$0x16430] =	vst v1;
	v1 =	vld [tilespmem:s1+$0x6520];
	v3 =	vmul.f32 $8.000000000e+00, v3  }
0x6c: {  	[tilespmem:s1+$0x16480] =	vst v2;
	v2 =	vld [tilespmem:s1+$0x6530];
	v5 =	vmul.f32 $8.000000000e+00, v5  }
0x6d: {  	[tilespmem:s1+$0x16490] =	vst v3;
	v3 =	vld [tilespmem:s1+$0x6580];
	v4 =	vmul.f32 $8.000000000e+00, v4  }
0x6e: {  	[tilespmem:s1+$0x164A0] =	vst v5;
	v5 =	vld [tilespmem:s1+$0x6590];
	v6 =	vmul.f32 $8.000000000e+00, v6  }
0x6f: {  	[tilespmem:s1+$0x164B0] =	vst v4;
	v4 =	vld [tilespmem:s1+$0x65A0];
	v0 =	vmul.f32 $8.000000000e+00, v0  }
0x70: {  	[tilespmem:s1+$0x16500] =	vst v6;
	v6 =	vld [tilespmem:s1+$0x65B0];
	v1 =	vmul.f32 $8.000000000e+00, v1  }
0x71: {  	[tilespmem:s1+$0x16510] =	vst v0;
	v0 =	vld [tilespmem:s1+$0x6600];
	v2 =	vmul.f32 $8.000000000e+00, v2  }
0x72: {  	[tilespmem:s1+$0x16520] =	vst v1;
	v1 =	vld [tilespmem:s1+$0x6610];
	v3 =	vmul.f32 $8.000000000e+00, v3  }
0x73: {  	[tilespmem:s1+$0x16530] =	vst v2;
	v2 =	vld [tilespmem:s1+$0x6620];
	v5 =	vmul.f32 $8.000000000e+00, v5  }
0x74: {  	[tilespmem:s1+$0x16580] =	vst v3;
	v3 =	vld [tilespmem:s1+$0x6630];
	v4 =	vmul.f32 $8.000000000e+00, v4  }
0x75: {  	[tilespmem:s1+$0x16590] =	vst v5;
	v5 =	vld [tilespmem:s1+$0x6680];
	v6 =	vmul.f32 $8.000000000e+00, v6  }
0x76: {  	[tilespmem:s1+$0x165A0] =	vst v4;
	v4 =	vld [tilespmem:s1+$0x6690];
	v0 =	vmul.f32 $8.000000000e+00, v0  }
0x77: {  	[tilespmem:s1+$0x165B0] =	vst v6;
	v6 =	vld [tilespmem:s1+$0x66A0];
	v1 =	vmul.f32 $8.000000000e+00, v1  }
0x78: {  	[tilespmem:s1+$0x16600] =	vst v0;
	v0 =	vld [tilespmem:s1+$0x66B0];
	v2 =	vmul.f32 $8.000000000e+00, v2  }
0x79: {  	[tilespmem:s1+$0x16610] =	vst v1;
	v1 =	vld [tilespmem:s1+$0x6700];
	v3 =	vmul.f32 $8.000000000e+00, v3  }
0x7a: {  	[tilespmem:s1+$0x16620] =	vst v2;
	v2 =	vld [tilespmem:s1+$0x6710];
	v5 =	vmul.f32 $8.000000000e+00, v5  }
0x7b: {  	[tilespmem:s1+$0x16630] =	vst v3;
	v3 =	vld [tilespmem:s1+$0x6720];
	v4 =	vmul.f32 $8.000000000e+00, v4  }
0x7c: {  	[tilespmem:s1+$0x16680] =	vst v5;
	v5 =	vld [tilespmem:s1+$0x6730];
	v6 =	vmul.f32 $8.000000000e+00, v6  }
0x7d: {  	[tilespmem:s1+$0x16690] =	vst v4;
	v4 =	vld [tilespmem:s1+$0x6780];
	v0 =	vmul.f32 $8.000000000e+00, v0  }
0x7e: {  	[tilespmem:s1+$0x166A0] =	vst v6;
	v6 =	vld [tilespmem:s1+$0x6790];
	v1 =	vmul.f32 $8.000000000e+00, v1  }
0x7f: {  	[tilespmem:s1+$0x166B0] =	vst v0;
	v0 =	vmul.f32 $8.000000000e+00, v2;
	v2 =	vld [tilespmem:s1+$0x67A0]  }
0x80: {  	[tilespmem:s1+$0x16700] =	vst v1;
	v1 =	vmul.f32 $8.000000000e+00, v3  }
0x81: {  	[tilespmem:s1+$0x16710] =	vst v0;
	v0 =	vmul.f32 $8.000000000e+00, v5  }
0x82: {  	[tilespmem:s1+$0x16720] =	vst v1;
	v1 =	vmul.f32 $8.000000000e+00, v4  }
0x83: {  	[tilespmem:s1+$0x16730] =	vst v0;
	v0 =	vmul.f32 $8.000000000e+00, v6  }
0x84: {  	p0 =	seq.s32 s29, $0x31;
	[tilespmem:s1+$0x16780] =	vst v1;
	v1 =	vmul.f32 $8.000000000e+00, v2  }
0x85: {  	s30 =	sshrl.u32 @!p0 s30, $0x2;
	[tilespmem:s1+$0x16790] =	vst v0  }
0x86: {  	s13 =	simm.s32 @!p0 $0x6400;
	s0 =	sadd.s32 @!p0 $0x200, s30;
	[tilespmem:s1+$0x167A0] =	vst v1;
	s1 =	simm.s32 @!p0 $0x80  }
0x87: {  	[tilespmem:s13], [sflag:$0x1] =	stream.indirect.gather @!p0 [hbm4b:s3+s1], $0x80, s0, s1, $0xb8;
	[tilespmem:$0x1E400] =	vst v63  }
0x88: {  	s13 =	sshll.u32 s29, $0x10  }
0x89: {  	s0 =	sadd.s32 s6, s13  }
0x8a: {  	s0 =	sshrl.u32 s0, $0x3  }
0x8b: {  	s0 =	sadd.s32 s4, s0  }
0x8c: {  	[hbm4b:s0+s2] =	stream.linear.scatter [tilespmem:s20], [sflag:$0x5], $0x4000, $0x38;
	[tilespmem:$0x1E400] =	vst v63  }
0x8d: {  	_ =	swait.ge [sflag:s21], $0x4000  }
0x8e: {  	[sflag:s21] =	ssyncset.done $0x0  }
0x8f: {  	s0 =	simm.s32 @!p1 $0x6;
	[sflag:s21] =	ssyncadd.s32 $0xFFFFC000  }
0x90: {  	_ =	swait.ge @!p1 [sflag:s0], $0x4000  }
0x91: {  	[sflag:s0] =	ssyncset.done @!p1 $0x0  }
0x92: {  	s31 =	simm.s32 $0x0;
	[sflag:s0] =	ssyncadd.s32 @!p1 $0xFFFFC000  }
0x93: {  	v0 =	vld [tilespmem:s31+$0xA7B0]  }
0x94: {  	v1 =	vld [tilespmem:s31+$0xA400];
	_ =	sdelay $0x1  }
0x95: {  	v2 =	vld [tilespmem:s31+$0xA410]  }
0x96: {  	v3 =	vld [tilespmem:s31+$0xA420]  }
0x97: {  	v4 =	vld [tilespmem:s31+$0xA430];
	v0 =	vmul.f32 $8.000000000e+00, v0  }
0x98: {  	v5 =	vld [tilespmem:s31+$0xA480];
	v1 =	vmul.f32 $8.000000000e+00, v1  }
0x99: {  	v6 =	vld [tilespmem:s31+$0xA490];
	[tilespmem:s31+$0x1A7B0] =	vst v0  }
0x9a: {  	v0 =	vmul.f32 $8.000000000e+00, v2;
	[tilespmem:s31+$0x1A400] =	vst v1;
	v1 =	vld [tilespmem:s31+$0xA4B0]  }
0x9b: {  	v7 =	vld [tilespmem:s31+$0xA4A0];
	v2 =	vmul.f32 $8.000000000e+00, v3  }
0x9c: {  	v3 =	vmul.f32 $8.000000000e+00, v4;
	[tilespmem:s31+$0x1A410] =	vst v0;
	v0 =	vld [tilespmem:s31+$0xA500]  }
0x9d: {  	v4 =	vmul.f32 $8.000000000e+00, v5;
	[tilespmem:s31+$0x1A420] =	vst v2;
	v2 =	vld [tilespmem:s31+$0xA510]  }
0x9e: {  	v5 =	vmul.f32 $8.000000000e+00, v6;
	[tilespmem:s31+$0x1A430] =	vst v3;
	v3 =	vld [tilespmem:s31+$0xA520]  }
0x9f: {  	[tilespmem:s31+$0x1A480] =	vst v4;
	v4 =	vld [tilespmem:s31+$0xA530];
	v1 =	vmul.f32 $8.000000000e+00, v1  }
0xa0: {  	v6 =	vmul.f32 $8.000000000e+00, v7;
	[tilespmem:s31+$0x1A490] =	vst v5;
	v5 =	vld [tilespmem:s31+$0xA580]  }
0xa1: {  	v0 =	vmul.f32 $8.000000000e+00, v0;
	[tilespmem:s31+$0x1A4B0] =	vst v1;
	v1 =	vld [tilespmem:s31+$0xA5A0]  }
0xa2: {  	[tilespmem:s31+$0x1A4A0] =	vst v6;
	v6 =	vld [tilespmem:s31+$0xA590];
	v2 =	vmul.f32 $8.000000000e+00, v2  }
0xa3: {  	v3 =	vmul.f32 $8.000000000e+00, v3;
	[tilespmem:s31+$0x1A500] =	vst v0;
	v0 =	vld [tilespmem:s31+$0xA5B0]  }
0xa4: {  	v4 =	vmul.f32 $8.000000000e+00, v4;
	[tilespmem:s31+$0x1A510] =	vst v2;
	v2 =	vld [tilespmem:s31+$0xA600]  }
0xa5: {  	v5 =	vmul.f32 $8.000000000e+00, v5;
	[tilespmem:s31+$0x1A520] =	vst v3;
	v3 =	vld [tilespmem:s31+$0xA610]  }
0xa6: {  	[tilespmem:s31+$0x1A530] =	vst v4;
	v4 =	vld [tilespmem:s31+$0xA620];
	v1 =	vmul.f32 $8.000000000e+00, v1  }
0xa7: {  	v6 =	vmul.f32 $8.000000000e+00, v6;
	[tilespmem:s31+$0x1A580] =	vst v5;
	v5 =	vld [tilespmem:s31+$0xA630]  }
0xa8: {  	v0 =	vmul.f32 $8.000000000e+00, v0;
	[tilespmem:s31+$0x1A5A0] =	vst v1;
	v1 =	vld [tilespmem:s31+$0xA690]  }
0xa9: {  	[tilespmem:s31+$0x1A590] =	vst v6;
	v6 =	vld [tilespmem:s31+$0xA680];
	v2 =	vmul.f32 $8.000000000e+00, v2  }
0xaa: {  	[tilespmem:s31+$0x1A5B0] =	vst v0;
	v0 =	vmul.f32 $8.000000000e+00, v3;
	v3 =	vld [tilespmem:s31+$0xA6B0]  }
0xab: {  	v7 =	vld [tilespmem:s31+$0xA6A0];
	[tilespmem:s31+$0x1A600] =	vst v2;
	v2 =	vmul.f32 $8.000000000e+00, v4  }
0xac: {  	v4 =	vld [tilespmem:s31+$0xA700];
	[tilespmem:s31+$0x1A610] =	vst v0;
	v0 =	vmul.f32 $8.000000000e+00, v5  }
0xad: {  	v8 =	vld [tilespmem:s31+$0xA710];
	[tilespmem:s31+$0x1A620] =	vst v2;
	v5 =	vmul.f32 $8.000000000e+00, v1  }
0xae: {  	v2 =	vmul.f32 $8.000000000e+00, v6;
	[tilespmem:s31+$0x1A630] =	vst v0;
	v0 =	vld [tilespmem:s31+$0xA720]  }
0xaf: {  	v1 =	vld [tilespmem:s31+$0xA730];
	[tilespmem:s31+$0x1A690] =	vst v5;
	v5 =	vmul.f32 $8.000000000e+00, v3  }
0xb0: {  	v6 =	vmul.f32 $8.000000000e+00, v7;
	[tilespmem:s31+$0x1A680] =	vst v2;
	v2 =	vld [tilespmem:s31+$0xA780]  }
0xb1: {  	v3 =	vld [tilespmem:s31+$0xA790];
	[tilespmem:s31+$0x1A6B0] =	vst v5;
	v5 =	vmul.f32 $8.000000000e+00, v4  }
0xb2: {  	s1 =	simm.s32 $0x400;
	s0 =	simm.s32 $0x2000;
	[tilespmem:s31+$0x1A6A0] =	vst v6;
	v6 =	vmul.f32 $8.000000000e+00, v8;
	v4 =	vld [tilespmem:s31+$0xA7A0]  }
.LBB2_5:
0xb3: {  	p1 =	sne.s32 s0, $0xF000;
	v7 =	vld [tilespmem:s1+$0xA7B0];
	[tilespmem:s31+$0x1A700] =	vst v5;
	v0 =	vmul.f32 $8.000000000e+00, v0  }
0xb4: {  	v5 =	vld [tilespmem:s1+$0xA400];
	[tilespmem:s31+$0x1A710] =	vst v6;
	v1 =	vmul.f32 $8.000000000e+00, v1  }
0xb5: {  	v6 =	vld [tilespmem:s1+$0xA410];
	[tilespmem:s31+$0x1A720] =	vst v0;
	v0 =	vmul.f32 $8.000000000e+00, v2  }
0xb6: {  	v2 =	vld [tilespmem:s1+$0xA420];
	[tilespmem:s31+$0x1A730] =	vst v1;
	v1 =	vmul.f32 $8.000000000e+00, v3  }
0xb7: {  	v3 =	vld [tilespmem:s1+$0xA430];
	[tilespmem:s31+$0x1A780] =	vst v0;
	v0 =	vmul.f32 $8.000000000e+00, v4  }
0xb8: {  	v4 =	vld [tilespmem:s1+$0xA480];
	v7 =	vmul.f32 $8.000000000e+00, v7;
	[tilespmem:s31+$0x1A790] =	vst v1  }
0xb9: {  	v1 =	vmul.f32 $8.000000000e+00, v5;
	v5 =	vld [tilespmem:s1+$0xA490];
	[tilespmem:s31+$0x1A7A0] =	vst v0;
	s31 =	smov.u32 s1  }
0xba: {  	v0 =	vmul.f32 $8.000000000e+00, v6;
	v6 =	vld [tilespmem:s31+$0xA4A0];
	[tilespmem:s31+$0x1A7B0] =	vst v7  }
0xbb: {  	[tilespmem:s31+$0x1A400] =	vst v1;
	v1 =	vmul.f32 $8.000000000e+00, v2;
	v2 =	vld [tilespmem:s31+$0xA4B0]  }
0xbc: {  	[tilespmem:s31+$0x1A410] =	vst v0;
	v0 =	vmul.f32 $8.000000000e+00, v3;
	v3 =	vld [tilespmem:s31+$0xA500]  }
0xbd: {  	[tilespmem:s31+$0x1A420] =	vst v1;
	v1 =	vmul.f32 $8.000000000e+00, v4;
	v4 =	vld [tilespmem:s31+$0xA510]  }
0xbe: {  	[tilespmem:s31+$0x1A430] =	vst v0;
	v0 =	vmul.f32 $8.000000000e+00, v5;
	v5 =	vld [tilespmem:s31+$0xA520]  }
0xbf: {  	[tilespmem:s31+$0x1A480] =	vst v1;
	v1 =	vmul.f32 $8.000000000e+00, v6;
	v6 =	vld [tilespmem:s31+$0xA530]  }
0xc0: {  	[tilespmem:s31+$0x1A490] =	vst v0;
	v0 =	vmul.f32 $8.000000000e+00, v2;
	v2 =	vld [tilespmem:s31+$0xA580]  }
0xc1: {  	[tilespmem:s31+$0x1A4A0] =	vst v1;
	v1 =	vmul.f32 $8.000000000e+00, v3;
	v3 =	vld [tilespmem:s31+$0xA590]  }
0xc2: {  	[tilespmem:s31+$0x1A4B0] =	vst v0;
	v0 =	vmul.f32 $8.000000000e+00, v4;
	v4 =	vld [tilespmem:s31+$0xA5A0]  }
0xc3: {  	[tilespmem:s31+$0x1A500] =	vst v1;
	v1 =	vmul.f32 $8.000000000e+00, v5;
	v5 =	vld [tilespmem:s31+$0xA5B0]  }
0xc4: {  	[tilespmem:s31+$0x1A510] =	vst v0;
	v0 =	vmul.f32 $8.000000000e+00, v6;
	v6 =	vld [tilespmem:s31+$0xA600]  }
0xc5: {  	[tilespmem:s31+$0x1A520] =	vst v1;
	v1 =	vmul.f32 $8.000000000e+00, v2;
	v2 =	vld [tilespmem:s31+$0xA610]  }
0xc6: {  	[tilespmem:s31+$0x1A530] =	vst v0;
	v0 =	vmul.f32 $8.000000000e+00, v3;
	v3 =	vld [tilespmem:s31+$0xA620]  }
0xc7: {  	[tilespmem:s31+$0x1A580] =	vst v1;
	v1 =	vmul.f32 $8.000000000e+00, v4;
	v4 =	vld [tilespmem:s31+$0xA630]  }
0xc8: {  	[tilespmem:s31+$0x1A590] =	vst v0;
	v0 =	vmul.f32 $8.000000000e+00, v5;
	v5 =	vld [tilespmem:s31+$0xA680]  }
0xc9: {  	[tilespmem:s31+$0x1A5A0] =	vst v1;
	v1 =	vmul.f32 $8.000000000e+00, v6;
	v6 =	vld [tilespmem:s31+$0xA690]  }
0xca: {  	[tilespmem:s31+$0x1A5B0] =	vst v0;
	v0 =	vmul.f32 $8.000000000e+00, v2;
	v2 =	vld [tilespmem:s31+$0xA6A0]  }
0xcb: {  	[tilespmem:s31+$0x1A600] =	vst v1;
	v1 =	vmul.f32 $8.000000000e+00, v3;
	v3 =	vld [tilespmem:s31+$0xA6B0]  }
0xcc: {  	[tilespmem:s31+$0x1A610] =	vst v0;
	v0 =	vmul.f32 $8.000000000e+00, v4;
	v4 =	vld [tilespmem:s31+$0xA700]  }
0xcd: {  	[tilespmem:s31+$0x1A620] =	vst v1;
	v1 =	vmul.f32 $8.000000000e+00, v5;
	v7 =	vld [tilespmem:s31+$0xA710]  }
.Ltmp1:
0xce: {  	[tilespmem:s31+$0x1A630] =	vst v0;
	v5 =	vmul.f32 $8.000000000e+00, v6;
	v0 =	vld [tilespmem:s31+$0xA720];
	(pc) =	sbr.rel @p1 .LBB2_5-.Ltmp1, $4  }
0xcf: {  	[tilespmem:s31+$0x1A680] =	vst v1;
	v6 =	vmul.f32 $8.000000000e+00, v2;
	v1 =	vld [tilespmem:s31+$0xA730]  }
0xd0: {  	[tilespmem:s31+$0x1A690] =	vst v5;
	v8 =	vmul.f32 $8.000000000e+00, v3;
	v2 =	vld [tilespmem:s31+$0xA780]  }
0xd1: {  	[tilespmem:s31+$0x1A6A0] =	vst v6;
	v5 =	vmul.f32 $8.000000000e+00, v4;
	v3 =	vld [tilespmem:s31+$0xA790]  }
0xd2: {  	s1 =	sshra.s32 s0, $0x2;
	s0 =	sadd.s32 $0x1000, s0;
	[tilespmem:s31+$0x1A6B0] =	vst v8;
	v6 =	vmul.f32 $8.000000000e+00, v7;
	v4 =	vld [tilespmem:s31+$0xA7A0]  }
0xd3: {  	v7 =	vld [tilespmem:s1+$0xA7B0];
	[tilespmem:s31+$0x1A700] =	vst v5;
	v0 =	vmul.f32 $8.000000000e+00, v0  }
0xd4: {  	v5 =	vld [tilespmem:s1+$0xA400];
	[tilespmem:s31+$0x1A710] =	vst v6;
	v1 =	vmul.f32 $8.000000000e+00, v1  }
0xd5: {  	v6 =	vld [tilespmem:s1+$0xA410];
	[tilespmem:s31+$0x1A720] =	vst v0;
	v2 =	vmul.f32 $8.000000000e+00, v2  }
0xd6: {  	v0 =	vld [tilespmem:s1+$0xA420];
	[tilespmem:s31+$0x1A730] =	vst v1;
	v3 =	vmul.f32 $8.000000000e+00, v3  }
0xd7: {  	v1 =	vld [tilespmem:s1+$0xA430];
	[tilespmem:s31+$0x1A780] =	vst v2;
	v4 =	vmul.f32 $8.000000000e+00, v4  }
0xd8: {  	v2 =	vld [tilespmem:s1+$0xA480];
	[tilespmem:s31+$0x1A790] =	vst v3;
	v7 =	vmul.f32 $8.000000000e+00, v7  }
0xd9: {  	v3 =	vld [tilespmem:s1+$0xA490];
	[tilespmem:s31+$0x1A7A0] =	vst v4;
	v4 =	vmul.f32 $8.000000000e+00, v5  }
0xda: {  	v5 =	vld [tilespmem:s1+$0xA4A0];
	[tilespmem:s1+$0x1A7B0] =	vst v7;
	v6 =	vmul.f32 $8.000000000e+00, v6  }
0xdb: {  	[tilespmem:s1+$0x1A400] =	vst v4;
	v4 =	vld [tilespmem:s1+$0xA4B0];
	v0 =	vmul.f32 $8.000000000e+00, v0  }
0xdc: {  	[tilespmem:s1+$0x1A410] =	vst v6;
	v6 =	vld [tilespmem:s1+$0xA500];
	v1 =	vmul.f32 $8.000000000e+00, v1  }
0xdd: {  	[tilespmem:s1+$0x1A420] =	vst v0;
	v0 =	vld [tilespmem:s1+$0xA510];
	v2 =	vmul.f32 $8.000000000e+00, v2  }
0xde: {  	[tilespmem:s1+$0x1A430] =	vst v1;
	v1 =	vld [tilespmem:s1+$0xA520];
	v3 =	vmul.f32 $8.000000000e+00, v3  }
0xdf: {  	[tilespmem:s1+$0x1A480] =	vst v2;
	v2 =	vld [tilespmem:s1+$0xA530];
	v5 =	vmul.f32 $8.000000000e+00, v5  }
0xe0: {  	[tilespmem:s1+$0x1A490] =	vst v3;
	v3 =	vld [tilespmem:s1+$0xA580];
	v4 =	vmul.f32 $8.000000000e+00, v4  }
0xe1: {  	[tilespmem:s1+$0x1A4A0] =	vst v5;
	v5 =	vld [tilespmem:s1+$0xA590];
	v6 =	vmul.f32 $8.000000000e+00, v6  }
0xe2: {  	[tilespmem:s1+$0x1A4B0] =	vst v4;
	v4 =	vld [tilespmem:s1+$0xA5A0];
	v0 =	vmul.f32 $8.000000000e+00, v0  }
0xe3: {  	[tilespmem:s1+$0x1A500] =	vst v6;
	v6 =	vld [tilespmem:s1+$0xA5B0];
	v1 =	vmul.f32 $8.000000000e+00, v1  }
0xe4: {  	[tilespmem:s1+$0x1A510] =	vst v0;
	v0 =	vld [tilespmem:s1+$0xA600];
	v2 =	vmul.f32 $8.000000000e+00, v2  }
0xe5: {  	[tilespmem:s1+$0x1A520] =	vst v1;
	v1 =	vld [tilespmem:s1+$0xA610];
	v3 =	vmul.f32 $8.000000000e+00, v3  }
0xe6: {  	[tilespmem:s1+$0x1A530] =	vst v2;
	v2 =	vld [tilespmem:s1+$0xA620];
	v5 =	vmul.f32 $8.000000000e+00, v5  }
0xe7: {  	[tilespmem:s1+$0x1A580] =	vst v3;
	v3 =	vld [tilespmem:s1+$0xA630];
	v4 =	vmul.f32 $8.000000000e+00, v4  }
0xe8: {  	[tilespmem:s1+$0x1A590] =	vst v5;
	v5 =	vld [tilespmem:s1+$0xA680];
	v6 =	vmul.f32 $8.000000000e+00, v6  }
0xe9: {  	[tilespmem:s1+$0x1A5A0] =	vst v4;
	v4 =	vld [tilespmem:s1+$0xA690];
	v0 =	vmul.f32 $8.000000000e+00, v0  }
0xea: {  	[tilespmem:s1+$0x1A5B0] =	vst v6;
	v6 =	vld [tilespmem:s1+$0xA6A0];
	v1 =	vmul.f32 $8.000000000e+00, v1  }
0xeb: {  	[tilespmem:s1+$0x1A600] =	vst v0;
	v0 =	vld [tilespmem:s1+$0xA6B0];
	v2 =	vmul.f32 $8.000000000e+00, v2  }
0xec: {  	[tilespmem:s1+$0x1A610] =	vst v1;
	v1 =	vld [tilespmem:s1+$0xA700];
	v3 =	vmul.f32 $8.000000000e+00, v3  }
0xed: {  	[tilespmem:s1+$0x1A620] =	vst v2;
	v2 =	vld [tilespmem:s1+$0xA710];
	v5 =	vmul.f32 $8.000000000e+00, v5  }
0xee: {  	[tilespmem:s1+$0x1A630] =	vst v3;
	v3 =	vld [tilespmem:s1+$0xA720];
	v4 =	vmul.f32 $8.000000000e+00, v4  }
0xef: {  	[tilespmem:s1+$0x1A680] =	vst v5;
	v5 =	vld [tilespmem:s1+$0xA730];
	v6 =	vmul.f32 $8.000000000e+00, v6  }
0xf0: {  	[tilespmem:s1+$0x1A690] =	vst v4;
	v4 =	vld [tilespmem:s1+$0xA780];
	v0 =	vmul.f32 $8.000000000e+00, v0  }
0xf1: {  	[tilespmem:s1+$0x1A6A0] =	vst v6;
	v6 =	vld [tilespmem:s1+$0xA790];
	v1 =	vmul.f32 $8.000000000e+00, v1  }
0xf2: {  	[tilespmem:s1+$0x1A6B0] =	vst v0;
	v0 =	vmul.f32 $8.000000000e+00, v2;
	v2 =	vld [tilespmem:s1+$0xA7A0]  }
0xf3: {  	[tilespmem:s1+$0x1A700] =	vst v1;
	v1 =	vmul.f32 $8.000000000e+00, v3  }
0xf4: {  	[tilespmem:s1+$0x1A710] =	vst v0;
	v0 =	vmul.f32 $8.000000000e+00, v5  }
0xf5: {  	[tilespmem:s1+$0x1A720] =	vst v1;
	v1 =	vmul.f32 $8.000000000e+00, v4  }
0xf6: {  	[tilespmem:s1+$0x1A730] =	vst v0;
	v0 =	vmul.f32 $8.000000000e+00, v6  }
0xf7: {  	[tilespmem:s1+$0x1A780] =	vst v1;
	v1 =	vmul.f32 $8.000000000e+00, v2  }
0xf8: {  	s0 =	sadd.s32 @!p0 $0x280, s30;
	[tilespmem:s1+$0x1A790] =	vst v0  }
0xf9: {  	s13 =	simm.s32 @!p0 $0xA400;
	s31 =	sshll.u32 s29, $0x9;
	[tilespmem:s1+$0x1A7A0] =	vst v1;
	s1 =	simm.s32 @!p0 $0x80  }
0xfa: {  	[tilespmem:s13], [sflag:$0x2] =	stream.indirect.gather @!p0 [hbm4b:s3+s1], $0x80, s0, s1, $0xb8;
	[tilespmem:$0x1E400] =	vst v63  }
0xfb: {  	s1 =	sadd.s32 s31, s7  }
0xfc: {  	s0 =	sshll.u32 s1, $0x4  }
0xfd: {  	s13 =	simm.s32 $0x0;
	s0 =	sadd.s32 s4, s0  }
0xfe: {  	[hbm4b:s0+s13] =	stream.linear.scatter [tilespmem:s22], [sflag:$0x6], $0x4000, $0x38;
	[tilespmem:$0x1E400] =	vst v63  }
0xff: {  	_ =	swait.ge [sflag:s23], $0x4000  }
0x100: {  	[sflag:s23] =	ssyncset.done $0x0  }
0x101: {  	[sflag:s23] =	ssyncadd.s32 $0xFFFFC000  }
0x102: {  	_ =	swait.ge [sflag:s24], $0x4000  }
0x103: {  	[sflag:s24] =	ssyncset.done $0x0  }
0x104: {  	s1 =	simm.s32 $0x0;
	[sflag:s24] =	ssyncadd.s32 $0xFFFFC000  }
0x105: {  	v0 =	vld [tilespmem:s1+$0xE7B0]  }
0x106: {  	v1 =	vld [tilespmem:s1+$0xE400];
	_ =	sdelay $0x1  }
0x107: {  	v2 =	vld [tilespmem:s1+$0xE410]  }
0x108: {  	v3 =	vld [tilespmem:s1+$0xE420]  }
0x109: {  	v4 =	vld [tilespmem:s1+$0xE430];
	v0 =	vmul.f32 $8.000000000e+00, v0  }
0x10a: {  	v5 =	vld [tilespmem:s1+$0xE480];
	v1 =	vmul.f32 $8.000000000e+00, v1  }
0x10b: {  	v6 =	vld [tilespmem:s1+$0xE490];
	[tilespmem:s1+$0x167B0] =	vst v0  }
0x10c: {  	v0 =	vmul.f32 $8.000000000e+00, v2;
	[tilespmem:s1+$0x16400] =	vst v1;
	v1 =	vld [tilespmem:s1+$0xE4B0]  }
0x10d: {  	v7 =	vld [tilespmem:s1+$0xE4A0];
	v2 =	vmul.f32 $8.000000000e+00, v3  }
0x10e: {  	v3 =	vmul.f32 $8.000000000e+00, v4;
	[tilespmem:s1+$0x16410] =	vst v0;
	v0 =	vld [tilespmem:s1+$0xE500]  }
0x10f: {  	v4 =	vmul.f32 $8.000000000e+00, v5;
	[tilespmem:s1+$0x16420] =	vst v2;
	v2 =	vld [tilespmem:s1+$0xE510]  }
0x110: {  	v5 =	vmul.f32 $8.000000000e+00, v6;
	[tilespmem:s1+$0x16430] =	vst v3;
	v3 =	vld [tilespmem:s1+$0xE520]  }
0x111: {  	[tilespmem:s1+$0x16480] =	vst v4;
	v4 =	vld [tilespmem:s1+$0xE530];
	v1 =	vmul.f32 $8.000000000e+00, v1  }
0x112: {  	v6 =	vmul.f32 $8.000000000e+00, v7;
	[tilespmem:s1+$0x16490] =	vst v5;
	v5 =	vld [tilespmem:s1+$0xE580]  }
0x113: {  	v0 =	vmul.f32 $8.000000000e+00, v0;
	[tilespmem:s1+$0x164B0] =	vst v1;
	v1 =	vld [tilespmem:s1+$0xE5A0]  }
0x114: {  	[tilespmem:s1+$0x164A0] =	vst v6;
	v6 =	vld [tilespmem:s1+$0xE590];
	v2 =	vmul.f32 $8.000000000e+00, v2  }
0x115: {  	v3 =	vmul.f32 $8.000000000e+00, v3;
	[tilespmem:s1+$0x16500] =	vst v0;
	v0 =	vld [tilespmem:s1+$0xE5B0]  }
0x116: {  	v4 =	vmul.f32 $8.000000000e+00, v4;
	[tilespmem:s1+$0x16510] =	vst v2;
	v2 =	vld [tilespmem:s1+$0xE600]  }
0x117: {  	v5 =	vmul.f32 $8.000000000e+00, v5;
	[tilespmem:s1+$0x16520] =	vst v3;
	v3 =	vld [tilespmem:s1+$0xE610]  }
0x118: {  	[tilespmem:s1+$0x16530] =	vst v4;
	v4 =	vld [tilespmem:s1+$0xE620];
	v1 =	vmul.f32 $8.000000000e+00, v1  }
0x119: {  	v6 =	vmul.f32 $8.000000000e+00, v6;
	[tilespmem:s1+$0x16580] =	vst v5;
	v5 =	vld [tilespmem:s1+$0xE630]  }
0x11a: {  	v0 =	vmul.f32 $8.000000000e+00, v0;
	[tilespmem:s1+$0x165A0] =	vst v1;
	v1 =	vld [tilespmem:s1+$0xE690]  }
0x11b: {  	[tilespmem:s1+$0x16590] =	vst v6;
	v6 =	vld [tilespmem:s1+$0xE680];
	v2 =	vmul.f32 $8.000000000e+00, v2  }
0x11c: {  	[tilespmem:s1+$0x165B0] =	vst v0;
	v0 =	vmul.f32 $8.000000000e+00, v3;
	v3 =	vld [tilespmem:s1+$0xE6B0]  }
0x11d: {  	v7 =	vld [tilespmem:s1+$0xE6A0];
	[tilespmem:s1+$0x16600] =	vst v2;
	v2 =	vmul.f32 $8.000000000e+00, v4  }
0x11e: {  	v4 =	vld [tilespmem:s1+$0xE700];
	[tilespmem:s1+$0x16610] =	vst v0;
	v0 =	vmul.f32 $8.000000000e+00, v5  }
0x11f: {  	v8 =	vld [tilespmem:s1+$0xE710];
	[tilespmem:s1+$0x16620] =	vst v2;
	v5 =	vmul.f32 $8.000000000e+00, v1  }
0x120: {  	v2 =	vmul.f32 $8.000000000e+00, v6;
	[tilespmem:s1+$0x16630] =	vst v0;
	v0 =	vld [tilespmem:s1+$0xE720]  }
0x121: {  	v1 =	vld [tilespmem:s1+$0xE730];
	[tilespmem:s1+$0x16690] =	vst v5;
	v5 =	vmul.f32 $8.000000000e+00, v3  }
0x122: {  	v6 =	vmul.f32 $8.000000000e+00, v7;
	[tilespmem:s1+$0x16680] =	vst v2;
	v2 =	vld [tilespmem:s1+$0xE780]  }
0x123: {  	v3 =	vld [tilespmem:s1+$0xE790];
	[tilespmem:s1+$0x166B0] =	vst v5;
	v5 =	vmul.f32 $8.000000000e+00, v4  }
0x124: {  	s0 =	simm.s32 $0x400;
	s13 =	simm.s32 $0x2000;
	[tilespmem:s1+$0x166A0] =	vst v6;
	v6 =	vmul.f32 $8.000000000e+00, v8;
	v4 =	vld [tilespmem:s1+$0xE7A0]  }
.LBB2_7:
0x125: {  	p1 =	sne.s32 s13, $0xF000;
	v7 =	vld [tilespmem:s0+$0xE7B0];
	[tilespmem:s1+$0x16700] =	vst v5;
	v0 =	vmul.f32 $8.000000000e+00, v0  }
0x126: {  	v5 =	vld [tilespmem:s0+$0xE400];
	[tilespmem:s1+$0x16710] =	vst v6;
	v1 =	vmul.f32 $8.000000000e+00, v1  }
0x127: {  	v6 =	vld [tilespmem:s0+$0xE410];
	[tilespmem:s1+$0x16720] =	vst v0;
	v0 =	vmul.f32 $8.000000000e+00, v2  }
0x128: {  	v2 =	vld [tilespmem:s0+$0xE420];
	[tilespmem:s1+$0x16730] =	vst v1;
	v1 =	vmul.f32 $8.000000000e+00, v3  }
0x129: {  	v3 =	vld [tilespmem:s0+$0xE430];
	[tilespmem:s1+$0x16780] =	vst v0;
	v0 =	vmul.f32 $8.000000000e+00, v4  }
0x12a: {  	v4 =	vld [tilespmem:s0+$0xE480];
	v7 =	vmul.f32 $8.000000000e+00, v7;
	[tilespmem:s1+$0x16790] =	vst v1  }
0x12b: {  	v1 =	vmul.f32 $8.000000000e+00, v5;
	v5 =	vld [tilespmem:s0+$0xE490];
	[tilespmem:s1+$0x167A0] =	vst v0;
	s1 =	smov.u32 s0  }
0x12c: {  	v0 =	vmul.f32 $8.000000000e+00, v6;
	v6 =	vld [tilespmem:s1+$0xE4A0];
	[tilespmem:s1+$0x167B0] =	vst v7  }
0x12d: {  	[tilespmem:s1+$0x16400] =	vst v1;
	v1 =	vmul.f32 $8.000000000e+00, v2;
	v2 =	vld [tilespmem:s1+$0xE4B0]  }
0x12e: {  	[tilespmem:s1+$0x16410] =	vst v0;
	v0 =	vmul.f32 $8.000000000e+00, v3;
	v3 =	vld [tilespmem:s1+$0xE500]  }
0x12f: {  	[tilespmem:s1+$0x16420] =	vst v1;
	v1 =	vmul.f32 $8.000000000e+00, v4;
	v4 =	vld [tilespmem:s1+$0xE510]  }
0x130: {  	[tilespmem:s1+$0x16430] =	vst v0;
	v0 =	vmul.f32 $8.000000000e+00, v5;
	v5 =	vld [tilespmem:s1+$0xE520]  }
0x131: {  	[tilespmem:s1+$0x16480] =	vst v1;
	v1 =	vmul.f32 $8.000000000e+00, v6;
	v6 =	vld [tilespmem:s1+$0xE530]  }
0x132: {  	[tilespmem:s1+$0x16490] =	vst v0;
	v0 =	vmul.f32 $8.000000000e+00, v2;
	v2 =	vld [tilespmem:s1+$0xE580]  }
0x133: {  	[tilespmem:s1+$0x164A0] =	vst v1;
	v1 =	vmul.f32 $8.000000000e+00, v3;
	v3 =	vld [tilespmem:s1+$0xE590]  }
0x134: {  	[tilespmem:s1+$0x164B0] =	vst v0;
	v0 =	vmul.f32 $8.000000000e+00, v4;
	v4 =	vld [tilespmem:s1+$0xE5A0]  }
0x135: {  	[tilespmem:s1+$0x16500] =	vst v1;
	v1 =	vmul.f32 $8.000000000e+00, v5;
	v5 =	vld [tilespmem:s1+$0xE5B0]  }
0x136: {  	[tilespmem:s1+$0x16510] =	vst v0;
	v0 =	vmul.f32 $8.000000000e+00, v6;
	v6 =	vld [tilespmem:s1+$0xE600]  }
0x137: {  	[tilespmem:s1+$0x16520] =	vst v1;
	v1 =	vmul.f32 $8.000000000e+00, v2;
	v2 =	vld [tilespmem:s1+$0xE610]  }
0x138: {  	[tilespmem:s1+$0x16530] =	vst v0;
	v0 =	vmul.f32 $8.000000000e+00, v3;
	v3 =	vld [tilespmem:s1+$0xE620]  }
0x139: {  	[tilespmem:s1+$0x16580] =	vst v1;
	v1 =	vmul.f32 $8.000000000e+00, v4;
	v4 =	vld [tilespmem:s1+$0xE630]  }
0x13a: {  	[tilespmem:s1+$0x16590] =	vst v0;
	v0 =	vmul.f32 $8.000000000e+00, v5;
	v5 =	vld [tilespmem:s1+$0xE680]  }
0x13b: {  	[tilespmem:s1+$0x165A0] =	vst v1;
	v1 =	vmul.f32 $8.000000000e+00, v6;
	v6 =	vld [tilespmem:s1+$0xE690]  }
0x13c: {  	[tilespmem:s1+$0x165B0] =	vst v0;
	v0 =	vmul.f32 $8.000000000e+00, v2;
	v2 =	vld [tilespmem:s1+$0xE6A0]  }
0x13d: {  	[tilespmem:s1+$0x16600] =	vst v1;
	v1 =	vmul.f32 $8.000000000e+00, v3;
	v3 =	vld [tilespmem:s1+$0xE6B0]  }
0x13e: {  	[tilespmem:s1+$0x16610] =	vst v0;
	v0 =	vmul.f32 $8.000000000e+00, v4;
	v4 =	vld [tilespmem:s1+$0xE700]  }
0x13f: {  	[tilespmem:s1+$0x16620] =	vst v1;
	v1 =	vmul.f32 $8.000000000e+00, v5;
	v7 =	vld [tilespmem:s1+$0xE710]  }
.Ltmp2:
0x140: {  	[tilespmem:s1+$0x16630] =	vst v0;
	v5 =	vmul.f32 $8.000000000e+00, v6;
	v0 =	vld [tilespmem:s1+$0xE720];
	(pc) =	sbr.rel @p1 .LBB2_7-.Ltmp2, $4  }
0x141: {  	[tilespmem:s1+$0x16680] =	vst v1;
	v6 =	vmul.f32 $8.000000000e+00, v2;
	v1 =	vld [tilespmem:s1+$0xE730]  }
0x142: {  	[tilespmem:s1+$0x16690] =	vst v5;
	v8 =	vmul.f32 $8.000000000e+00, v3;
	v2 =	vld [tilespmem:s1+$0xE780]  }
0x143: {  	[tilespmem:s1+$0x166A0] =	vst v6;
	v5 =	vmul.f32 $8.000000000e+00, v4;
	v3 =	vld [tilespmem:s1+$0xE790]  }
0x144: {  	s0 =	sshra.s32 s13, $0x2;
	s13 =	sadd.s32 $0x1000, s13;
	[tilespmem:s1+$0x166B0] =	vst v8;
	v6 =	vmul.f32 $8.000000000e+00, v7;
	v4 =	vld [tilespmem:s1+$0xE7A0]  }
0x145: {  	v7 =	vld [tilespmem:s0+$0xE7B0];
	[tilespmem:s1+$0x16700] =	vst v5;
	v0 =	vmul.f32 $8.000000000e+00, v0  }
0x146: {  	v5 =	vld [tilespmem:s0+$0xE400];
	[tilespmem:s1+$0x16710] =	vst v6;
	v1 =	vmul.f32 $8.000000000e+00, v1  }
0x147: {  	v6 =	vld [tilespmem:s0+$0xE410];
	[tilespmem:s1+$0x16720] =	vst v0;
	v2 =	vmul.f32 $8.000000000e+00, v2  }
0x148: {  	v0 =	vld [tilespmem:s0+$0xE420];
	[tilespmem:s1+$0x16730] =	vst v1;
	v3 =	vmul.f32 $8.000000000e+00, v3  }
0x149: {  	v1 =	vld [tilespmem:s0+$0xE430];
	[tilespmem:s1+$0x16780] =	vst v2;
	v4 =	vmul.f32 $8.000000000e+00, v4  }
0x14a: {  	v2 =	vld [tilespmem:s0+$0xE480];
	[tilespmem:s1+$0x16790] =	vst v3;
	v7 =	vmul.f32 $8.000000000e+00, v7  }
0x14b: {  	v3 =	vld [tilespmem:s0+$0xE490];
	[tilespmem:s1+$0x167A0] =	vst v4;
	v4 =	vmul.f32 $8.000000000e+00, v5  }
0x14c: {  	v5 =	vld [tilespmem:s0+$0xE4A0];
	[tilespmem:s0+$0x167B0] =	vst v7;
	v6 =	vmul.f32 $8.000000000e+00, v6  }
0x14d: {  	[tilespmem:s0+$0x16400] =	vst v4;
	v4 =	vld [tilespmem:s0+$0xE4B0];
	v0 =	vmul.f32 $8.000000000e+00, v0  }
0x14e: {  	[tilespmem:s0+$0x16410] =	vst v6;
	v6 =	vld [tilespmem:s0+$0xE500];
	v1 =	vmul.f32 $8.000000000e+00, v1  }
0x14f: {  	[tilespmem:s0+$0x16420] =	vst v0;
	v0 =	vld [tilespmem:s0+$0xE510];
	v2 =	vmul.f32 $8.000000000e+00, v2  }
0x150: {  	[tilespmem:s0+$0x16430] =	vst v1;
	v1 =	vld [tilespmem:s0+$0xE520];
	v3 =	vmul.f32 $8.000000000e+00, v3  }
0x151: {  	[tilespmem:s0+$0x16480] =	vst v2;
	v2 =	vld [tilespmem:s0+$0xE530];
	v5 =	vmul.f32 $8.000000000e+00, v5  }
0x152: {  	[tilespmem:s0+$0x16490] =	vst v3;
	v3 =	vld [tilespmem:s0+$0xE580];
	v4 =	vmul.f32 $8.000000000e+00, v4  }
0x153: {  	[tilespmem:s0+$0x164A0] =	vst v5;
	v5 =	vld [tilespmem:s0+$0xE590];
	v6 =	vmul.f32 $8.000000000e+00, v6  }
0x154: {  	[tilespmem:s0+$0x164B0] =	vst v4;
	v4 =	vld [tilespmem:s0+$0xE5A0];
	v0 =	vmul.f32 $8.000000000e+00, v0  }
0x155: {  	[tilespmem:s0+$0x16500] =	vst v6;
	v6 =	vld [tilespmem:s0+$0xE5B0];
	v1 =	vmul.f32 $8.000000000e+00, v1  }
0x156: {  	[tilespmem:s0+$0x16510] =	vst v0;
	v0 =	vld [tilespmem:s0+$0xE600];
	v2 =	vmul.f32 $8.000000000e+00, v2  }
0x157: {  	[tilespmem:s0+$0x16520] =	vst v1;
	v1 =	vld [tilespmem:s0+$0xE610];
	v3 =	vmul.f32 $8.000000000e+00, v3  }
0x158: {  	[tilespmem:s0+$0x16530] =	vst v2;
	v2 =	vld [tilespmem:s0+$0xE620];
	v5 =	vmul.f32 $8.000000000e+00, v5  }
0x159: {  	[tilespmem:s0+$0x16580] =	vst v3;
	v3 =	vld [tilespmem:s0+$0xE630];
	v4 =	vmul.f32 $8.000000000e+00, v4  }
0x15a: {  	[tilespmem:s0+$0x16590] =	vst v5;
	v5 =	vld [tilespmem:s0+$0xE680];
	v6 =	vmul.f32 $8.000000000e+00, v6  }
0x15b: {  	[tilespmem:s0+$0x165A0] =	vst v4;
	v4 =	vld [tilespmem:s0+$0xE690];
	v0 =	vmul.f32 $8.000000000e+00, v0  }
0x15c: {  	[tilespmem:s0+$0x165B0] =	vst v6;
	v6 =	vld [tilespmem:s0+$0xE6A0];
	v1 =	vmul.f32 $8.000000000e+00, v1  }
0x15d: {  	[tilespmem:s0+$0x16600] =	vst v0;
	v0 =	vld [tilespmem:s0+$0xE6B0];
	v2 =	vmul.f32 $8.000000000e+00, v2  }
0x15e: {  	[tilespmem:s0+$0x16610] =	vst v1;
	v1 =	vld [tilespmem:s0+$0xE700];
	v3 =	vmul.f32 $8.000000000e+00, v3  }
0x15f: {  	[tilespmem:s0+$0x16620] =	vst v2;
	v2 =	vld [tilespmem:s0+$0xE710];
	v5 =	vmul.f32 $8.000000000e+00, v5  }
0x160: {  	[tilespmem:s0+$0x16630] =	vst v3;
	v3 =	vld [tilespmem:s0+$0xE720];
	v4 =	vmul.f32 $8.000000000e+00, v4  }
0x161: {  	[tilespmem:s0+$0x16680] =	vst v5;
	v5 =	vld [tilespmem:s0+$0xE730];
	v6 =	vmul.f32 $8.000000000e+00, v6  }
0x162: {  	[tilespmem:s0+$0x16690] =	vst v4;
	v4 =	vld [tilespmem:s0+$0xE780];
	v0 =	vmul.f32 $8.000000000e+00, v0  }
0x163: {  	[tilespmem:s0+$0x166A0] =	vst v6;
	v6 =	vld [tilespmem:s0+$0xE790];
	v1 =	vmul.f32 $8.000000000e+00, v1  }
0x164: {  	[tilespmem:s0+$0x166B0] =	vst v0;
	v0 =	vmul.f32 $8.000000000e+00, v2;
	v2 =	vld [tilespmem:s0+$0xE7A0]  }
0x165: {  	[tilespmem:s0+$0x16700] =	vst v1;
	v1 =	vmul.f32 $8.000000000e+00, v3  }
0x166: {  	[tilespmem:s0+$0x16710] =	vst v0;
	v0 =	vmul.f32 $8.000000000e+00, v5  }
0x167: {  	[tilespmem:s0+$0x16720] =	vst v1;
	v1 =	vmul.f32 $8.000000000e+00, v4  }
0x168: {  	[tilespmem:s0+$0x16730] =	vst v0;
	v0 =	vmul.f32 $8.000000000e+00, v6  }
0x169: {  	[tilespmem:s0+$0x16780] =	vst v1;
	v1 =	vmul.f32 $8.000000000e+00, v2  }
0x16a: {  	[tilespmem:s0+$0x16790] =	vst v0  }
0x16b: {  	s13 =	simm.s32 @!p0 $0xE400;
	s1 =	simm.s32 @!p0 $0x80;
	[tilespmem:s0+$0x167A0] =	vst v1;
	s0 =	sadd.s32 @!p0 $0x300, s30  }
0x16c: {  	[tilespmem:s13], [sflag:$0x3] =	stream.indirect.gather @!p0 [hbm4b:s3+s1], $0x80, s0, s1, $0xb8;
	[tilespmem:$0x1E400] =	vst v63  }
0x16d: {  	s1 =	sadd.s32 s31, s8  }
0x16e: {  	s0 =	sshll.u32 s1, $0x4  }
0x16f: {  	s13 =	simm.s32 $0x0;
	s0 =	sadd.s32 s4, s0  }
0x170: {  	[hbm4b:s0+s13] =	stream.linear.scatter [tilespmem:s20], [sflag:$0x5], $0x4000, $0x38;
	[tilespmem:$0x1E400] =	vst v63  }
0x171: {  	_ =	swait.ge [sflag:s25], $0x4000  }
0x172: {  	[sflag:s25] =	ssyncset.done $0x0  }
0x173: {  	[sflag:s25] =	ssyncadd.s32 $0xFFFFC000  }
0x174: {  	_ =	swait.ge [sflag:s26], $0x4000  }
0x175: {  	[sflag:s26] =	ssyncset.done $0x0  }
0x176: {  	s1 =	simm.s32 $0x0;
	[sflag:s26] =	ssyncadd.s32 $0xFFFFC000  }
0x177: {  	v0 =	vld [tilespmem:s1+$0x127B0]  }
0x178: {  	v1 =	vld [tilespmem:s1+$0x12400];
	_ =	sdelay $0x1  }
0x179: {  	v2 =	vld [tilespmem:s1+$0x12410]  }
0x17a: {  	v3 =	vld [tilespmem:s1+$0x12420]  }
0x17b: {  	v4 =	vld [tilespmem:s1+$0x12430];
	v0 =	vmul.f32 $8.000000000e+00, v0  }
0x17c: {  	v5 =	vld [tilespmem:s1+$0x12480];
	v1 =	vmul.f32 $8.000000000e+00, v1  }
0x17d: {  	v6 =	vld [tilespmem:s1+$0x12490];
	[tilespmem:s1+$0x1A7B0] =	vst v0  }
0x17e: {  	v0 =	vmul.f32 $8.000000000e+00, v2;
	[tilespmem:s1+$0x1A400] =	vst v1;
	v1 =	vld [tilespmem:s1+$0x124B0]  }
0x17f: {  	v7 =	vld [tilespmem:s1+$0x124A0];
	v2 =	vmul.f32 $8.000000000e+00, v3  }
0x180: {  	v3 =	vmul.f32 $8.000000000e+00, v4;
	[tilespmem:s1+$0x1A410] =	vst v0;
	v0 =	vld [tilespmem:s1+$0x12500]  }
0x181: {  	v4 =	vmul.f32 $8.000000000e+00, v5;
	[tilespmem:s1+$0x1A420] =	vst v2;
	v2 =	vld [tilespmem:s1+$0x12510]  }
0x182: {  	v5 =	vmul.f32 $8.000000000e+00, v6;
	[tilespmem:s1+$0x1A430] =	vst v3;
	v3 =	vld [tilespmem:s1+$0x12520]  }
0x183: {  	[tilespmem:s1+$0x1A480] =	vst v4;
	v4 =	vld [tilespmem:s1+$0x12530];
	v1 =	vmul.f32 $8.000000000e+00, v1  }
0x184: {  	v6 =	vmul.f32 $8.000000000e+00, v7;
	[tilespmem:s1+$0x1A490] =	vst v5;
	v5 =	vld [tilespmem:s1+$0x12580]  }
0x185: {  	v0 =	vmul.f32 $8.000000000e+00, v0;
	[tilespmem:s1+$0x1A4B0] =	vst v1;
	v1 =	vld [tilespmem:s1+$0x125A0]  }
0x186: {  	[tilespmem:s1+$0x1A4A0] =	vst v6;
	v6 =	vld [tilespmem:s1+$0x12590];
	v2 =	vmul.f32 $8.000000000e+00, v2  }
0x187: {  	v3 =	vmul.f32 $8.000000000e+00, v3;
	[tilespmem:s1+$0x1A500] =	vst v0;
	v0 =	vld [tilespmem:s1+$0x125B0]  }
0x188: {  	v4 =	vmul.f32 $8.000000000e+00, v4;
	[tilespmem:s1+$0x1A510] =	vst v2;
	v2 =	vld [tilespmem:s1+$0x12600]  }
0x189: {  	v5 =	vmul.f32 $8.000000000e+00, v5;
	[tilespmem:s1+$0x1A520] =	vst v3;
	v3 =	vld [tilespmem:s1+$0x12610]  }
0x18a: {  	[tilespmem:s1+$0x1A530] =	vst v4;
	v4 =	vld [tilespmem:s1+$0x12620];
	v1 =	vmul.f32 $8.000000000e+00, v1  }
0x18b: {  	v6 =	vmul.f32 $8.000000000e+00, v6;
	[tilespmem:s1+$0x1A580] =	vst v5;
	v5 =	vld [tilespmem:s1+$0x12630]  }
0x18c: {  	v0 =	vmul.f32 $8.000000000e+00, v0;
	[tilespmem:s1+$0x1A5A0] =	vst v1;
	v1 =	vld [tilespmem:s1+$0x12690]  }
0x18d: {  	[tilespmem:s1+$0x1A590] =	vst v6;
	v6 =	vld [tilespmem:s1+$0x12680];
	v2 =	vmul.f32 $8.000000000e+00, v2  }
0x18e: {  	[tilespmem:s1+$0x1A5B0] =	vst v0;
	v0 =	vmul.f32 $8.000000000e+00, v3;
	v3 =	vld [tilespmem:s1+$0x126B0]  }
0x18f: {  	v7 =	vld [tilespmem:s1+$0x126A0];
	[tilespmem:s1+$0x1A600] =	vst v2;
	v2 =	vmul.f32 $8.000000000e+00, v4  }
0x190: {  	v4 =	vld [tilespmem:s1+$0x12700];
	[tilespmem:s1+$0x1A610] =	vst v0;
	v0 =	vmul.f32 $8.000000000e+00, v5  }
0x191: {  	v8 =	vld [tilespmem:s1+$0x12710];
	[tilespmem:s1+$0x1A620] =	vst v2;
	v5 =	vmul.f32 $8.000000000e+00, v1  }
0x192: {  	v2 =	vmul.f32 $8.000000000e+00, v6;
	[tilespmem:s1+$0x1A630] =	vst v0;
	v0 =	vld [tilespmem:s1+$0x12720]  }
0x193: {  	v1 =	vld [tilespmem:s1+$0x12730];
	[tilespmem:s1+$0x1A690] =	vst v5;
	v5 =	vmul.f32 $8.000000000e+00, v3  }
0x194: {  	v6 =	vmul.f32 $8.000000000e+00, v7;
	[tilespmem:s1+$0x1A680] =	vst v2;
	v2 =	vld [tilespmem:s1+$0x12780]  }
0x195: {  	v3 =	vld [tilespmem:s1+$0x12790];
	[tilespmem:s1+$0x1A6B0] =	vst v5;
	v5 =	vmul.f32 $8.000000000e+00, v4  }
0x196: {  	s0 =	simm.s32 $0x400;
	s13 =	simm.s32 $0x2000;
	[tilespmem:s1+$0x1A6A0] =	vst v6;
	v6 =	vmul.f32 $8.000000000e+00, v8;
	v4 =	vld [tilespmem:s1+$0x127A0]  }
.LBB2_9:
0x197: {  	p1 =	sne.s32 s13, $0xF000;
	v7 =	vld [tilespmem:s0+$0x127B0];
	[tilespmem:s1+$0x1A700] =	vst v5;
	v0 =	vmul.f32 $8.000000000e+00, v0  }
0x198: {  	v5 =	vld [tilespmem:s0+$0x12400];
	[tilespmem:s1+$0x1A710] =	vst v6;
	v1 =	vmul.f32 $8.000000000e+00, v1  }
0x199: {  	v6 =	vld [tilespmem:s0+$0x12410];
	[tilespmem:s1+$0x1A720] =	vst v0;
	v0 =	vmul.f32 $8.000000000e+00, v2  }
0x19a: {  	v2 =	vld [tilespmem:s0+$0x12420];
	[tilespmem:s1+$0x1A730] =	vst v1;
	v1 =	vmul.f32 $8.000000000e+00, v3  }
0x19b: {  	v3 =	vld [tilespmem:s0+$0x12430];
	[tilespmem:s1+$0x1A780] =	vst v0;
	v0 =	vmul.f32 $8.000000000e+00, v4  }
0x19c: {  	v4 =	vld [tilespmem:s0+$0x12480];
	v7 =	vmul.f32 $8.000000000e+00, v7;
	[tilespmem:s1+$0x1A790] =	vst v1  }
0x19d: {  	v1 =	vmul.f32 $8.000000000e+00, v5;
	v5 =	vld [tilespmem:s0+$0x12490];
	[tilespmem:s1+$0x1A7A0] =	vst v0;
	s1 =	smov.u32 s0  }
0x19e: {  	v0 =	vmul.f32 $8.000000000e+00, v6;
	v6 =	vld [tilespmem:s1+$0x124A0];
	[tilespmem:s1+$0x1A7B0] =	vst v7  }
0x19f: {  	[tilespmem:s1+$0x1A400] =	vst v1;
	v1 =	vmul.f32 $8.000000000e+00, v2;
	v2 =	vld [tilespmem:s1+$0x124B0]  }
0x1a0: {  	[tilespmem:s1+$0x1A410] =	vst v0;
	v0 =	vmul.f32 $8.000000000e+00, v3;
	v3 =	vld [tilespmem:s1+$0x12500]  }
0x1a1: {  	[tilespmem:s1+$0x1A420] =	vst v1;
	v1 =	vmul.f32 $8.000000000e+00, v4;
	v4 =	vld [tilespmem:s1+$0x12510]  }
0x1a2: {  	[tilespmem:s1+$0x1A430] =	vst v0;
	v0 =	vmul.f32 $8.000000000e+00, v5;
	v5 =	vld [tilespmem:s1+$0x12520]  }
0x1a3: {  	[tilespmem:s1+$0x1A480] =	vst v1;
	v1 =	vmul.f32 $8.000000000e+00, v6;
	v6 =	vld [tilespmem:s1+$0x12530]  }
0x1a4: {  	[tilespmem:s1+$0x1A490] =	vst v0;
	v0 =	vmul.f32 $8.000000000e+00, v2;
	v2 =	vld [tilespmem:s1+$0x12580]  }
0x1a5: {  	[tilespmem:s1+$0x1A4A0] =	vst v1;
	v1 =	vmul.f32 $8.000000000e+00, v3;
	v3 =	vld [tilespmem:s1+$0x12590]  }
0x1a6: {  	[tilespmem:s1+$0x1A4B0] =	vst v0;
	v0 =	vmul.f32 $8.000000000e+00, v4;
	v4 =	vld [tilespmem:s1+$0x125A0]  }
0x1a7: {  	[tilespmem:s1+$0x1A500] =	vst v1;
	v1 =	vmul.f32 $8.000000000e+00, v5;
	v5 =	vld [tilespmem:s1+$0x125B0]  }
0x1a8: {  	[tilespmem:s1+$0x1A510] =	vst v0;
	v0 =	vmul.f32 $8.000000000e+00, v6;
	v6 =	vld [tilespmem:s1+$0x12600]  }
0x1a9: {  	[tilespmem:s1+$0x1A520] =	vst v1;
	v1 =	vmul.f32 $8.000000000e+00, v2;
	v2 =	vld [tilespmem:s1+$0x12610]  }
0x1aa: {  	[tilespmem:s1+$0x1A530] =	vst v0;
	v0 =	vmul.f32 $8.000000000e+00, v3;
	v3 =	vld [tilespmem:s1+$0x12620]  }
0x1ab: {  	[tilespmem:s1+$0x1A580] =	vst v1;
	v1 =	vmul.f32 $8.000000000e+00, v4;
	v4 =	vld [tilespmem:s1+$0x12630]  }
0x1ac: {  	[tilespmem:s1+$0x1A590] =	vst v0;
	v0 =	vmul.f32 $8.000000000e+00, v5;
	v5 =	vld [tilespmem:s1+$0x12680]  }
0x1ad: {  	[tilespmem:s1+$0x1A5A0] =	vst v1;
	v1 =	vmul.f32 $8.000000000e+00, v6;
	v6 =	vld [tilespmem:s1+$0x12690]  }
0x1ae: {  	[tilespmem:s1+$0x1A5B0] =	vst v0;
	v0 =	vmul.f32 $8.000000000e+00, v2;
	v2 =	vld [tilespmem:s1+$0x126A0]  }
0x1af: {  	[tilespmem:s1+$0x1A600] =	vst v1;
	v1 =	vmul.f32 $8.000000000e+00, v3;
	v3 =	vld [tilespmem:s1+$0x126B0]  }
0x1b0: {  	[tilespmem:s1+$0x1A610] =	vst v0;
	v0 =	vmul.f32 $8.000000000e+00, v4;
	v4 =	vld [tilespmem:s1+$0x12700]  }
0x1b1: {  	[tilespmem:s1+$0x1A620] =	vst v1;
	v1 =	vmul.f32 $8.000000000e+00, v5;
	v7 =	vld [tilespmem:s1+$0x12710]  }
.Ltmp3:
0x1b2: {  	[tilespmem:s1+$0x1A630] =	vst v0;
	v5 =	vmul.f32 $8.000000000e+00, v6;
	v0 =	vld [tilespmem:s1+$0x12720];
	(pc) =	sbr.rel @p1 .LBB2_9-.Ltmp3, $4  }
0x1b3: {  	[tilespmem:s1+$0x1A680] =	vst v1;
	v6 =	vmul.f32 $8.000000000e+00, v2;
	v1 =	vld [tilespmem:s1+$0x12730]  }
0x1b4: {  	[tilespmem:s1+$0x1A690] =	vst v5;
	v8 =	vmul.f32 $8.000000000e+00, v3;
	v2 =	vld [tilespmem:s1+$0x12780]  }
0x1b5: {  	[tilespmem:s1+$0x1A6A0] =	vst v6;
	v5 =	vmul.f32 $8.000000000e+00, v4;
	v3 =	vld [tilespmem:s1+$0x12790]  }
0x1b6: {  	s0 =	sshra.s32 s13, $0x2;
	s13 =	sadd.s32 $0x1000, s13;
	[tilespmem:s1+$0x1A6B0] =	vst v8;
	v6 =	vmul.f32 $8.000000000e+00, v7;
	v4 =	vld [tilespmem:s1+$0x127A0]  }
0x1b7: {  	v7 =	vld [tilespmem:s0+$0x127B0];
	[tilespmem:s1+$0x1A700] =	vst v5;
	v0 =	vmul.f32 $8.000000000e+00, v0  }
0x1b8: {  	v5 =	vld [tilespmem:s0+$0x12400];
	[tilespmem:s1+$0x1A710] =	vst v6;
	v1 =	vmul.f32 $8.000000000e+00, v1  }
0x1b9: {  	v6 =	vld [tilespmem:s0+$0x12410];
	[tilespmem:s1+$0x1A720] =	vst v0;
	v2 =	vmul.f32 $8.000000000e+00, v2  }
0x1ba: {  	v0 =	vld [tilespmem:s0+$0x12420];
	[tilespmem:s1+$0x1A730] =	vst v1;
	v3 =	vmul.f32 $8.000000000e+00, v3  }
0x1bb: {  	v1 =	vld [tilespmem:s0+$0x12430];
	[tilespmem:s1+$0x1A780] =	vst v2;
	v4 =	vmul.f32 $8.000000000e+00, v4  }
0x1bc: {  	v2 =	vld [tilespmem:s0+$0x12480];
	[tilespmem:s1+$0x1A790] =	vst v3;
	v7 =	vmul.f32 $8.000000000e+00, v7  }
0x1bd: {  	v3 =	vld [tilespmem:s0+$0x12490];
	[tilespmem:s1+$0x1A7A0] =	vst v4;
	v32 =	vmul.f32 $8.000000000e+00, v5  }
0x1be: {  	v33 =	vld [tilespmem:s0+$0x124A0];
	[tilespmem:s0+$0x1A7B0] =	vst v7;
	v6 =	vmul.f32 $8.000000000e+00, v6  }
0x1bf: {  	v34 =	vld [tilespmem:s0+$0x124B0];
	[tilespmem:s0+$0x1A400] =	vst v32;
	v0 =	vmul.f32 $8.000000000e+00, v0  }
0x1c0: {  	v35 =	vld [tilespmem:s0+$0x12500];
	[tilespmem:s0+$0x1A410] =	vst v6;
	v1 =	vmul.f32 $8.000000000e+00, v1  }
0x1c1: {  	v36 =	vld [tilespmem:s0+$0x12510];
	[tilespmem:s0+$0x1A420] =	vst v0;
	v2 =	vmul.f32 $8.000000000e+00, v2  }
0x1c2: {  	v37 =	vld [tilespmem:s0+$0x12520];
	[tilespmem:s0+$0x1A430] =	vst v1;
	v3 =	vmul.f32 $8.000000000e+00, v3  }
0x1c3: {  	v38 =	vld [tilespmem:s0+$0x12530];
	[tilespmem:s0+$0x1A480] =	vst v2;
	v5 =	vmul.f32 $8.000000000e+00, v33  }
0x1c4: {  	v52 =	vld [tilespmem:s0+$0x12710];
	v4 =	vmul.f32 $8.000000000e+00, v34;
	[tilespmem:s0+$0x1A490] =	vst v3  }
0x1c5: {  	v53 =	vld [tilespmem:s0+$0x12720];
	v6 =	vmul.f32 $8.000000000e+00, v35;
	[tilespmem:s0+$0x1A4A0] =	vst v5  }
0x1c6: {  	v54 =	vld [tilespmem:s0+$0x12730];
	v0 =	vmul.f32 $8.000000000e+00, v36;
	[tilespmem:s0+$0x1A4B0] =	vst v4  }
0x1c7: {  	v55 =	vld [tilespmem:s0+$0x12780];
	v1 =	vmul.f32 $8.000000000e+00, v37;
	[tilespmem:s0+$0x1A500] =	vst v6  }
0x1c8: {  	v56 =	vld [tilespmem:s0+$0x12790];
	v2 =	vmul.f32 $8.000000000e+00, v38;
	[tilespmem:s0+$0x1A510] =	vst v0  }
0x1c9: {  	v58 =	vld [tilespmem:s0+$0x127A0];
	v57 =	vmul.f32 $8.000000000e+00, v52;
	[tilespmem:s0+$0x1A520] =	vst v1  }
0x1ca: {  	v39 =	vld [tilespmem:s0+$0x12580];
	v59 =	vmul.f32 $8.000000000e+00, v53;
	[tilespmem:s0+$0x1A530] =	vst v2  }
0x1cb: {  	v40 =	vld [tilespmem:s0+$0x12590];
	v60 =	vmul.f32 $8.000000000e+00, v54;
	[tilespmem:s0+$0x1A710] =	vst v57  }
0x1cc: {  	v41 =	vld [tilespmem:s0+$0x125A0];
	v61 =	vmul.f32 $8.000000000e+00, v55;
	[tilespmem:s0+$0x1A720] =	vst v59  }
0x1cd: {  	v42 =	vld [tilespmem:s0+$0x125B0];
	v62 =	vmul.f32 $8.000000000e+00, v56;
	[tilespmem:s0+$0x1A730] =	vst v60  }
0x1ce: {  	v43 =	vld [tilespmem:s0+$0x12600];
	v63 =	vmul.f32 $8.000000000e+00, v58;
	[tilespmem:s0+$0x1A780] =	vst v61  }
0x1cf: {  	v44 =	vld [tilespmem:s0+$0x12610];
	v3 =	vmul.f32 $8.000000000e+00, v39;
	[tilespmem:s0+$0x1A790] =	vst v62  }
0x1d0: {  	v45 =	vld [tilespmem:s0+$0x12620];
	v5 =	vmul.f32 $8.000000000e+00, v40;
	[tilespmem:s0+$0x1A7A0] =	vst v63  }
0x1d1: {  	v46 =	vld [tilespmem:s0+$0x12630];
	v4 =	vmul.f32 $8.000000000e+00, v41;
	[tilespmem:s0+$0x1A580] =	vst v3  }
0x1d2: {  	v47 =	vld [tilespmem:s0+$0x12680];
	v6 =	vmul.f32 $8.000000000e+00, v42;
	[tilespmem:s0+$0x1A590] =	vst v5  }
0x1d3: {  	v48 =	vld [tilespmem:s0+$0x12690];
	v0 =	vmul.f32 $8.000000000e+00, v43;
	[tilespmem:s0+$0x1A5A0] =	vst v4  }
0x1d4: {  	v49 =	vld [tilespmem:s0+$0x126A0];
	v1 =	vmul.f32 $8.000000000e+00, v44;
	[tilespmem:s0+$0x1A5B0] =	vst v6  }
0x1d5: {  	v50 =	vld [tilespmem:s0+$0x126B0];
	v2 =	vmul.f32 $8.000000000e+00, v45;
	[tilespmem:s0+$0x1A600] =	vst v0  }
0x1d6: {  	v51 =	vld [tilespmem:s0+$0x12700];
	v3 =	vmul.f32 $8.000000000e+00, v46;
	[tilespmem:s0+$0x1A610] =	vst v1  }
0x1d7: {  	[tilespmem:s0+$0x1A620] =	vst v2;
	v5 =	vmul.f32 $8.000000000e+00, v47  }
0x1d8: {  	v4 =	vmul.f32 $8.000000000e+00, v48;
	[tilespmem:s0+$0x1A630] =	vst v3  }
0x1d9: {  	v6 =	vmul.f32 $8.000000000e+00, v49;
	[tilespmem:s0+$0x1A680] =	vst v5  }
0x1da: {  	v0 =	vmul.f32 $8.000000000e+00, v50;
	[tilespmem:s0+$0x1A690] =	vst v4  }
0x1db: {  	v1 =	vmul.f32 $8.000000000e+00, v51;
	[tilespmem:s0+$0x1A6A0] =	vst v6  }
0x1dc: {  	s13 =	simm.s32 @!p0 $0x12400;
	[tilespmem:s0+$0x1A6B0] =	vst v0  }
0x1dd: {  	s29 =	sadd.s32 $0x1, s29;
	s1 =	simm.s32 @!p0 $0x80;
	[tilespmem:s0+$0x1A700] =	vst v1;
	s0 =	sadd.s32 @!p0 $0x380, s30  }
0x1de: {  	[tilespmem:s13], [sflag:$0x4] =	stream.indirect.gather @!p0 [hbm4b:s3+s1], $0x80, s0, s1, $0xb8;
	[tilespmem:$0x1E400] =	vst v63  }
0x1df: {  	p0 =	sne.s32 s29, $0x32  }
.Ltmp4:
0x1e0: {  	_ = 	snop;
	(pc) =	sbr.rel @p0 .LBB2_2-.Ltmp4, $4  }
0x1e1: {  	s31 =	sadd.s32 s31, s9  }
0x1e2: {  	s0 =	sshll.u32 s31, $0x4  }
0x1e3: {  	s0 =	sadd.s32 s4, s0  }
0x1e4: {  	[hbm4b:s0+s2] =	stream.linear.scatter [tilespmem:s22], [sflag:$0x6], $0x4000, $0x38;
	[tilespmem:$0x1E400] =	vst v63  }
0x1e5: {  	s28 =	sadd.s32 $0x1, s28  }
0x1e6: {  	_ =	swait.ge [sflag:s24], $0x4000;
	p0 =	sne.s32 s28, s10  }
.Ltmp5:
0x1e7: {  	[sflag:s24] =	ssyncset.done $0x0;
	(pc) =	sbr.rel @p0 .LBB2_1-.Ltmp5, $4  }
0x1e8: {  	[sflag:s24] =	ssyncadd.s32 $0xFFFFC000  }
0x1e9: {  	_ =	swait.ge [sflag:s26], $0x4000  }
0x1ea: {  	[sflag:s26] =	ssyncset.done $0x0  }
0x1eb: {  	[sflag:s26] =	ssyncadd.s32 $0xFFFFC000  }
0x1ec: {  	_ =	sfence.sel $0x180000  }
0x1ed: {  	[bflag:$0x0] =	sbarrier.arrive $0xFFFF  }
0x1ee: {  	_ =	strace $0x90000047  }
0x1ef: {  	s0 =	stileid.u32;
	[bflag:$0x2] =	sbarrier.arrive $0xFFFF  }
0x1f0: {  	p0 =	sne.s32 s0, $0x0;
	s0 =	rddreg [dreg:$0x2]  }
0x1f1: {  	s0 =	sadd.s32 @!p0 $0x100000, s0  }
0x1f2: {  	[sflag:s0] =	ssyncadd.tile.s32 @!p0 $0x1;
	_ =	shalt  }
.Lfunc_end2:
_tile_overlayer_lowered:
.L_overlay_start_2:
0x1f3: {  	(tag) =	ssettag $0x2  }
0x1f4: {  	s0 =	rddreg [dreg:$0x0];
	s2 =	stileid.u32  }
0x1f5: {  	s1 =	rddreg [dreg:$0x1];
	p0 =	sne.s32 s2, $0x0  }
0x1f6: {  	s3 =	rddreg [dreg:$0x2];
	[bflag:$0x3] =	sbarrier.arrive $0xFFFF;
	s2 =	simm.s32 @!p0 $0x1C07  }
0x1f7: {  	[timem:s3], [sflag:s2] =	dma.local @!p0 [hbm:s0], s1  }
0x1f8: {  	s0 =	simm.s32 @!p0 $0x7  }
0x1f9: {  	_ =	swait.ge @!p0 [sflag:s0], s1  }
0x1fa: {  	s1 =	ssub.s32 @!p0 $0x0, s1;
	[sflag:s0] =	ssyncset.done @!p0 $0x0  }
0x1fb: {  	[sflag:s0] =	ssyncadd.s32 @!p0 s1  }
0x1fc: {  	[bflag:$0x3] =	sbarrier.arrive $0xFFFF  }
0x1fd: {  	_ =	shalt  }

// kernel: sparse-core-data-format-call.cloned.1.call-start
scs
called_computation_lowered:
.L_overlay_start_0:
0x0: {  	s2 =	sld [smem:$0x3FD9]  }
0x1: {  	s3 =	sld [smem:$0x3FFE];
	_ =	sdelay $0x1  }
0x2: {  	s1 =	srdreg.scid  }
0x3: {  	s0 =	sand.u32 $0x1, s1  }
0x4: {  	s18 =	sshll.u32 s0, $0xA;
	s2 =	sadd.s32 s3, s2  }
0x5: {  	s2 =	sadd.s32 s2, s18  }
0x6: {  	[smem:$0x3FC6] =	sst s2  }
0x7: {  	_ = 	snop  }
0x8: {  	s2 =	sld [smem:$0x3FD0];
	(tm) =	ssettm $0x1  }
0x9: {  	s19 =	sld [smem:$0x3FFB];
	_ =	sdelay $0x3  }
0xa: {  	_ =	strace s19  }
0xb: {  	s3 =	sld [smem:$0x3FFC];
	_ =	sdelay $0x3  }
0xc: {  	_ =	strace s3  }
0xd: {  	s3 =	sld [smem:$0x3FFD];
	_ =	sdelay $0x3  }
0xe: {  	_ =	strace s3  }
0xf: {  	_ =	strace $0x8FFFFFFF  }
0x10: {  	s20 =	sld [smem:$0x3FDB];
	_ =	sdelay $0x1  }
0x11: {  	s4 =	simm.s32 $_scs_section_size  }
0x12: {  	s5 =	simm.s32 $_size__tile_overlayer_lowered;
	s6 =	simm.s32 $_tile_overlayer_lowered  }
0x13: {  	s23 =	simm.s32 $0x1BFF;
	s22 =	sshll.u32 s6, $0x1;
	s3 =	sadd.s32 s4, s20  }
0x14: {  	s7 =	simm.s32 $0x0;
	s21 =	sshll.u32 s5, $0x1;
	s5 =	sadd.s32 s22, s3  }
0x15: {  	[timem:s7], [sflag:s23] =	dma.local [hbm:s5], s21  }
0x16: {  	_ =	swait.ge [sflag:s23], s21  }
0x17: {  	s4 =	ssub.s32 $0x0, s21;
	[sflag:s23] =	ssyncset.done $0x0  }
0x18: {  	[sflag:s23] =	ssyncadd.s32 s4;
	_ =	sdelay $0x1  }
0x19: {  	s24 =	simm.s32 $0x1B8B  }
0x1a: {  	_ =	swait.ge [sflag:s24], $0x1  }
0x1b: {  	[sflag:s24] =	ssyncset.done $0x0  }
0x1c: {  	s26 =	simm.s32 $0x1B8E;
	s25 =	sld [smem:$0x3FFE];
	[sflag:s24] =	ssyncadd.s32 $0xFFFFFFFF  }
0x1d: {  	s27 =	simm.s32 $execute0_lowered;
	[smem:$0x3FD2] =	sst s26  }
0x1e: {  	s5 =	sshll.u32 s27, $0x1;
	_ =	strace $0x80000049;
	[dreg:$0x1] =	wrdreg $0xFFFFFFFF  }
0x1f: {  	s28 =	simm.s32 $_size_execute0_lowered;
	s3 =	sadd.s32 s3, s5;
	[dreg:$0x0] =	wrdreg $0x0  }
0x20: {  	s5 =	sshll.u32 s28, $0x1;
	[dreg:$0x2] =	wrdreg s3  }
0x21: {  	[dreg:$0x3] =	wrdreg s5  }
0x22: {  	[dreg:$0x4] =	wrdreg $0xC0  }
0x23: {  	_ =	task [dreg:s7], $0x5FFFF  }
0x24: {  	[dreg:$0x1] =	wrdreg $0xFFFFFFFF  }
0x25: {  	[dreg:$0x0] =	wrdreg $0x60  }
0x26: {  	[dreg:$0x2] =	wrdreg s25  }
0x27: {  	[dreg:$0x3] =	wrdreg s2  }
0x28: {  	[dreg:$0x4] =	wrdreg $0x9  }
0x29: {  	_ =	task.clear_ibuf [dreg:s7], $0x5FFFF;
	_ =	strace $0x90000049  }
0x2a: {  	s29 =	simm.s32 $0x9;
	_ =	strace $0x8000004B  }
0x2b: {  	_ =	swait.ge [sflag:s29], $0x1  }
0x2c: {  	[sflag:s29] =	ssyncadd.s32 $0xFFFFFFFF  }
0x2d: {  	_ =	strace $0x9000004B  }
0x2e: {  	_ =	sfence  }
0x2f: {  	s30 =	sld [smem:$0x0];
	_ =	sdelay $0x2  }
0x30: {  	s31 =	sshll.u32 s1, $0xD;
	s1 =	sshrl.u32 s1, $0x2  }
0x31: {  	s3 =	sand.u32 $0x4000, s31;
	s1 =	sadd.s32 s1, s30  }
0x32: {  	s0 =	sor.u32 s3, s0;
	s1 =	sshll.u32 s1, $0x11  }
0x33: {  	s0 =	sor.u32 s1, s0  }
0x34: {  	s0 =	sadd.s32 $0x8F2B, s0  }
0x35: {  	[sflag:s0] =	ssyncadd.remote.s32 $0x1  }
0x36: {  	_ =	sfence.sel $0xFFFF  }
0x37: {  	[dreg:$0x0] =	wrdreg $0xFFFFFFFF;
	(pc) =	sbr.abs _section_cstart, $3  }
0x38: {  	[dreg:$0x1] =	wrdreg $0xFFFFFFFF  }
0x39: {  	_ =	task.clear_ibuf [dreg:s7], $0x2FFFF;
	_ =	strace $0x9FFFFFFF  }
0x3a: {  	(tm) =	ssettm $0x7FFFFFFF  }
0x3b: {  	_ =	shalt  }
tec
execute0_lowered:
.L_overlay_start_1:
0x0: {  	(tag) =	ssettag $0x1  }
0x1: {  	s0 =	srdreg.scid  }
0x2: {  	s1 =	sshll.u32 s0, $0x4  }
0x3: {  	s0 =	stileid.u32;
	s1 =	sand.u32 $0x10, s1  }
0x4: {  	s1 =	sor.u32 s0, s1  }
0x5: {  	s6 =	rddreg [dreg:$0x0];
	s4 =	simm.s32 $0x1;
	s2 =	sshll.u32 s1, $0x7  }
0x6: {  	s7 =	simm.s32 $0x2;
	s12 =	simm.s32 $0x0;
	s1 =	ssub.s32 $0x1000, s2  }
0x7: {  	s8 =	simm.s32 $0x8000;
	s13 =	simm.s32 $0x0;
	s3 =	sand.u32 $0xF80, s1  }
0x8: {  	s9 =	simm.s32 $0x0;
	s5 =	sshrl.u32 s1, $0xC;
	p0 =	sne.s32 s3, $0x0  }
.Ltmp0:
0x9: {  	s1 =	rddreg [dreg:$0x2];
	s4 =	simm.s32 @!p0 $0x0;
	(pc) =	sbr.rel .LBB1_1-.Ltmp0, $4  }
0xa: {  	s11 =	simm.s32 $0x0;
	s3 =	rddreg [dreg:$0x1];
	s5 =	sadd.s32 s4, s5  }
0xb: {  	_ =	strace $0x8000004A;
	s4 =	simm.s32 $0x1;
	s5 =	smul.u32 $0xC8, s5  }
0xc: {  	s6 =	sadd.s32 $0xA00, s6;
	s10 =	smov.u32 s2;
	[sflag:s4] =	ssyncpa.u1 $0x0  }
0xd: {  	p0 =	por $0x0, $0x0;
	[sflag:s7] =	ssyncpa.u1 $0x0;
	s7 =	sor.u32 $0x1, s5  }
.LBB1_4:
0xe: {  	s16 =	sshll.u32 s13, $0x3;
	s17 =	sand.u32 $0x78, s13  }
0xf: {  	s30 =	sand.u32 $0x7E00, s13;
	s12 =	sshll.u32 s12, $0xF;
	s16 =	sand.u32 $0xC00, s16  }
0x10: {  	[tilespmem:s15+$0x810 ss:$0x81] =	vst.msk $0xffff, v2;
	s31 =	sand.u32 $0x7, s13;
	s16 =	sor.u32 s17, s16;
	s17 =	sadd.s32 s3, s30  }
0x11: {  	[tilespmem:s15+$0x1020 ss:$0x81] =	vst.msk $0xffff, v0;
	s13 =	sshll.u32 s31, $0x12;
	s12 =	sadd.s32 s12, s17;
	s16 =	sshrl.u32 s16, $0x3  }
0x12: {  	[tilespmem:s15+$0x0 ss:$0x81] =	vst.msk $0xffff, v1;
	s13 =	sor.u32 $0x400, s13;
	s12 =	sadd.s32 s16, s12  }
0x13: {  	[hbm4b:s12+s13] =	stream.strided.scatter [tilespmem:s14], [sflag:$0x2], $0x2000, s8, s13, $0x20;
	[tilespmem:$0x8080] =	vst v63  }
.LBB1_5:
0x14: {  	s14 =	sadd.s32 $0x1, s9  }
0x15: {  	s12 =	sadd.s32 $0x1000, s10;
	s16 =	smov.u32 s10;
	p2 =	sgt.s32 s14, $0xC7  }
0x16: {  	s16 =	smov.u32 @p2 s12  }
0x17: {  	s14 =	simm.s32 @p2 $0x0;
	p2 =	sgt.s32 s16, $0xFFF  }
0x18: {  	s16 =	smov.u32 @p2 s2;
	p2 =	sne.s32 s11, s7  }
.Ltmp1:
0x19: {  	p1 =	slt.u32 s11, $0x2;
	(pc) =	sbr.rel @!p2 .LBB1_6-.Ltmp1, $4  }
0x1a: {  	s15 =	simm.s32 @!p1 $0x2  }
0x1b: {  	s13 =	smov.u32 s10;
	p0 =	por !p0, !p0;
	_ =	swait.ge @!p1 [sflag:s15], $0x2000  }
0x1c: {  	s12 =	smov.u32 s9;
	[sflag:s15] =	ssyncset.done @!p1 $0x0;
	s9 =	smov.u32 s14  }
0x1d: {  	s11 =	sadd.s32 $0x1, s11;
	[sflag:s15] =	ssyncadd.s32 @!p1 $0xFFFFE000;
	s10 =	smov.u32 s16  }
.LBB1_1:
0x1e: {  	p1 =	sge.u32 s11, s5  }
0x1f: {  	s14 =	sand.u32 @!p1 $0x1FFFFFF, s9  }
0x20: {  	s15 =	smulhi.u32 @!p1 $0x147AE15, s14;
	_ =	sdelay $0x1  }
0x21: {  	s15 =	smul.u32 @!p1 $0xC8, s15  }
0x22: {  	s16 =	sxor.u32 @!p1 $0xFFFFFFFF, s11;
	s17 =	smul.u32 @!p1 $0xC80, s10  }
0x23: {  	s31 =	sadd.s32 $0xFFFFFFFF, s11;
	s16 =	sshll.u32 @!p1 s16, $0xD;
	s14 =	ssub.s32 @!p1 s14, s15  }
0x24: {  	s15 =	sand.u32 @!p1 $0x2000, s16;
	s16 =	sadd.s32 @!p1 s6, s17;
	s14 =	sshll.u32 @!p1 s14, $0x4  }
0x25: {  	s17 =	simm.s32 @!p1 $0x6400;
	s14 =	sadd.s32 @!p1 s14, s16;
	s16 =	simm.s32 @!p1 $0x40  }
0x26: {  	[tilespmem:s15], [sflag:$0x1] =	stream.strided.gather @!p1 [hbm4b:s14+s16], $0x2000, s17, s16, $0x38;
	[tilespmem:$0x8080] =	vst v63  }
0x27: {  	p1 =	sge.u32 s31, s5  }
.Ltmp2:
0x28: {  	_ = 	snop;
	(pc) =	sbr.rel @p1 .LBB1_5-.Ltmp2, $1  }
0x29: {  	_ =	sdelay $0x3  }
0x2a: {  	s14 =	simm.s32 $0x1  }
0x2b: {  	_ =	swait.ge [sflag:s4], $0x2000;
	s14 =	simm.s32 @!p0 $0x0  }
0x2c: {  	[sflag:s4] =	ssyncset.done $0x0;
	s15 =	sshll.u32 s14, $0xD  }
0x2d: {  	[sflag:s4] =	ssyncadd.s32 $0xFFFFE000;
	s18 =	sor.u32 $0x20, s15  }
0x2e: {  	s14 =	smul.u32 $0x8100, s14;
	v3 =	vld [tilespmem:s18+$0x10]  }
0x2f: {  	s30 =	sand.u32 $0x1, s11;
	v2 =	vld [tilespmem:s18+$0xFFFFFFF0]  }
0x30: {  	s15 =	smul.u32 $0x8100, s30;
	s14 =	sshrl.u32 s14, $0x2;
	v0 =	vld [tilespmem:s18+$0x0]  }
0x31: {  	v1 =	vld [tilespmem:s18+$0xFFFFFFE0];
	s16 =	sor.u32 $0x4000, s14  }
0x32: {  	s31 =	sshrl.u32 s15, $0x2;
	s15 =	sadd.s32 $0x0, s16  }
0x33: {  	s17 =	simm.s32 $0x4;
	s18 =	sadd.s32 $0x40, s18;
	s14 =	sor.u32 $0x4000, s31;
	[tilespmem:s15+$0x1830 ss:$0x81] =	vst.msk $0xffff, v3  }
.LBB1_3:
0x34: {  	v3 =	vld [tilespmem:s18+$0x10];
	p1 =	sne.s32 s17, $0x1FC;
	[tilespmem:s15+$0x810 ss:$0x81] =	vst.msk $0xffff, v2;
	s19 =	smov.u32 s17;
	s17 =	sadd.s32 $0x4, s17  }
.Ltmp3:
0x35: {  	v2 =	vld [tilespmem:s18+$0xFFFFFFF0];
	[tilespmem:s15+$0x1020 ss:$0x81] =	vst.msk $0xffff, v0;
	(pc) =	sbr.rel @p1 .LBB1_3-.Ltmp3, $4  }
0x36: {  	v0 =	vld [tilespmem:s18+$0x0];
	[tilespmem:s15+$0x0 ss:$0x81] =	vst.msk $0xffff, v1  }
0x37: {  	s15 =	sshra.s32 s19, $0x2;
	v1 =	vld [tilespmem:s18+$0xFFFFFFE0]  }
0x38: {  	s15 =	sadd.s32 s15, s16  }
0x39: {  	s18 =	sadd.s32 $0x40, s18;
	[tilespmem:s15+$0x1830 ss:$0x81] =	vst.msk $0xffff, v3  }
.Ltmp4:
0x3a: {  	_ = 	snop;
	(pc) =	sbr.rel .LBB1_4-.Ltmp4, $1  }
0x3b: {  	_ =	sdelay $0x3  }
.LBB1_6:
0x3c: {  	_ =	sfence.sel $0x180000  }
0x3d: {  	s2 =	simm.s32 $0x1;
	[bflag:$0x0] =	sbarrier.arrive $0xFFFF  }
0x3e: {  	s31 =	simm.s32 $0x2;
	[sflag:s2] =	ssyncpa.u1 $0x1  }
0x3f: {  	[sflag:s31] =	ssyncpa.u1 $0x1  }
0x40: {  	p0 =	sne.s32 s0, $0x0;
	_ =	strace $0x9000004A  }
0x41: {  	s0 =	sadd.s32 @!p0 $0x100000, s1;
	[bflag:$0x2] =	sbarrier.arrive $0xFFFF  }
0x42: {  	[sflag:s0] =	ssyncadd.tile.s32 @!p0 $0x1;
	_ =	shalt  }
.Lfunc_end1:
_tile_overlayer_lowered:
.L_overlay_start_2:
0x43: {  	(tag) =	ssettag $0x2  }
0x44: {  	s0 =	rddreg [dreg:$0x0];
	s2 =	stileid.u32  }
0x45: {  	s1 =	rddreg [dreg:$0x1];
	p0 =	sne.s32 s2, $0x0  }
0x46: {  	s3 =	rddreg [dreg:$0x2];
	[bflag:$0x3] =	sbarrier.arrive $0xFFFF;
	s2 =	simm.s32 @!p0 $0x1C01  }
0x47: {  	[timem:s3], [sflag:s2] =	dma.local @!p0 [hbm:s0], s1  }
0x48: {  	s0 =	simm.s32 @!p0 $0x1  }
0x49: {  	_ =	swait.ge @!p0 [sflag:s0], s1  }
0x4a: {  	s1 =	ssub.s32 @!p0 $0x0, s1;
	[sflag:s0] =	ssyncset.done @!p0 $0x0  }
0x4b: {  	[sflag:s0] =	ssyncadd.s32 @!p0 s1  }
0x4c: {  	[bflag:$0x3] =	sbarrier.arrive $0xFFFF  }
0x4d: {  	_ =	shalt  }

</sc_bundles>
